<compile_context>
chip_gen: v7x
topology: tpu7x:2x2x1
jax: 0.10.2.dev20260603
libtpu: 0.0.44.dev20260713+nightly
codegen_flags: <defaults>
</compile_context>

<pallas_src>
import functools

import jax
import jax.numpy as jnp
from jax import lax
from jax.experimental import pallas as pl
from jax.experimental.pallas import tpu as pltpu
from jax.experimental.pallas import tpu_sc as plsc

VOCAB = 100000
EMBED = 128
BATCH = 4096
SEQ = 200

NC = 2
NS = 16
NW = NC * NS

TOTAL = BATCH * SEQ
B_PER_W = TOTAL // NW
CH = 128
N_CH = B_PER_W // CH
NBUF = 6
GA = 2

MAIN_END = NBUF + ((N_CH - 2 * NBUF) // NBUF) * NBUF


def _sc_gather(x_resh, table):
    mesh = plsc.VectorSubcoreMesh(core_axis_name="c", subcore_axis_name="s")

    @functools.partial(
        pl.kernel,
        mesh=mesh,
        out_type=jax.ShapeDtypeStruct((NW, N_CH, CH, EMBED), jnp.float32),
        scratch_types=[
            pltpu.VMEM((N_CH, CH), jnp.int32),
            pltpu.VMEM((NBUF, CH, EMBED), jnp.float32),
            pltpu.SemaphoreType.DMA((NBUF,)),
            pltpu.SemaphoreType.DMA((NBUF,)),
        ],
    )
    def k(idx_hbm, table_hbm, out_hbm, idx_v, rows_v, sem_g, sem_o):
        wid = lax.axis_index("s") * NC + lax.axis_index("c")
        pltpu.sync_copy(idx_hbm.at[wid], idx_v)

        def fire_gather(chunk, b):
            pltpu.async_copy(table_hbm.at[idx_v.at[chunk]], rows_v.at[b],
                             sem_g.at[b])

        def fire_out(chunk, b):
            pltpu.async_copy(rows_v.at[b], out_hbm.at[wid, chunk],
                             sem_o.at[b])

        def drain(sem, b):
            pltpu.make_async_copy(out_hbm.at[wid, 0], rows_v.at[b],
                                  sem.at[b]).wait()

        def step_chunk(c, b, fire_ahead, drain_ahead):
            bf = (b + GA) % NBUF
            if drain_ahead:
                drain(sem_o, bf)
            if fire_ahead:
                fire_gather(c + GA, bf)
            drain(sem_g, b)
            fire_out(c, b)

        for c in range(GA):
            fire_gather(c, c)
        for c in range(NBUF):
            step_chunk(c, c, fire_ahead=True, drain_ahead=(c >= NBUF - GA))

        @pl.loop(NBUF, MAIN_END, step=NBUF)
        def _main(t):
            for b in range(NBUF):
                step_chunk(t + b, b, fire_ahead=True, drain_ahead=True)

        for c in range(MAIN_END, N_CH):
            step_chunk(c, c % NBUF, fire_ahead=(c + GA < N_CH),
                       drain_ahead=True)
        for c in range(N_CH - GA, N_CH):
            drain(sem_o, c % NBUF)

    return k(x_resh, table)


@jax.jit
def kernel(x, table):
    x_resh = x.reshape(NW, N_CH, CH)
    out = _sc_gather(x_resh, table)
    return out.reshape(BATCH, SEQ, EMBED)

# --- scband reference (transcript-rebuilt; emitter-appended) ---
"""Pipeline reference for scband-token-embedding-3813930959359 (READ-ONLY COPY).

The authoritative reference and input builder live on the scoring server;
editing this copy changes nothing except your own understanding.
"""

import jax, jax.numpy as jnp
import numpy as np

VOCAB = 100000
EMBED = 128
BATCH = 4096
SEQ = 200


def setup_inputs(seed: int = 0) -> dict:
    key = jax.random.key(seed)
    k1, k2 = jax.random.split(key)
    x = jax.random.randint(k1, (BATCH, SEQ), 0, VOCAB, dtype=jnp.int32)
    # Learned embedding table (in the original module this is loaded from fv.npy;
    # here we materialize a random table of the same shape). padding_idx=0 row
    # is conventionally zero.
    table = jax.random.normal(k2, (VOCAB, EMBED), dtype=jnp.float32) * 0.02
    table = table.at[0].set(0.0)
    return {"x": x, "table": table}


def reference(x, table):
    # nn.Embedding forward: simple row gather from the table.
    return jnp.take(table, x, axis=0)

if __name__ == "__main__":
    import jax
    _d = setup_inputs()
    print(jax.jit(kernel)(*tuple(_d.values())))

</pallas_src>

<mosaic_0001>
#map = affine_map<(d0, d1) -> (0, 0, 0)>
#map1 = affine_map<(d0, d1) -> (0, 0)>
#map2 = affine_map<(d0, d1) -> (0, 0, 0, 0)>
module attributes {stable_mosaic.version = 14 : i64} {
  func.func @k(%arg0: i32, %arg1: i32, %arg2: memref<32x200x128xi32, #tpu.memory_space<hbm>>, %arg3: memref<100000x128xf32, #tpu.memory_space<hbm>>, %arg4: memref<32x200x128x128xf32, #tpu.memory_space<hbm>>, %arg5: memref<200x128xi32, #tpu.memory_space<vmem>>, %arg6: memref<6x128x128xf32, #tpu.memory_space<vmem>>, %arg7: memref<6x!tpu.dma_semaphore, #tpu.memory_space<semaphore_mem>>, %arg8: memref<6x!tpu.dma_semaphore, #tpu.memory_space<semaphore_mem>>) attributes {dimension_semantics = [#tpu.dimension_semantics<core_parallel>, #tpu.dimension_semantics<subcore_parallel>], iteration_bounds = array<i64: 2, 16>, scalar_prefetch = 0 : i64, scratch_operands = 4 : i64, tpu.core_type = #tpu.core_type<sc_vector_subcore>, window_params = [{transform_indices = #map}, {transform_indices = #map1}, {transform_indices = #map2}]} {
    %mul3A = arith.constant 2 : i32
    %mul3A_0 = arith.muli %arg1, %mul3A : i32
    %add3A = arith.addi %mul3A_0, %arg0 : i32
    "tpu.region"() ({
      %run_scoped3A = tpu.sem_alloc : memref<!tpu.dma_semaphore, #tpu.memory_space<semaphore_mem>>
      %dma_start3A_1053 = arith.constant 0 : i32
      %dma_start3A_1054 = arith.constant 0 : i32
      %dma_start3A_1055 = tpu.memref_slice %arg2[%add3A, %dma_start3A_1053, %dma_start3A_1054] : memref<32x200x128xi32, #tpu.memory_space<hbm>> -> memref<1x200x128xi32, #tpu.memory_space<hbm>>
      %dma_start3A_1056 = tpu.memref_squeeze %dma_start3A_1055 : memref<1x200x128xi32, #tpu.memory_space<hbm>> -> memref<200x128xi32, #tpu.memory_space<hbm>>
      %dma_start3A_1057 = arith.constant 0 : i32
      %dma_start3A_1058 = arith.constant 0 : i32
      %dma_start3A_1059 = tpu.memref_slice %arg2[%add3A, %dma_start3A_1057, %dma_start3A_1058] : memref<32x200x128xi32, #tpu.memory_space<hbm>> -> memref<1x200x128xi32, #tpu.memory_space<hbm>>
      %dma_start3A_1060 = tpu.memref_squeeze %dma_start3A_1059 : memref<1x200x128xi32, #tpu.memory_space<hbm>> -> memref<200x128xi32, #tpu.memory_space<hbm>>
      tpu.enqueue_dma source(%dma_start3A_1060 : memref<200x128xi32, #tpu.memory_space<hbm>>) target(%arg5 : memref<200x128xi32, #tpu.memory_space<vmem>>) target_semaphore(%run_scoped3A : memref<!tpu.dma_semaphore, #tpu.memory_space<semaphore_mem>>)
      %dma_wait3A_1061 = arith.constant 0 : i32
      %dma_wait3A_1062 = arith.constant 0 : i32
      %dma_wait3A_1063 = tpu.memref_slice %arg2[%add3A, %dma_wait3A_1061, %dma_wait3A_1062] : memref<32x200x128xi32, #tpu.memory_space<hbm>> -> memref<1x200x128xi32, #tpu.memory_space<hbm>>
      %dma_wait3A_1064 = tpu.memref_squeeze %dma_wait3A_1063 : memref<1x200x128xi32, #tpu.memory_space<hbm>> -> memref<200x128xi32, #tpu.memory_space<hbm>>
      %dma_wait3A_1065 = arith.constant 0 : i32
      %dma_wait3A_1066 = arith.constant 0 : i32
      %dma_wait3A_1067 = tpu.memref_slice %arg2[%add3A, %dma_wait3A_1065, %dma_wait3A_1066] : memref<32x200x128xi32, #tpu.memory_space<hbm>> -> memref<1x200x128xi32, #tpu.memory_space<hbm>>
      %dma_wait3A_1068 = tpu.memref_squeeze %dma_wait3A_1067 : memref<1x200x128xi32, #tpu.memory_space<hbm>> -> memref<200x128xi32, #tpu.memory_space<hbm>>
      tpu.wait_dma2 semaphore(%run_scoped3A : memref<!tpu.dma_semaphore, #tpu.memory_space<semaphore_mem>>) src(%dma_wait3A_1068 : memref<200x128xi32, #tpu.memory_space<hbm>>) dst(%arg5 : memref<200x128xi32, #tpu.memory_space<vmem>>)
      tpu.yield
    }) : () -> ()
    %dma_start3A = arith.constant 0 : i32
    %dma_start3A_1 = arith.constant 0 : i32
    %dma_start3A_2 = arith.constant 0 : i32
    %dma_start3A_3 = arith.constant 0 : i32
    %dma_start3A_4 = arith.constant 0 : i32
    %dma_start3A_5 = tpu.memref_slice %arg6[%dma_start3A_1, %dma_start3A_3, %dma_start3A_4] : memref<6x128x128xf32, #tpu.memory_space<vmem>> -> memref<1x128x128xf32, #tpu.memory_space<vmem>>
    %dma_start3A_6 = tpu.memref_squeeze %dma_start3A_5 : memref<1x128x128xf32, #tpu.memory_space<vmem>> -> memref<128x128xf32, #tpu.memory_space<vmem>>
    %dma_start3A_7 = arith.constant 0 : i32
    %dma_start3A_8 = tpu.memref_slice %arg5[%dma_start3A, %dma_start3A_7] : memref<200x128xi32, #tpu.memory_space<vmem>> -> memref<1x128xi32, #tpu.memory_space<vmem>>
    %dma_start3A_9 = tpu.memref_squeeze %dma_start3A_8 : memref<1x128xi32, #tpu.memory_space<vmem>> -> memref<128xi32, #tpu.memory_space<vmem>>
    %dma_start3A_10 = arith.constant 0 : i32
    %dma_start3A_11 = arith.constant 0 : i32
    %dma_start3A_12 = tpu.memref_slice %arg3[%dma_start3A_10, %dma_start3A_11] : memref<100000x128xf32, #tpu.memory_space<hbm>> -> memref<100000x128xf32, #tpu.memory_space<hbm>>
    %dma_start3A_13 = tpu.memref_slice %arg7[%dma_start3A_2] : memref<6x!tpu.dma_semaphore, #tpu.memory_space<semaphore_mem>> -> memref<1x!tpu.dma_semaphore, #tpu.memory_space<semaphore_mem>>
    %dma_start3A_14 = tpu.memref_squeeze %dma_start3A_13 : memref<1x!tpu.dma_semaphore, #tpu.memory_space<semaphore_mem>> -> memref<!tpu.dma_semaphore, #tpu.memory_space<semaphore_mem>>
    tpu.enqueue_indirect_dma source(%dma_start3A_12 : memref<100000x128xf32, #tpu.memory_space<hbm>>) target(%dma_start3A_6 : memref<128x128xf32, #tpu.memory_space<vmem>>) offsets(%dma_start3A_9 : memref<128xi32, #tpu.memory_space<vmem>>) semaphore(%dma_start3A_14 : memref<!tpu.dma_semaphore, #tpu.memory_space<semaphore_mem>>)
    %dma_start3A_15 = arith.constant 1 : i32
    %dma_start3A_16 = arith.constant 1 : i32
    %dma_start3A_17 = arith.constant 1 : i32
    %dma_start3A_18 = arith.constant 0 : i32
    %dma_start3A_19 = arith.constant 0 : i32
    %dma_start3A_20 = tpu.memref_slice %arg6[%dma_start3A_16, %dma_start3A_18, %dma_start3A_19] : memref<6x128x128xf32, #tpu.memory_space<vmem>> -> memref<1x128x128xf32, #tpu.memory_space<vmem>>
    %dma_start3A_21 = tpu.memref_squeeze %dma_start3A_20 : memref<1x128x128xf32, #tpu.memory_space<vmem>> -> memref<128x128xf32, #tpu.memory_space<vmem>>
    %dma_start3A_22 = arith.constant 0 : i32
    %dma_start3A_23 = tpu.memref_slice %arg5[%dma_start3A_15, %dma_start3A_22] : memref<200x128xi32, #tpu.memory_space<vmem>> -> memref<1x128xi32, #tpu.memory_space<vmem>>
    %dma_start3A_24 = tpu.memref_squeeze %dma_start3A_23 : memref<1x128xi32, #tpu.memory_space<vmem>> -> memref<128xi32, #tpu.memory_space<vmem>>
    %dma_start3A_25 = arith.constant 0 : i32
    %dma_start3A_26 = arith.constant 0 : i32
    %dma_start3A_27 = tpu.memref_slice %arg3[%dma_start3A_25, %dma_start3A_26] : memref<100000x128xf32, #tpu.memory_space<hbm>> -> memref<100000x128xf32, #tpu.memory_space<hbm>>
    %dma_start3A_28 = tpu.memref_slice %arg7[%dma_start3A_17] : memref<6x!tpu.dma_semaphore, #tpu.memory_space<semaphore_mem>> -> memref<1x!tpu.dma_semaphore, #tpu.memory_space<semaphore_mem>>
    %dma_start3A_29 = tpu.memref_squeeze %dma_start3A_28 : memref<1x!tpu.dma_semaphore, #tpu.memory_space<semaphore_mem>> -> memref<!tpu.dma_semaphore, #tpu.memory_space<semaphore_mem>>
    tpu.enqueue_indirect_dma source(%dma_start3A_27 : memref<100000x128xf32, #tpu.memory_space<hbm>>) target(%dma_start3A_21 : memref<128x128xf32, #tpu.memory_space<vmem>>) offsets(%dma_start3A_24 : memref<128xi32, #tpu.memory_space<vmem>>) semaphore(%dma_start3A_29 : memref<!tpu.dma_semaphore, #tpu.memory_space<semaphore_mem>>)
    %dma_start3A_30 = arith.constant 2 : i32
    %dma_start3A_31 = arith.constant 2 : i32
    %dma_start3A_32 = arith.constant 2 : i32
    %dma_start3A_33 = arith.constant 0 : i32
    %dma_start3A_34 = arith.constant 0 : i32
    %dma_start3A_35 = tpu.memref_slice %arg6[%dma_start3A_31, %dma_start3A_33, %dma_start3A_34] : memref<6x128x128xf32, #tpu.memory_space<vmem>> -> memref<1x128x128xf32, #tpu.memory_space<vmem>>
    %dma_start3A_36 = tpu.memref_squeeze %dma_start3A_35 : memref<1x128x128xf32, #tpu.memory_space<vmem>> -> memref<128x128xf32, #tpu.memory_space<vmem>>
    %dma_start3A_37 = arith.constant 0 : i32
    %dma_start3A_38 = tpu.memref_slice %arg5[%dma_start3A_30, %dma_start3A_37] : memref<200x128xi32, #tpu.memory_space<vmem>> -> memref<1x128xi32, #tpu.memory_space<vmem>>
    %dma_start3A_39 = tpu.memref_squeeze %dma_start3A_38 : memref<1x128xi32, #tpu.memory_space<vmem>> -> memref<128xi32, #tpu.memory_space<vmem>>
    %dma_start3A_40 = arith.constant 0 : i32
    %dma_start3A_41 = arith.constant 0 : i32
    %dma_start3A_42 = tpu.memref_slice %arg3[%dma_start3A_40, %dma_start3A_41] : memref<100000x128xf32, #tpu.memory_space<hbm>> -> memref<100000x128xf32, #tpu.memory_space<hbm>>
    %dma_start3A_43 = tpu.memref_slice %arg7[%dma_start3A_32] : memref<6x!tpu.dma_semaphore, #tpu.memory_space<semaphore_mem>> -> memref<1x!tpu.dma_semaphore, #tpu.memory_space<semaphore_mem>>
    %dma_start3A_44 = tpu.memref_squeeze %dma_start3A_43 : memref<1x!tpu.dma_semaphore, #tpu.memory_space<semaphore_mem>> -> memref<!tpu.dma_semaphore, #tpu.memory_space<semaphore_mem>>
    tpu.enqueue_indirect_dma source(%dma_start3A_42 : memref<100000x128xf32, #tpu.memory_space<hbm>>) target(%dma_start3A_36 : memref<128x128xf32, #tpu.memory_space<vmem>>) offsets(%dma_start3A_39 : memref<128xi32, #tpu.memory_space<vmem>>) semaphore(%dma_start3A_44 : memref<!tpu.dma_semaphore, #tpu.memory_space<semaphore_mem>>)
    %dma_wait3A = arith.constant 0 : i32
    %dma_wait3A_45 = arith.constant 0 : i32
    %dma_wait3A_46 = arith.constant 0 : i32
    %dma_wait3A_47 = arith.constant 0 : i32
    %dma_wait3A_48 = arith.constant 0 : i32
    %dma_wait3A_49 = tpu.memref_slice %arg6[%dma_wait3A_45, %dma_wait3A_47, %dma_wait3A_48] : memref<6x128x128xf32, #tpu.memory_space<vmem>> -> memref<1x128x128xf32, #tpu.memory_space<vmem>>
    %dma_wait3A_50 = tpu.memref_squeeze %dma_wait3A_49 : memref<1x128x128xf32, #tpu.memory_space<vmem>> -> memref<128x128xf32, #tpu.memory_space<vmem>>
    %dma_wait3A_51 = arith.constant 0 : i32
    %dma_wait3A_52 = arith.constant 0 : i32
    %dma_wait3A_53 = tpu.memref_slice %arg4[%add3A, %dma_wait3A, %dma_wait3A_51, %dma_wait3A_52] : memref<32x200x128x128xf32, #tpu.memory_space<hbm>> -> memref<1x1x128x128xf32, #tpu.memory_space<hbm>>
    %dma_wait3A_54 = tpu.memref_squeeze %dma_wait3A_53 : memref<1x1x128x128xf32, #tpu.memory_space<hbm>> -> memref<128x128xf32, #tpu.memory_space<hbm>>
    %dma_wait3A_55 = tpu.memref_slice %arg7[%dma_wait3A_46] : memref<6x!tpu.dma_semaphore, #tpu.memory_space<semaphore_mem>> -> memref<1x!tpu.dma_semaphore, #tpu.memory_space<semaphore_mem>>
    %dma_wait3A_56 = tpu.memref_squeeze %dma_wait3A_55 : memref<1x!tpu.dma_semaphore, #tpu.memory_space<semaphore_mem>> -> memref<!tpu.dma_semaphore, #tpu.memory_space<semaphore_mem>>
    %dma_wait3A_57 = arith.constant 0 : i32
    %dma_wait3A_58 = arith.constant 0 : i32
    %dma_wait3A_59 = tpu.memref_slice %arg6[%dma_wait3A_45, %dma_wait3A_57, %dma_wait3A_58] : memref<6x128x128xf32, #tpu.memory_space<vmem>> -> memref<1x128x128xf32, #tpu.memory_space<vmem>>
    %dma_wait3A_60 = tpu.memref_squeeze %dma_wait3A_59 : memref<1x128x128xf32, #tpu.memory_space<vmem>> -> memref<128x128xf32, #tpu.memory_space<vmem>>
    %dma_wait3A_61 = arith.constant 0 : i32
    %dma_wait3A_62 = arith.constant 0 : i32
    %dma_wait3A_63 = tpu.memref_slice %arg4[%add3A, %dma_wait3A, %dma_wait3A_61, %dma_wait3A_62] : memref<32x200x128x128xf32, #tpu.memory_space<hbm>> -> memref<1x1x128x128xf32, #tpu.memory_space<hbm>>
    %dma_wait3A_64 = tpu.memref_squeeze %dma_wait3A_63 : memref<1x1x128x128xf32, #tpu.memory_space<hbm>> -> memref<128x128xf32, #tpu.memory_space<hbm>>
    tpu.wait_dma2 semaphore(%dma_wait3A_56 : memref<!tpu.dma_semaphore, #tpu.memory_space<semaphore_mem>>) src(%dma_wait3A_64 : memref<128x128xf32, #tpu.memory_space<hbm>>) dst(%dma_wait3A_60 : memref<128x128xf32, #tpu.memory_space<vmem>>)
    %dma_start3A_65 = arith.constant 0 : i32
    %dma_start3A_66 = arith.constant 0 : i32
    %dma_start3A_67 = arith.constant 0 : i32
    %dma_start3A_68 = arith.constant 0 : i32
    %dma_start3A_69 = arith.constant 0 : i32
    %dma_start3A_70 = tpu.memref_slice %arg6[%dma_start3A_65, %dma_start3A_68, %dma_start3A_69] : memref<6x128x128xf32, #tpu.memory_space<vmem>> -> memref<1x128x128xf32, #tpu.memory_space<vmem>>
    %dma_start3A_71 = tpu.memref_squeeze %dma_start3A_70 : memref<1x128x128xf32, #tpu.memory_space<vmem>> -> memref<128x128xf32, #tpu.memory_space<vmem>>
    %dma_start3A_72 = arith.constant 0 : i32
    %dma_start3A_73 = arith.constant 0 : i32
    %dma_start3A_74 = tpu.memref_slice %arg4[%add3A, %dma_start3A_66, %dma_start3A_72, %dma_start3A_73] : memref<32x200x128x128xf32, #tpu.memory_space<hbm>> -> memref<1x1x128x128xf32, #tpu.memory_space<hbm>>
    %dma_start3A_75 = tpu.memref_squeeze %dma_start3A_74 : memref<1x1x128x128xf32, #tpu.memory_space<hbm>> -> memref<128x128xf32, #tpu.memory_space<hbm>>
    %dma_start3A_76 = tpu.memref_slice %arg8[%dma_start3A_67] : memref<6x!tpu.dma_semaphore, #tpu.memory_space<semaphore_mem>> -> memref<1x!tpu.dma_semaphore, #tpu.memory_space<semaphore_mem>>
    %dma_start3A_77 = tpu.memref_squeeze %dma_start3A_76 : memref<1x!tpu.dma_semaphore, #tpu.memory_space<semaphore_mem>> -> memref<!tpu.dma_semaphore, #tpu.memory_space<semaphore_mem>>
    %dma_start3A_78 = arith.constant 0 : i32
    %dma_start3A_79 = arith.constant 0 : i32
    %dma_start3A_80 = tpu.memref_slice %arg4[%add3A, %dma_start3A_66, %dma_start3A_78, %dma_start3A_79] : memref<32x200x128x128xf32, #tpu.memory_space<hbm>> -> memref<1x1x128x128xf32, #tpu.memory_space<hbm>>
    %dma_start3A_81 = tpu.memref_squeeze %dma_start3A_80 : memref<1x1x128x128xf32, #tpu.memory_space<hbm>> -> memref<128x128xf32, #tpu.memory_space<hbm>>
    %dma_start3A_82 = arith.constant 0 : i32
    %dma_start3A_83 = arith.constant 0 : i32
    %dma_start3A_84 = tpu.memref_slice %arg6[%dma_start3A_65, %dma_start3A_82, %dma_start3A_83] : memref<6x128x128xf32, #tpu.memory_space<vmem>> -> memref<1x128x128xf32, #tpu.memory_space<vmem>>
    %dma_start3A_85 = tpu.memref_squeeze %dma_start3A_84 : memref<1x128x128xf32, #tpu.memory_space<vmem>> -> memref<128x128xf32, #tpu.memory_space<vmem>>
    tpu.enqueue_dma source(%dma_start3A_85 : memref<128x128xf32, #tpu.memory_space<vmem>>) target(%dma_start3A_81 : memref<128x128xf32, #tpu.memory_space<hbm>>) target_semaphore(%dma_start3A_77 : memref<!tpu.dma_semaphore, #tpu.memory_space<semaphore_mem>>)
    %dma_start3A_86 = arith.constant 3 : i32
    %dma_start3A_87 = arith.constant 3 : i32
    %dma_start3A_88 = arith.constant 3 : i32
    %dma_start3A_89 = arith.constant 0 : i32
    %dma_start3A_90 = arith.constant 0 : i32
    %dma_start3A_91 = tpu.memref_slice %arg6[%dma_start3A_87, %dma_start3A_89, %dma_start3A_90] : memref<6x128x128xf32, #tpu.memory_space<vmem>> -> memref<1x128x128xf32, #tpu.memory_space<vmem>>
    %dma_start3A_92 = tpu.memref_squeeze %dma_start3A_91 : memref<1x128x128xf32, #tpu.memory_space<vmem>> -> memref<128x128xf32, #tpu.memory_space<vmem>>
    %dma_start3A_93 = arith.constant 0 : i32
    %dma_start3A_94 = tpu.memref_slice %arg5[%dma_start3A_86, %dma_start3A_93] : memref<200x128xi32, #tpu.memory_space<vmem>> -> memref<1x128xi32, #tpu.memory_space<vmem>>
    %dma_start3A_95 = tpu.memref_squeeze %dma_start3A_94 : memref<1x128xi32, #tpu.memory_space<vmem>> -> memref<128xi32, #tpu.memory_space<vmem>>
    %dma_start3A_96 = arith.constant 0 : i32
    %dma_start3A_97 = arith.constant 0 : i32
    %dma_start3A_98 = tpu.memref_slice %arg3[%dma_start3A_96, %dma_start3A_97] : memref<100000x128xf32, #tpu.memory_space<hbm>> -> memref<100000x128xf32, #tpu.memory_space<hbm>>
    %dma_start3A_99 = tpu.memref_slice %arg7[%dma_start3A_88] : memref<6x!tpu.dma_semaphore, #tpu.memory_space<semaphore_mem>> -> memref<1x!tpu.dma_semaphore, #tpu.memory_space<semaphore_mem>>
    %dma_start3A_100 = tpu.memref_squeeze %dma_start3A_99 : memref<1x!tpu.dma_semaphore, #tpu.memory_space<semaphore_mem>> -> memref<!tpu.dma_semaphore, #tpu.memory_space<semaphore_mem>>
    tpu.enqueue_indirect_dma source(%dma_start3A_98 : memref<100000x128xf32, #tpu.memory_space<hbm>>) target(%dma_start3A_92 : memref<128x128xf32, #tpu.memory_space<vmem>>) offsets(%dma_start3A_95 : memref<128xi32, #tpu.memory_space<vmem>>) semaphore(%dma_start3A_100 : memref<!tpu.dma_semaphore, #tpu.memory_space<semaphore_mem>>)
    %dma_wait3A_101 = arith.constant 0 : i32
    %dma_wait3A_102 = arith.constant 1 : i32
    %dma_wait3A_103 = arith.constant 1 : i32
    %dma_wait3A_104 = arith.constant 0 : i32
    %dma_wait3A_105 = arith.constant 0 : i32
    %dma_wait3A_106 = tpu.memref_slice %arg6[%dma_wait3A_102, %dma_wait3A_104, %dma_wait3A_105] : memref<6x128x128xf32, #tpu.memory_space<vmem>> -> memref<1x128x128xf32, #tpu.memory_space<vmem>>
    %dma_wait3A_107 = tpu.memref_squeeze %dma_wait3A_106 : memref<1x128x128xf32, #tpu.memory_space<vmem>> -> memref<128x128xf32, #tpu.memory_space<vmem>>
    %dma_wait3A_108 = arith.constant 0 : i32
    %dma_wait3A_109 = arith.constant 0 : i32
    %dma_wait3A_110 = tpu.memref_slice %arg4[%add3A, %dma_wait3A_101, %dma_wait3A_108, %dma_wait3A_109] : memref<32x200x128x128xf32, #tpu.memory_space<hbm>> -> memref<1x1x128x128xf32, #tpu.memory_space<hbm>>
    %dma_wait3A_111 = tpu.memref_squeeze %dma_wait3A_110 : memref<1x1x128x128xf32, #tpu.memory_space<hbm>> -> memref<128x128xf32, #tpu.memory_space<hbm>>
    %dma_wait3A_112 = tpu.memref_slice %arg7[%dma_wait3A_103] : memref<6x!tpu.dma_semaphore, #tpu.memory_space<semaphore_mem>> -> memref<1x!tpu.dma_semaphore, #tpu.memory_space<semaphore_mem>>
    %dma_wait3A_113 = tpu.memref_squeeze %dma_wait3A_112 : memref<1x!tpu.dma_semaphore, #tpu.memory_space<semaphore_mem>> -> memref<!tpu.dma_semaphore, #tpu.memory_space<semaphore_mem>>
    %dma_wait3A_114 = arith.constant 0 : i32
    %dma_wait3A_115 = arith.constant 0 : i32
    %dma_wait3A_116 = tpu.memref_slice %arg6[%dma_wait3A_102, %dma_wait3A_114, %dma_wait3A_115] : memref<6x128x128xf32, #tpu.memory_space<vmem>> -> memref<1x128x128xf32, #tpu.memory_space<vmem>>
    %dma_wait3A_117 = tpu.memref_squeeze %dma_wait3A_116 : memref<1x128x128xf32, #tpu.memory_space<vmem>> -> memref<128x128xf32, #tpu.memory_space<vmem>>
    %dma_wait3A_118 = arith.constant 0 : i32
    %dma_wait3A_119 = arith.constant 0 : i32
    %dma_wait3A_120 = tpu.memref_slice %arg4[%add3A, %dma_wait3A_101, %dma_wait3A_118, %dma_wait3A_119] : memref<32x200x128x128xf32, #tpu.memory_space<hbm>> -> memref<1x1x128x128xf32, #tpu.memory_space<hbm>>
    %dma_wait3A_121 = tpu.memref_squeeze %dma_wait3A_120 : memref<1x1x128x128xf32, #tpu.memory_space<hbm>> -> memref<128x128xf32, #tpu.memory_space<hbm>>
    tpu.wait_dma2 semaphore(%dma_wait3A_113 : memref<!tpu.dma_semaphore, #tpu.memory_space<semaphore_mem>>) src(%dma_wait3A_121 : memref<128x128xf32, #tpu.memory_space<hbm>>) dst(%dma_wait3A_117 : memref<128x128xf32, #tpu.memory_space<vmem>>)
    %dma_start3A_122 = arith.constant 1 : i32
    %dma_start3A_123 = arith.constant 1 : i32
    %dma_start3A_124 = arith.constant 1 : i32
    %dma_start3A_125 = arith.constant 0 : i32
    %dma_start3A_126 = arith.constant 0 : i32
    %dma_start3A_127 = tpu.memref_slice %arg6[%dma_start3A_122, %dma_start3A_125, %dma_start3A_126] : memref<6x128x128xf32, #tpu.memory_space<vmem>> -> memref<1x128x128xf32, #tpu.memory_space<vmem>>
    %dma_start3A_128 = tpu.memref_squeeze %dma_start3A_127 : memref<1x128x128xf32, #tpu.memory_space<vmem>> -> memref<128x128xf32, #tpu.memory_space<vmem>>
    %dma_start3A_129 = arith.constant 0 : i32
    %dma_start3A_130 = arith.constant 0 : i32
    %dma_start3A_131 = tpu.memref_slice %arg4[%add3A, %dma_start3A_123, %dma_start3A_129, %dma_start3A_130] : memref<32x200x128x128xf32, #tpu.memory_space<hbm>> -> memref<1x1x128x128xf32, #tpu.memory_space<hbm>>
    %dma_start3A_132 = tpu.memref_squeeze %dma_start3A_131 : memref<1x1x128x128xf32, #tpu.memory_space<hbm>> -> memref<128x128xf32, #tpu.memory_space<hbm>>
    %dma_start3A_133 = tpu.memref_slice %arg8[%dma_start3A_124] : memref<6x!tpu.dma_semaphore, #tpu.memory_space<semaphore_mem>> -> memref<1x!tpu.dma_semaphore, #tpu.memory_space<semaphore_mem>>
    %dma_start3A_134 = tpu.memref_squeeze %dma_start3A_133 : memref<1x!tpu.dma_semaphore, #tpu.memory_space<semaphore_mem>> -> memref<!tpu.dma_semaphore, #tpu.memory_space<semaphore_mem>>
    %dma_start3A_135 = arith.constant 0 : i32
    %dma_start3A_136 = arith.constant 0 : i32
    %dma_start3A_137 = tpu.memref_slice %arg4[%add3A, %dma_start3A_123, %dma_start3A_135, %dma_start3A_136] : memref<32x200x128x128xf32, #tpu.memory_space<hbm>> -> memref<1x1x128x128xf32, #tpu.memory_space<hbm>>
    %dma_start3A_138 = tpu.memref_squeeze %dma_start3A_137 : memref<1x1x128x128xf32, #tpu.memory_space<hbm>> -> memref<128x128xf32, #tpu.memory_space<hbm>>
    %dma_start3A_139 = arith.constant 0 : i32
    %dma_start3A_140 = arith.constant 0 : i32
    %dma_start3A_141 = tpu.memref_slice %arg6[%dma_start3A_122, %dma_start3A_139, %dma_start3A_140] : memref<6x128x128xf32, #tpu.memory_space<vmem>> -> memref<1x128x128xf32, #tpu.memory_space<vmem>>
    %dma_start3A_142 = tpu.memref_squeeze %dma_start3A_141 : memref<1x128x128xf32, #tpu.memory_space<vmem>> -> memref<128x128xf32, #tpu.memory_space<vmem>>
    tpu.enqueue_dma source(%dma_start3A_142 : memref<128x128xf32, #tpu.memory_space<vmem>>) target(%dma_start3A_138 : memref<128x128xf32, #tpu.memory_space<hbm>>) target_semaphore(%dma_start3A_134 : memref<!tpu.dma_semaphore, #tpu.memory_space<semaphore_mem>>)
    %dma_start3A_143 = arith.constant 4 : i32
    %dma_start3A_144 = arith.constant 4 : i32
    %dma_start3A_145 = arith.constant 4 : i32
    %dma_start3A_146 = arith.constant 0 : i32
    %dma_start3A_147 = arith.constant 0 : i32
    %dma_start3A_148 = tpu.memref_slice %arg6[%dma_start3A_144, %dma_start3A_146, %dma_start3A_147] : memref<6x128x128xf32, #tpu.memory_space<vmem>> -> memref<1x128x128xf32, #tpu.memory_space<vmem>>
    %dma_start3A_149 = tpu.memref_squeeze %dma_start3A_148 : memref<1x128x128xf32, #tpu.memory_space<vmem>> -> memref<128x128xf32, #tpu.memory_space<vmem>>
    %dma_start3A_150 = arith.constant 0 : i32
    %dma_start3A_151 = tpu.memref_slice %arg5[%dma_start3A_143, %dma_start3A_150] : memref<200x128xi32, #tpu.memory_space<vmem>> -> memref<1x128xi32, #tpu.memory_space<vmem>>
    %dma_start3A_152 = tpu.memref_squeeze %dma_start3A_151 : memref<1x128xi32, #tpu.memory_space<vmem>> -> memref<128xi32, #tpu.memory_space<vmem>>
    %dma_start3A_153 = arith.constant 0 : i32
    %dma_start3A_154 = arith.constant 0 : i32
    %dma_start3A_155 = tpu.memref_slice %arg3[%dma_start3A_153, %dma_start3A_154] : memref<100000x128xf32, #tpu.memory_space<hbm>> -> memref<100000x128xf32, #tpu.memory_space<hbm>>
    %dma_start3A_156 = tpu.memref_slice %arg7[%dma_start3A_145] : memref<6x!tpu.dma_semaphore, #tpu.memory_space<semaphore_mem>> -> memref<1x!tpu.dma_semaphore, #tpu.memory_space<semaphore_mem>>
    %dma_start3A_157 = tpu.memref_squeeze %dma_start3A_156 : memref<1x!tpu.dma_semaphore, #tpu.memory_space<semaphore_mem>> -> memref<!tpu.dma_semaphore, #tpu.memory_space<semaphore_mem>>
    tpu.enqueue_indirect_dma source(%dma_start3A_155 : memref<100000x128xf32, #tpu.memory_space<hbm>>) target(%dma_start3A_149 : memref<128x128xf32, #tpu.memory_space<vmem>>) offsets(%dma_start3A_152 : memref<128xi32, #tpu.memory_space<vmem>>) semaphore(%dma_start3A_157 : memref<!tpu.dma_semaphore, #tpu.memory_space<semaphore_mem>>)
    %dma_wait3A_158 = arith.constant 0 : i32
    %dma_wait3A_159 = arith.constant 2 : i32
    %dma_wait3A_160 = arith.constant 2 : i32
    %dma_wait3A_161 = arith.constant 0 : i32
    %dma_wait3A_162 = arith.constant 0 : i32
    %dma_wait3A_163 = tpu.memref_slice %arg6[%dma_wait3A_159, %dma_wait3A_161, %dma_wait3A_162] : memref<6x128x128xf32, #tpu.memory_space<vmem>> -> memref<1x128x128xf32, #tpu.memory_space<vmem>>
    %dma_wait3A_164 = tpu.memref_squeeze %dma_wait3A_163 : memref<1x128x128xf32, #tpu.memory_space<vmem>> -> memref<128x128xf32, #tpu.memory_space<vmem>>
    %dma_wait3A_165 = arith.constant 0 : i32
    %dma_wait3A_166 = arith.constant 0 : i32
    %dma_wait3A_167 = tpu.memref_slice %arg4[%add3A, %dma_wait3A_158, %dma_wait3A_165, %dma_wait3A_166] : memref<32x200x128x128xf32, #tpu.memory_space<hbm>> -> memref<1x1x128x128xf32, #tpu.memory_space<hbm>>
    %dma_wait3A_168 = tpu.memref_squeeze %dma_wait3A_167 : memref<1x1x128x128xf32, #tpu.memory_space<hbm>> -> memref<128x128xf32, #tpu.memory_space<hbm>>
    %dma_wait3A_169 = tpu.memref_slice %arg7[%dma_wait3A_160] : memref<6x!tpu.dma_semaphore, #tpu.memory_space<semaphore_mem>> -> memref<1x!tpu.dma_semaphore, #tpu.memory_space<semaphore_mem>>
    %dma_wait3A_170 = tpu.memref_squeeze %dma_wait3A_169 : memref<1x!tpu.dma_semaphore, #tpu.memory_space<semaphore_mem>> -> memref<!tpu.dma_semaphore, #tpu.memory_space<semaphore_mem>>
    %dma_wait3A_171 = arith.constant 0 : i32
    %dma_wait3A_172 = arith.constant 0 : i32
    %dma_wait3A_173 = tpu.memref_slice %arg6[%dma_wait3A_159, %dma_wait3A_171, %dma_wait3A_172] : memref<6x128x128xf32, #tpu.memory_space<vmem>> -> memref<1x128x128xf32, #tpu.memory_space<vmem>>
    %dma_wait3A_174 = tpu.memref_squeeze %dma_wait3A_173 : memref<1x128x128xf32, #tpu.memory_space<vmem>> -> memref<128x128xf32, #tpu.memory_space<vmem>>
    %dma_wait3A_175 = arith.constant 0 : i32
    %dma_wait3A_176 = arith.constant 0 : i32
    %dma_wait3A_177 = tpu.memref_slice %arg4[%add3A, %dma_wait3A_158, %dma_wait3A_175, %dma_wait3A_176] : memref<32x200x128x128xf32, #tpu.memory_space<hbm>> -> memref<1x1x128x128xf32, #tpu.memory_space<hbm>>
    %dma_wait3A_178 = tpu.memref_squeeze %dma_wait3A_177 : memref<1x1x128x128xf32, #tpu.memory_space<hbm>> -> memref<128x128xf32, #tpu.memory_space<hbm>>
    tpu.wait_dma2 semaphore(%dma_wait3A_170 : memref<!tpu.dma_semaphore, #tpu.memory_space<semaphore_mem>>) src(%dma_wait3A_178 : memref<128x128xf32, #tpu.memory_space<hbm>>) dst(%dma_wait3A_174 : memref<128x128xf32, #tpu.memory_space<vmem>>)
    %dma_start3A_179 = arith.constant 2 : i32
    %dma_start3A_180 = arith.constant 2 : i32
    %dma_start3A_181 = arith.constant 2 : i32
    %dma_start3A_182 = arith.constant 0 : i32
    %dma_start3A_183 = arith.constant 0 : i32
    %dma_start3A_184 = tpu.memref_slice %arg6[%dma_start3A_179, %dma_start3A_182, %dma_start3A_183] : memref<6x128x128xf32, #tpu.memory_space<vmem>> -> memref<1x128x128xf32, #tpu.memory_space<vmem>>
    %dma_start3A_185 = tpu.memref_squeeze %dma_start3A_184 : memref<1x128x128xf32, #tpu.memory_space<vmem>> -> memref<128x128xf32, #tpu.memory_space<vmem>>
    %dma_start3A_186 = arith.constant 0 : i32
    %dma_start3A_187 = arith.constant 0 : i32
    %dma_start3A_188 = tpu.memref_slice %arg4[%add3A, %dma_start3A_180, %dma_start3A_186, %dma_start3A_187] : memref<32x200x128x128xf32, #tpu.memory_space<hbm>> -> memref<1x1x128x128xf32, #tpu.memory_space<hbm>>
    %dma_start3A_189 = tpu.memref_squeeze %dma_start3A_188 : memref<1x1x128x128xf32, #tpu.memory_space<hbm>> -> memref<128x128xf32, #tpu.memory_space<hbm>>
    %dma_start3A_190 = tpu.memref_slice %arg8[%dma_start3A_181] : memref<6x!tpu.dma_semaphore, #tpu.memory_space<semaphore_mem>> -> memref<1x!tpu.dma_semaphore, #tpu.memory_space<semaphore_mem>>
    %dma_start3A_191 = tpu.memref_squeeze %dma_start3A_190 : memref<1x!tpu.dma_semaphore, #tpu.memory_space<semaphore_mem>> -> memref<!tpu.dma_semaphore, #tpu.memory_space<semaphore_mem>>
    %dma_start3A_192 = arith.constant 0 : i32
    %dma_start3A_193 = arith.constant 0 : i32
    %dma_start3A_194 = tpu.memref_slice %arg4[%add3A, %dma_start3A_180, %dma_start3A_192, %dma_start3A_193] : memref<32x200x128x128xf32, #tpu.memory_space<hbm>> -> memref<1x1x128x128xf32, #tpu.memory_space<hbm>>
    %dma_start3A_195 = tpu.memref_squeeze %dma_start3A_194 : memref<1x1x128x128xf32, #tpu.memory_space<hbm>> -> memref<128x128xf32, #tpu.memory_space<hbm>>
    %dma_start3A_196 = arith.constant 0 : i32
    %dma_start3A_197 = arith.constant 0 : i32
    %dma_start3A_198 = tpu.memref_slice %arg6[%dma_start3A_179, %dma_start3A_196, %dma_start3A_197] : memref<6x128x128xf32, #tpu.memory_space<vmem>> -> memref<1x128x128xf32, #tpu.memory_space<vmem>>
    %dma_start3A_199 = tpu.memref_squeeze %dma_start3A_198 : memref<1x128x128xf32, #tpu.memory_space<vmem>> -> memref<128x128xf32, #tpu.memory_space<vmem>>
    tpu.enqueue_dma source(%dma_start3A_199 : memref<128x128xf32, #tpu.memory_space<vmem>>) target(%dma_start3A_195 : memref<128x128xf32, #tpu.memory_space<hbm>>) target_semaphore(%dma_start3A_191 : memref<!tpu.dma_semaphore, #tpu.memory_space<semaphore_mem>>)
    %dma_start3A_200 = arith.constant 5 : i32
    %dma_start3A_201 = arith.constant 5 : i32
    %dma_start3A_202 = arith.constant 5 : i32
    %dma_start3A_203 = arith.constant 0 : i32
    %dma_start3A_204 = arith.constant 0 : i32
    %dma_start3A_205 = tpu.memref_slice %arg6[%dma_start3A_201, %dma_start3A_203, %dma_start3A_204] : memref<6x128x128xf32, #tpu.memory_space<vmem>> -> memref<1x128x128xf32, #tpu.memory_space<vmem>>
    %dma_start3A_206 = tpu.memref_squeeze %dma_start3A_205 : memref<1x128x128xf32, #tpu.memory_space<vmem>> -> memref<128x128xf32, #tpu.memory_space<vmem>>
    %dma_start3A_207 = arith.constant 0 : i32
    %dma_start3A_208 = tpu.memref_slice %arg5[%dma_start3A_200, %dma_start3A_207] : memref<200x128xi32, #tpu.memory_space<vmem>> -> memref<1x128xi32, #tpu.memory_space<vmem>>
    %dma_start3A_209 = tpu.memref_squeeze %dma_start3A_208 : memref<1x128xi32, #tpu.memory_space<vmem>> -> memref<128xi32, #tpu.memory_space<vmem>>
    %dma_start3A_210 = arith.constant 0 : i32
    %dma_start3A_211 = arith.constant 0 : i32
    %dma_start3A_212 = tpu.memref_slice %arg3[%dma_start3A_210, %dma_start3A_211] : memref<100000x128xf32, #tpu.memory_space<hbm>> -> memref<100000x128xf32, #tpu.memory_space<hbm>>
    %dma_start3A_213 = tpu.memref_slice %arg7[%dma_start3A_202] : memref<6x!tpu.dma_semaphore, #tpu.memory_space<semaphore_mem>> -> memref<1x!tpu.dma_semaphore, #tpu.memory_space<semaphore_mem>>
    %dma_start3A_214 = tpu.memref_squeeze %dma_start3A_213 : memref<1x!tpu.dma_semaphore, #tpu.memory_space<semaphore_mem>> -> memref<!tpu.dma_semaphore, #tpu.memory_space<semaphore_mem>>
    tpu.enqueue_indirect_dma source(%dma_start3A_212 : memref<100000x128xf32, #tpu.memory_space<hbm>>) target(%dma_start3A_206 : memref<128x128xf32, #tpu.memory_space<vmem>>) offsets(%dma_start3A_209 : memref<128xi32, #tpu.memory_space<vmem>>) semaphore(%dma_start3A_214 : memref<!tpu.dma_semaphore, #tpu.memory_space<semaphore_mem>>)
    %dma_wait3A_215 = arith.constant 0 : i32
    %dma_wait3A_216 = arith.constant 3 : i32
    %dma_wait3A_217 = arith.constant 3 : i32
    %dma_wait3A_218 = arith.constant 0 : i32
    %dma_wait3A_219 = arith.constant 0 : i32
    %dma_wait3A_220 = tpu.memref_slice %arg6[%dma_wait3A_216, %dma_wait3A_218, %dma_wait3A_219] : memref<6x128x128xf32, #tpu.memory_space<vmem>> -> memref<1x128x128xf32, #tpu.memory_space<vmem>>
    %dma_wait3A_221 = tpu.memref_squeeze %dma_wait3A_220 : memref<1x128x128xf32, #tpu.memory_space<vmem>> -> memref<128x128xf32, #tpu.memory_space<vmem>>
    %dma_wait3A_222 = arith.constant 0 : i32
    %dma_wait3A_223 = arith.constant 0 : i32
    %dma_wait3A_224 = tpu.memref_slice %arg4[%add3A, %dma_wait3A_215, %dma_wait3A_222, %dma_wait3A_223] : memref<32x200x128x128xf32, #tpu.memory_space<hbm>> -> memref<1x1x128x128xf32, #tpu.memory_space<hbm>>
    %dma_wait3A_225 = tpu.memref_squeeze %dma_wait3A_224 : memref<1x1x128x128xf32, #tpu.memory_space<hbm>> -> memref<128x128xf32, #tpu.memory_space<hbm>>
    %dma_wait3A_226 = tpu.memref_slice %arg7[%dma_wait3A_217] : memref<6x!tpu.dma_semaphore, #tpu.memory_space<semaphore_mem>> -> memref<1x!tpu.dma_semaphore, #tpu.memory_space<semaphore_mem>>
    %dma_wait3A_227 = tpu.memref_squeeze %dma_wait3A_226 : memref<1x!tpu.dma_semaphore, #tpu.memory_space<semaphore_mem>> -> memref<!tpu.dma_semaphore, #tpu.memory_space<semaphore_mem>>
    %dma_wait3A_228 = arith.constant 0 : i32
    %dma_wait3A_229 = arith.constant 0 : i32
    %dma_wait3A_230 = tpu.memref_slice %arg6[%dma_wait3A_216, %dma_wait3A_228, %dma_wait3A_229] : memref<6x128x128xf32, #tpu.memory_space<vmem>> -> memref<1x128x128xf32, #tpu.memory_space<vmem>>
    %dma_wait3A_231 = tpu.memref_squeeze %dma_wait3A_230 : memref<1x128x128xf32, #tpu.memory_space<vmem>> -> memref<128x128xf32, #tpu.memory_space<vmem>>
    %dma_wait3A_232 = arith.constant 0 : i32
    %dma_wait3A_233 = arith.constant 0 : i32
    %dma_wait3A_234 = tpu.memref_slice %arg4[%add3A, %dma_wait3A_215, %dma_wait3A_232, %dma_wait3A_233] : memref<32x200x128x128xf32, #tpu.memory_space<hbm>> -> memref<1x1x128x128xf32, #tpu.memory_space<hbm>>
    %dma_wait3A_235 = tpu.memref_squeeze %dma_wait3A_234 : memref<1x1x128x128xf32, #tpu.memory_space<hbm>> -> memref<128x128xf32, #tpu.memory_space<hbm>>
    tpu.wait_dma2 semaphore(%dma_wait3A_227 : memref<!tpu.dma_semaphore, #tpu.memory_space<semaphore_mem>>) src(%dma_wait3A_235 : memref<128x128xf32, #tpu.memory_space<hbm>>) dst(%dma_wait3A_231 : memref<128x128xf32, #tpu.memory_space<vmem>>)
    %dma_start3A_236 = arith.constant 3 : i32
    %dma_start3A_237 = arith.constant 3 : i32
    %dma_start3A_238 = arith.constant 3 : i32
    %dma_start3A_239 = arith.constant 0 : i32
    %dma_start3A_240 = arith.constant 0 : i32
    %dma_start3A_241 = tpu.memref_slice %arg6[%dma_start3A_236, %dma_start3A_239, %dma_start3A_240] : memref<6x128x128xf32, #tpu.memory_space<vmem>> -> memref<1x128x128xf32, #tpu.memory_space<vmem>>
    %dma_start3A_242 = tpu.memref_squeeze %dma_start3A_241 : memref<1x128x128xf32, #tpu.memory_space<vmem>> -> memref<128x128xf32, #tpu.memory_space<vmem>>
    %dma_start3A_243 = arith.constant 0 : i32
    %dma_start3A_244 = arith.constant 0 : i32
    %dma_start3A_245 = tpu.memref_slice %arg4[%add3A, %dma_start3A_237, %dma_start3A_243, %dma_start3A_244] : memref<32x200x128x128xf32, #tpu.memory_space<hbm>> -> memref<1x1x128x128xf32, #tpu.memory_space<hbm>>
    %dma_start3A_246 = tpu.memref_squeeze %dma_start3A_245 : memref<1x1x128x128xf32, #tpu.memory_space<hbm>> -> memref<128x128xf32, #tpu.memory_space<hbm>>
    %dma_start3A_247 = tpu.memref_slice %arg8[%dma_start3A_238] : memref<6x!tpu.dma_semaphore, #tpu.memory_space<semaphore_mem>> -> memref<1x!tpu.dma_semaphore, #tpu.memory_space<semaphore_mem>>
    %dma_start3A_248 = tpu.memref_squeeze %dma_start3A_247 : memref<1x!tpu.dma_semaphore, #tpu.memory_space<semaphore_mem>> -> memref<!tpu.dma_semaphore, #tpu.memory_space<semaphore_mem>>
    %dma_start3A_249 = arith.constant 0 : i32
    %dma_start3A_250 = arith.constant 0 : i32
    %dma_start3A_251 = tpu.memref_slice %arg4[%add3A, %dma_start3A_237, %dma_start3A_249, %dma_start3A_250] : memref<32x200x128x128xf32, #tpu.memory_space<hbm>> -> memref<1x1x128x128xf32, #tpu.memory_space<hbm>>
    %dma_start3A_252 = tpu.memref_squeeze %dma_start3A_251 : memref<1x1x128x128xf32, #tpu.memory_space<hbm>> -> memref<128x128xf32, #tpu.memory_space<hbm>>
    %dma_start3A_253 = arith.constant 0 : i32
    %dma_start3A_254 = arith.constant 0 : i32
    %dma_start3A_255 = tpu.memref_slice %arg6[%dma_start3A_236, %dma_start3A_253, %dma_start3A_254] : memref<6x128x128xf32, #tpu.memory_space<vmem>> -> memref<1x128x128xf32, #tpu.memory_space<vmem>>
    %dma_start3A_256 = tpu.memref_squeeze %dma_start3A_255 : memref<1x128x128xf32, #tpu.memory_space<vmem>> -> memref<128x128xf32, #tpu.memory_space<vmem>>
    tpu.enqueue_dma source(%dma_start3A_256 : memref<128x128xf32, #tpu.memory_space<vmem>>) target(%dma_start3A_252 : memref<128x128xf32, #tpu.memory_space<hbm>>) target_semaphore(%dma_start3A_248 : memref<!tpu.dma_semaphore, #tpu.memory_space<semaphore_mem>>)
    %dma_wait3A_257 = arith.constant 0 : i32
    %dma_wait3A_258 = arith.constant 0 : i32
    %dma_wait3A_259 = arith.constant 0 : i32
    %dma_wait3A_260 = arith.constant 0 : i32
    %dma_wait3A_261 = arith.constant 0 : i32
    %dma_wait3A_262 = tpu.memref_slice %arg6[%dma_wait3A_258, %dma_wait3A_260, %dma_wait3A_261] : memref<6x128x128xf32, #tpu.memory_space<vmem>> -> memref<1x128x128xf32, #tpu.memory_space<vmem>>
    %dma_wait3A_263 = tpu.memref_squeeze %dma_wait3A_262 : memref<1x128x128xf32, #tpu.memory_space<vmem>> -> memref<128x128xf32, #tpu.memory_space<vmem>>
    %dma_wait3A_264 = arith.constant 0 : i32
    %dma_wait3A_265 = arith.constant 0 : i32
    %dma_wait3A_266 = tpu.memref_slice %arg4[%add3A, %dma_wait3A_257, %dma_wait3A_264, %dma_wait3A_265] : memref<32x200x128x128xf32, #tpu.memory_space<hbm>> -> memref<1x1x128x128xf32, #tpu.memory_space<hbm>>
    %dma_wait3A_267 = tpu.memref_squeeze %dma_wait3A_266 : memref<1x1x128x128xf32, #tpu.memory_space<hbm>> -> memref<128x128xf32, #tpu.memory_space<hbm>>
    %dma_wait3A_268 = tpu.memref_slice %arg8[%dma_wait3A_259] : memref<6x!tpu.dma_semaphore, #tpu.memory_space<semaphore_mem>> -> memref<1x!tpu.dma_semaphore, #tpu.memory_space<semaphore_mem>>
    %dma_wait3A_269 = tpu.memref_squeeze %dma_wait3A_268 : memref<1x!tpu.dma_semaphore, #tpu.memory_space<semaphore_mem>> -> memref<!tpu.dma_semaphore, #tpu.memory_space<semaphore_mem>>
    %dma_wait3A_270 = arith.constant 0 : i32
    %dma_wait3A_271 = arith.constant 0 : i32
    %dma_wait3A_272 = tpu.memref_slice %arg6[%dma_wait3A_258, %dma_wait3A_270, %dma_wait3A_271] : memref<6x128x128xf32, #tpu.memory_space<vmem>> -> memref<1x128x128xf32, #tpu.memory_space<vmem>>
    %dma_wait3A_273 = tpu.memref_squeeze %dma_wait3A_272 : memref<1x128x128xf32, #tpu.memory_space<vmem>> -> memref<128x128xf32, #tpu.memory_space<vmem>>
    %dma_wait3A_274 = arith.constant 0 : i32
    %dma_wait3A_275 = arith.constant 0 : i32
    %dma_wait3A_276 = tpu.memref_slice %arg4[%add3A, %dma_wait3A_257, %dma_wait3A_274, %dma_wait3A_275] : memref<32x200x128x128xf32, #tpu.memory_space<hbm>> -> memref<1x1x128x128xf32, #tpu.memory_space<hbm>>
    %dma_wait3A_277 = tpu.memref_squeeze %dma_wait3A_276 : memref<1x1x128x128xf32, #tpu.memory_space<hbm>> -> memref<128x128xf32, #tpu.memory_space<hbm>>
    tpu.wait_dma2 semaphore(%dma_wait3A_269 : memref<!tpu.dma_semaphore, #tpu.memory_space<semaphore_mem>>) src(%dma_wait3A_277 : memref<128x128xf32, #tpu.memory_space<hbm>>) dst(%dma_wait3A_273 : memref<128x128xf32, #tpu.memory_space<vmem>>)
    %dma_start3A_278 = arith.constant 6 : i32
    %dma_start3A_279 = arith.constant 0 : i32
    %dma_start3A_280 = arith.constant 0 : i32
    %dma_start3A_281 = arith.constant 0 : i32
    %dma_start3A_282 = arith.constant 0 : i32
    %dma_start3A_283 = tpu.memref_slice %arg6[%dma_start3A_279, %dma_start3A_281, %dma_start3A_282] : memref<6x128x128xf32, #tpu.memory_space<vmem>> -> memref<1x128x128xf32, #tpu.memory_space<vmem>>
    %dma_start3A_284 = tpu.memref_squeeze %dma_start3A_283 : memref<1x128x128xf32, #tpu.memory_space<vmem>> -> memref<128x128xf32, #tpu.memory_space<vmem>>
    %dma_start3A_285 = arith.constant 0 : i32
    %dma_start3A_286 = tpu.memref_slice %arg5[%dma_start3A_278, %dma_start3A_285] : memref<200x128xi32, #tpu.memory_space<vmem>> -> memref<1x128xi32, #tpu.memory_space<vmem>>
    %dma_start3A_287 = tpu.memref_squeeze %dma_start3A_286 : memref<1x128xi32, #tpu.memory_space<vmem>> -> memref<128xi32, #tpu.memory_space<vmem>>
    %dma_start3A_288 = arith.constant 0 : i32
    %dma_start3A_289 = arith.constant 0 : i32
    %dma_start3A_290 = tpu.memref_slice %arg3[%dma_start3A_288, %dma_start3A_289] : memref<100000x128xf32, #tpu.memory_space<hbm>> -> memref<100000x128xf32, #tpu.memory_space<hbm>>
    %dma_start3A_291 = tpu.memref_slice %arg7[%dma_start3A_280] : memref<6x!tpu.dma_semaphore, #tpu.memory_space<semaphore_mem>> -> memref<1x!tpu.dma_semaphore, #tpu.memory_space<semaphore_mem>>
    %dma_start3A_292 = tpu.memref_squeeze %dma_start3A_291 : memref<1x!tpu.dma_semaphore, #tpu.memory_space<semaphore_mem>> -> memref<!tpu.dma_semaphore, #tpu.memory_space<semaphore_mem>>
    tpu.enqueue_indirect_dma source(%dma_start3A_290 : memref<100000x128xf32, #tpu.memory_space<hbm>>) target(%dma_start3A_284 : memref<128x128xf32, #tpu.memory_space<vmem>>) offsets(%dma_start3A_287 : memref<128xi32, #tpu.memory_space<vmem>>) semaphore(%dma_start3A_292 : memref<!tpu.dma_semaphore, #tpu.memory_space<semaphore_mem>>)
    %dma_wait3A_293 = arith.constant 0 : i32
    %dma_wait3A_294 = arith.constant 4 : i32
    %dma_wait3A_295 = arith.constant 4 : i32
    %dma_wait3A_296 = arith.constant 0 : i32
    %dma_wait3A_297 = arith.constant 0 : i32
    %dma_wait3A_298 = tpu.memref_slice %arg6[%dma_wait3A_294, %dma_wait3A_296, %dma_wait3A_297] : memref<6x128x128xf32, #tpu.memory_space<vmem>> -> memref<1x128x128xf32, #tpu.memory_space<vmem>>
    %dma_wait3A_299 = tpu.memref_squeeze %dma_wait3A_298 : memref<1x128x128xf32, #tpu.memory_space<vmem>> -> memref<128x128xf32, #tpu.memory_space<vmem>>
    %dma_wait3A_300 = arith.constant 0 : i32
    %dma_wait3A_301 = arith.constant 0 : i32
    %dma_wait3A_302 = tpu.memref_slice %arg4[%add3A, %dma_wait3A_293, %dma_wait3A_300, %dma_wait3A_301] : memref<32x200x128x128xf32, #tpu.memory_space<hbm>> -> memref<1x1x128x128xf32, #tpu.memory_space<hbm>>
    %dma_wait3A_303 = tpu.memref_squeeze %dma_wait3A_302 : memref<1x1x128x128xf32, #tpu.memory_space<hbm>> -> memref<128x128xf32, #tpu.memory_space<hbm>>
    %dma_wait3A_304 = tpu.memref_slice %arg7[%dma_wait3A_295] : memref<6x!tpu.dma_semaphore, #tpu.memory_space<semaphore_mem>> -> memref<1x!tpu.dma_semaphore, #tpu.memory_space<semaphore_mem>>
    %dma_wait3A_305 = tpu.memref_squeeze %dma_wait3A_304 : memref<1x!tpu.dma_semaphore, #tpu.memory_space<semaphore_mem>> -> memref<!tpu.dma_semaphore, #tpu.memory_space<semaphore_mem>>
    %dma_wait3A_306 = arith.constant 0 : i32
    %dma_wait3A_307 = arith.constant 0 : i32
    %dma_wait3A_308 = tpu.memref_slice %arg6[%dma_wait3A_294, %dma_wait3A_306, %dma_wait3A_307] : memref<6x128x128xf32, #tpu.memory_space<vmem>> -> memref<1x128x128xf32, #tpu.memory_space<vmem>>
    %dma_wait3A_309 = tpu.memref_squeeze %dma_wait3A_308 : memref<1x128x128xf32, #tpu.memory_space<vmem>> -> memref<128x128xf32, #tpu.memory_space<vmem>>
    %dma_wait3A_310 = arith.constant 0 : i32
    %dma_wait3A_311 = arith.constant 0 : i32
    %dma_wait3A_312 = tpu.memref_slice %arg4[%add3A, %dma_wait3A_293, %dma_wait3A_310, %dma_wait3A_311] : memref<32x200x128x128xf32, #tpu.memory_space<hbm>> -> memref<1x1x128x128xf32, #tpu.memory_space<hbm>>
    %dma_wait3A_313 = tpu.memref_squeeze %dma_wait3A_312 : memref<1x1x128x128xf32, #tpu.memory_space<hbm>> -> memref<128x128xf32, #tpu.memory_space<hbm>>
    tpu.wait_dma2 semaphore(%dma_wait3A_305 : memref<!tpu.dma_semaphore, #tpu.memory_space<semaphore_mem>>) src(%dma_wait3A_313 : memref<128x128xf32, #tpu.memory_space<hbm>>) dst(%dma_wait3A_309 : memref<128x128xf32, #tpu.memory_space<vmem>>)
    %dma_start3A_314 = arith.constant 4 : i32
    %dma_start3A_315 = arith.constant 4 : i32
    %dma_start3A_316 = arith.constant 4 : i32
    %dma_start3A_317 = arith.constant 0 : i32
    %dma_start3A_318 = arith.constant 0 : i32
    %dma_start3A_319 = tpu.memref_slice %arg6[%dma_start3A_314, %dma_start3A_317, %dma_start3A_318] : memref<6x128x128xf32, #tpu.memory_space<vmem>> -> memref<1x128x128xf32, #tpu.memory_space<vmem>>
    %dma_start3A_320 = tpu.memref_squeeze %dma_start3A_319 : memref<1x128x128xf32, #tpu.memory_space<vmem>> -> memref<128x128xf32, #tpu.memory_space<vmem>>
    %dma_start3A_321 = arith.constant 0 : i32
    %dma_start3A_322 = arith.constant 0 : i32
    %dma_start3A_323 = tpu.memref_slice %arg4[%add3A, %dma_start3A_315, %dma_start3A_321, %dma_start3A_322] : memref<32x200x128x128xf32, #tpu.memory_space<hbm>> -> memref<1x1x128x128xf32, #tpu.memory_space<hbm>>
    %dma_start3A_324 = tpu.memref_squeeze %dma_start3A_323 : memref<1x1x128x128xf32, #tpu.memory_space<hbm>> -> memref<128x128xf32, #tpu.memory_space<hbm>>
    %dma_start3A_325 = tpu.memref_slice %arg8[%dma_start3A_316] : memref<6x!tpu.dma_semaphore, #tpu.memory_space<semaphore_mem>> -> memref<1x!tpu.dma_semaphore, #tpu.memory_space<semaphore_mem>>
    %dma_start3A_326 = tpu.memref_squeeze %dma_start3A_325 : memref<1x!tpu.dma_semaphore, #tpu.memory_space<semaphore_mem>> -> memref<!tpu.dma_semaphore, #tpu.memory_space<semaphore_mem>>
    %dma_start3A_327 = arith.constant 0 : i32
    %dma_start3A_328 = arith.constant 0 : i32
    %dma_start3A_329 = tpu.memref_slice %arg4[%add3A, %dma_start3A_315, %dma_start3A_327, %dma_start3A_328] : memref<32x200x128x128xf32, #tpu.memory_space<hbm>> -> memref<1x1x128x128xf32, #tpu.memory_space<hbm>>
    %dma_start3A_330 = tpu.memref_squeeze %dma_start3A_329 : memref<1x1x128x128xf32, #tpu.memory_space<hbm>> -> memref<128x128xf32, #tpu.memory_space<hbm>>
    %dma_start3A_331 = arith.constant 0 : i32
    %dma_start3A_332 = arith.constant 0 : i32
    %dma_start3A_333 = tpu.memref_slice %arg6[%dma_start3A_314, %dma_start3A_331, %dma_start3A_332] : memref<6x128x128xf32, #tpu.memory_space<vmem>> -> memref<1x128x128xf32, #tpu.memory_space<vmem>>
    %dma_start3A_334 = tpu.memref_squeeze %dma_start3A_333 : memref<1x128x128xf32, #tpu.memory_space<vmem>> -> memref<128x128xf32, #tpu.memory_space<vmem>>
    tpu.enqueue_dma source(%dma_start3A_334 : memref<128x128xf32, #tpu.memory_space<vmem>>) target(%dma_start3A_330 : memref<128x128xf32, #tpu.memory_space<hbm>>) target_semaphore(%dma_start3A_326 : memref<!tpu.dma_semaphore, #tpu.memory_space<semaphore_mem>>)
    %dma_wait3A_335 = arith.constant 0 : i32
    %dma_wait3A_336 = arith.constant 1 : i32
    %dma_wait3A_337 = arith.constant 1 : i32
    %dma_wait3A_338 = arith.constant 0 : i32
    %dma_wait3A_339 = arith.constant 0 : i32
    %dma_wait3A_340 = tpu.memref_slice %arg6[%dma_wait3A_336, %dma_wait3A_338, %dma_wait3A_339] : memref<6x128x128xf32, #tpu.memory_space<vmem>> -> memref<1x128x128xf32, #tpu.memory_space<vmem>>
    %dma_wait3A_341 = tpu.memref_squeeze %dma_wait3A_340 : memref<1x128x128xf32, #tpu.memory_space<vmem>> -> memref<128x128xf32, #tpu.memory_space<vmem>>
    %dma_wait3A_342 = arith.constant 0 : i32
    %dma_wait3A_343 = arith.constant 0 : i32
    %dma_wait3A_344 = tpu.memref_slice %arg4[%add3A, %dma_wait3A_335, %dma_wait3A_342, %dma_wait3A_343] : memref<32x200x128x128xf32, #tpu.memory_space<hbm>> -> memref<1x1x128x128xf32, #tpu.memory_space<hbm>>
    %dma_wait3A_345 = tpu.memref_squeeze %dma_wait3A_344 : memref<1x1x128x128xf32, #tpu.memory_space<hbm>> -> memref<128x128xf32, #tpu.memory_space<hbm>>
    %dma_wait3A_346 = tpu.memref_slice %arg8[%dma_wait3A_337] : memref<6x!tpu.dma_semaphore, #tpu.memory_space<semaphore_mem>> -> memref<1x!tpu.dma_semaphore, #tpu.memory_space<semaphore_mem>>
    %dma_wait3A_347 = tpu.memref_squeeze %dma_wait3A_346 : memref<1x!tpu.dma_semaphore, #tpu.memory_space<semaphore_mem>> -> memref<!tpu.dma_semaphore, #tpu.memory_space<semaphore_mem>>
    %dma_wait3A_348 = arith.constant 0 : i32
    %dma_wait3A_349 = arith.constant 0 : i32
    %dma_wait3A_350 = tpu.memref_slice %arg6[%dma_wait3A_336, %dma_wait3A_348, %dma_wait3A_349] : memref<6x128x128xf32, #tpu.memory_space<vmem>> -> memref<1x128x128xf32, #tpu.memory_space<vmem>>
    %dma_wait3A_351 = tpu.memref_squeeze %dma_wait3A_350 : memref<1x128x128xf32, #tpu.memory_space<vmem>> -> memref<128x128xf32, #tpu.memory_space<vmem>>
    %dma_wait3A_352 = arith.constant 0 : i32
    %dma_wait3A_353 = arith.constant 0 : i32
    %dma_wait3A_354 = tpu.memref_slice %arg4[%add3A, %dma_wait3A_335, %dma_wait3A_352, %dma_wait3A_353] : memref<32x200x128x128xf32, #tpu.memory_space<hbm>> -> memref<1x1x128x128xf32, #tpu.memory_space<hbm>>
    %dma_wait3A_355 = tpu.memref_squeeze %dma_wait3A_354 : memref<1x1x128x128xf32, #tpu.memory_space<hbm>> -> memref<128x128xf32, #tpu.memory_space<hbm>>
    tpu.wait_dma2 semaphore(%dma_wait3A_347 : memref<!tpu.dma_semaphore, #tpu.memory_space<semaphore_mem>>) src(%dma_wait3A_355 : memref<128x128xf32, #tpu.memory_space<hbm>>) dst(%dma_wait3A_351 : memref<128x128xf32, #tpu.memory_space<vmem>>)
    %dma_start3A_356 = arith.constant 7 : i32
    %dma_start3A_357 = arith.constant 1 : i32
    %dma_start3A_358 = arith.constant 1 : i32
    %dma_start3A_359 = arith.constant 0 : i32
    %dma_start3A_360 = arith.constant 0 : i32
    %dma_start3A_361 = tpu.memref_slice %arg6[%dma_start3A_357, %dma_start3A_359, %dma_start3A_360] : memref<6x128x128xf32, #tpu.memory_space<vmem>> -> memref<1x128x128xf32, #tpu.memory_space<vmem>>
    %dma_start3A_362 = tpu.memref_squeeze %dma_start3A_361 : memref<1x128x128xf32, #tpu.memory_space<vmem>> -> memref<128x128xf32, #tpu.memory_space<vmem>>
    %dma_start3A_363 = arith.constant 0 : i32
    %dma_start3A_364 = tpu.memref_slice %arg5[%dma_start3A_356, %dma_start3A_363] : memref<200x128xi32, #tpu.memory_space<vmem>> -> memref<1x128xi32, #tpu.memory_space<vmem>>
    %dma_start3A_365 = tpu.memref_squeeze %dma_start3A_364 : memref<1x128xi32, #tpu.memory_space<vmem>> -> memref<128xi32, #tpu.memory_space<vmem>>
    %dma_start3A_366 = arith.constant 0 : i32
    %dma_start3A_367 = arith.constant 0 : i32
    %dma_start3A_368 = tpu.memref_slice %arg3[%dma_start3A_366, %dma_start3A_367] : memref<100000x128xf32, #tpu.memory_space<hbm>> -> memref<100000x128xf32, #tpu.memory_space<hbm>>
    %dma_start3A_369 = tpu.memref_slice %arg7[%dma_start3A_358] : memref<6x!tpu.dma_semaphore, #tpu.memory_space<semaphore_mem>> -> memref<1x!tpu.dma_semaphore, #tpu.memory_space<semaphore_mem>>
    %dma_start3A_370 = tpu.memref_squeeze %dma_start3A_369 : memref<1x!tpu.dma_semaphore, #tpu.memory_space<semaphore_mem>> -> memref<!tpu.dma_semaphore, #tpu.memory_space<semaphore_mem>>
    tpu.enqueue_indirect_dma source(%dma_start3A_368 : memref<100000x128xf32, #tpu.memory_space<hbm>>) target(%dma_start3A_362 : memref<128x128xf32, #tpu.memory_space<vmem>>) offsets(%dma_start3A_365 : memref<128xi32, #tpu.memory_space<vmem>>) semaphore(%dma_start3A_370 : memref<!tpu.dma_semaphore, #tpu.memory_space<semaphore_mem>>)
    %dma_wait3A_371 = arith.constant 0 : i32
    %dma_wait3A_372 = arith.constant 5 : i32
    %dma_wait3A_373 = arith.constant 5 : i32
    %dma_wait3A_374 = arith.constant 0 : i32
    %dma_wait3A_375 = arith.constant 0 : i32
    %dma_wait3A_376 = tpu.memref_slice %arg6[%dma_wait3A_372, %dma_wait3A_374, %dma_wait3A_375] : memref<6x128x128xf32, #tpu.memory_space<vmem>> -> memref<1x128x128xf32, #tpu.memory_space<vmem>>
    %dma_wait3A_377 = tpu.memref_squeeze %dma_wait3A_376 : memref<1x128x128xf32, #tpu.memory_space<vmem>> -> memref<128x128xf32, #tpu.memory_space<vmem>>
    %dma_wait3A_378 = arith.constant 0 : i32
    %dma_wait3A_379 = arith.constant 0 : i32
    %dma_wait3A_380 = tpu.memref_slice %arg4[%add3A, %dma_wait3A_371, %dma_wait3A_378, %dma_wait3A_379] : memref<32x200x128x128xf32, #tpu.memory_space<hbm>> -> memref<1x1x128x128xf32, #tpu.memory_space<hbm>>
    %dma_wait3A_381 = tpu.memref_squeeze %dma_wait3A_380 : memref<1x1x128x128xf32, #tpu.memory_space<hbm>> -> memref<128x128xf32, #tpu.memory_space<hbm>>
    %dma_wait3A_382 = tpu.memref_slice %arg7[%dma_wait3A_373] : memref<6x!tpu.dma_semaphore, #tpu.memory_space<semaphore_mem>> -> memref<1x!tpu.dma_semaphore, #tpu.memory_space<semaphore_mem>>
    %dma_wait3A_383 = tpu.memref_squeeze %dma_wait3A_382 : memref<1x!tpu.dma_semaphore, #tpu.memory_space<semaphore_mem>> -> memref<!tpu.dma_semaphore, #tpu.memory_space<semaphore_mem>>
    %dma_wait3A_384 = arith.constant 0 : i32
    %dma_wait3A_385 = arith.constant 0 : i32
    %dma_wait3A_386 = tpu.memref_slice %arg6[%dma_wait3A_372, %dma_wait3A_384, %dma_wait3A_385] : memref<6x128x128xf32, #tpu.memory_space<vmem>> -> memref<1x128x128xf32, #tpu.memory_space<vmem>>
    %dma_wait3A_387 = tpu.memref_squeeze %dma_wait3A_386 : memref<1x128x128xf32, #tpu.memory_space<vmem>> -> memref<128x128xf32, #tpu.memory_space<vmem>>
    %dma_wait3A_388 = arith.constant 0 : i32
    %dma_wait3A_389 = arith.constant 0 : i32
    %dma_wait3A_390 = tpu.memref_slice %arg4[%add3A, %dma_wait3A_371, %dma_wait3A_388, %dma_wait3A_389] : memref<32x200x128x128xf32, #tpu.memory_space<hbm>> -> memref<1x1x128x128xf32, #tpu.memory_space<hbm>>
    %dma_wait3A_391 = tpu.memref_squeeze %dma_wait3A_390 : memref<1x1x128x128xf32, #tpu.memory_space<hbm>> -> memref<128x128xf32, #tpu.memory_space<hbm>>
    tpu.wait_dma2 semaphore(%dma_wait3A_383 : memref<!tpu.dma_semaphore, #tpu.memory_space<semaphore_mem>>) src(%dma_wait3A_391 : memref<128x128xf32, #tpu.memory_space<hbm>>) dst(%dma_wait3A_387 : memref<128x128xf32, #tpu.memory_space<vmem>>)
    %dma_start3A_392 = arith.constant 5 : i32
    %dma_start3A_393 = arith.constant 5 : i32
    %dma_start3A_394 = arith.constant 5 : i32
    %dma_start3A_395 = arith.constant 0 : i32
    %dma_start3A_396 = arith.constant 0 : i32
    %dma_start3A_397 = tpu.memref_slice %arg6[%dma_start3A_392, %dma_start3A_395, %dma_start3A_396] : memref<6x128x128xf32, #tpu.memory_space<vmem>> -> memref<1x128x128xf32, #tpu.memory_space<vmem>>
    %dma_start3A_398 = tpu.memref_squeeze %dma_start3A_397 : memref<1x128x128xf32, #tpu.memory_space<vmem>> -> memref<128x128xf32, #tpu.memory_space<vmem>>
    %dma_start3A_399 = arith.constant 0 : i32
    %dma_start3A_400 = arith.constant 0 : i32
    %dma_start3A_401 = tpu.memref_slice %arg4[%add3A, %dma_start3A_393, %dma_start3A_399, %dma_start3A_400] : memref<32x200x128x128xf32, #tpu.memory_space<hbm>> -> memref<1x1x128x128xf32, #tpu.memory_space<hbm>>
    %dma_start3A_402 = tpu.memref_squeeze %dma_start3A_401 : memref<1x1x128x128xf32, #tpu.memory_space<hbm>> -> memref<128x128xf32, #tpu.memory_space<hbm>>
    %dma_start3A_403 = tpu.memref_slice %arg8[%dma_start3A_394] : memref<6x!tpu.dma_semaphore, #tpu.memory_space<semaphore_mem>> -> memref<1x!tpu.dma_semaphore, #tpu.memory_space<semaphore_mem>>
    %dma_start3A_404 = tpu.memref_squeeze %dma_start3A_403 : memref<1x!tpu.dma_semaphore, #tpu.memory_space<semaphore_mem>> -> memref<!tpu.dma_semaphore, #tpu.memory_space<semaphore_mem>>
    %dma_start3A_405 = arith.constant 0 : i32
    %dma_start3A_406 = arith.constant 0 : i32
    %dma_start3A_407 = tpu.memref_slice %arg4[%add3A, %dma_start3A_393, %dma_start3A_405, %dma_start3A_406] : memref<32x200x128x128xf32, #tpu.memory_space<hbm>> -> memref<1x1x128x128xf32, #tpu.memory_space<hbm>>
    %dma_start3A_408 = tpu.memref_squeeze %dma_start3A_407 : memref<1x1x128x128xf32, #tpu.memory_space<hbm>> -> memref<128x128xf32, #tpu.memory_space<hbm>>
    %dma_start3A_409 = arith.constant 0 : i32
    %dma_start3A_410 = arith.constant 0 : i32
    %dma_start3A_411 = tpu.memref_slice %arg6[%dma_start3A_392, %dma_start3A_409, %dma_start3A_410] : memref<6x128x128xf32, #tpu.memory_space<vmem>> -> memref<1x128x128xf32, #tpu.memory_space<vmem>>
    %dma_start3A_412 = tpu.memref_squeeze %dma_start3A_411 : memref<1x128x128xf32, #tpu.memory_space<vmem>> -> memref<128x128xf32, #tpu.memory_space<vmem>>
    tpu.enqueue_dma source(%dma_start3A_412 : memref<128x128xf32, #tpu.memory_space<vmem>>) target(%dma_start3A_408 : memref<128x128xf32, #tpu.memory_space<hbm>>) target_semaphore(%dma_start3A_404 : memref<!tpu.dma_semaphore, #tpu.memory_space<semaphore_mem>>)
    %scan3A = arith.constant 0 : i32
    %scan3A_413 = arith.constant 31 : i32
    %scan3A_414 = arith.addi %scan3A, %scan3A_413 : i32
    %scan3A_415 = arith.constant 1 : i32
    scf.for %scan3A_1053 = %scan3A to %scan3A_414 step %scan3A_415  : i32 {
      %mul3A_1054 = arith.constant 6 : i32
      %mul3A_1055 = arith.muli %scan3A_1053, %mul3A_1054 : i32
      %add3A_1056 = arith.constant 6 : i32
      %add3A_1057 = arith.addi %add3A_1056, %mul3A_1055 : i32
      %add3A_1058 = arith.constant 0 : i32
      %add3A_1059 = arith.addi %add3A_1057, %add3A_1058 : i32
      %dma_wait3A_1060 = arith.constant 0 : i32
      %dma_wait3A_1061 = arith.constant 2 : i32
      %dma_wait3A_1062 = arith.constant 2 : i32
      %dma_wait3A_1063 = arith.constant 0 : i32
      %dma_wait3A_1064 = arith.constant 0 : i32
      %dma_wait3A_1065 = tpu.memref_slice %arg6[%dma_wait3A_1061, %dma_wait3A_1063, %dma_wait3A_1064] : memref<6x128x128xf32, #tpu.memory_space<vmem>> -> memref<1x128x128xf32, #tpu.memory_space<vmem>>
      %dma_wait3A_1066 = tpu.memref_squeeze %dma_wait3A_1065 : memref<1x128x128xf32, #tpu.memory_space<vmem>> -> memref<128x128xf32, #tpu.memory_space<vmem>>
      %dma_wait3A_1067 = arith.constant 0 : i32
      %dma_wait3A_1068 = arith.constant 0 : i32
      %dma_wait3A_1069 = tpu.memref_slice %arg4[%add3A, %dma_wait3A_1060, %dma_wait3A_1067, %dma_wait3A_1068] : memref<32x200x128x128xf32, #tpu.memory_space<hbm>> -> memref<1x1x128x128xf32, #tpu.memory_space<hbm>>
      %dma_wait3A_1070 = tpu.memref_squeeze %dma_wait3A_1069 : memref<1x1x128x128xf32, #tpu.memory_space<hbm>> -> memref<128x128xf32, #tpu.memory_space<hbm>>
      %dma_wait3A_1071 = tpu.memref_slice %arg8[%dma_wait3A_1062] : memref<6x!tpu.dma_semaphore, #tpu.memory_space<semaphore_mem>> -> memref<1x!tpu.dma_semaphore, #tpu.memory_space<semaphore_mem>>
      %dma_wait3A_1072 = tpu.memref_squeeze %dma_wait3A_1071 : memref<1x!tpu.dma_semaphore, #tpu.memory_space<semaphore_mem>> -> memref<!tpu.dma_semaphore, #tpu.memory_space<semaphore_mem>>
      %dma_wait3A_1073 = arith.constant 0 : i32
      %dma_wait3A_1074 = arith.constant 0 : i32
      %dma_wait3A_1075 = tpu.memref_slice %arg6[%dma_wait3A_1061, %dma_wait3A_1073, %dma_wait3A_1074] : memref<6x128x128xf32, #tpu.memory_space<vmem>> -> memref<1x128x128xf32, #tpu.memory_space<vmem>>
      %dma_wait3A_1076 = tpu.memref_squeeze %dma_wait3A_1075 : memref<1x128x128xf32, #tpu.memory_space<vmem>> -> memref<128x128xf32, #tpu.memory_space<vmem>>
      %dma_wait3A_1077 = arith.constant 0 : i32
      %dma_wait3A_1078 = arith.constant 0 : i32
      %dma_wait3A_1079 = tpu.memref_slice %arg4[%add3A, %dma_wait3A_1060, %dma_wait3A_1077, %dma_wait3A_1078] : memref<32x200x128x128xf32, #tpu.memory_space<hbm>> -> memref<1x1x128x128xf32, #tpu.memory_space<hbm>>
      %dma_wait3A_1080 = tpu.memref_squeeze %dma_wait3A_1079 : memref<1x1x128x128xf32, #tpu.memory_space<hbm>> -> memref<128x128xf32, #tpu.memory_space<hbm>>
      tpu.wait_dma2 semaphore(%dma_wait3A_1072 : memref<!tpu.dma_semaphore, #tpu.memory_space<semaphore_mem>>) src(%dma_wait3A_1080 : memref<128x128xf32, #tpu.memory_space<hbm>>) dst(%dma_wait3A_1076 : memref<128x128xf32, #tpu.memory_space<vmem>>)
      %add3A_1081 = arith.constant 2 : i32
      %add3A_1082 = arith.addi %add3A_1059, %add3A_1081 : i32
      %dma_start3A_1083 = arith.constant 2 : i32
      %dma_start3A_1084 = arith.constant 2 : i32
      %dma_start3A_1085 = arith.constant 0 : i32
      %dma_start3A_1086 = arith.constant 0 : i32
      %dma_start3A_1087 = tpu.memref_slice %arg6[%dma_start3A_1083, %dma_start3A_1085, %dma_start3A_1086] : memref<6x128x128xf32, #tpu.memory_space<vmem>> -> memref<1x128x128xf32, #tpu.memory_space<vmem>>
      %dma_start3A_1088 = tpu.memref_squeeze %dma_start3A_1087 : memref<1x128x128xf32, #tpu.memory_space<vmem>> -> memref<128x128xf32, #tpu.memory_space<vmem>>
      %dma_start3A_1089 = arith.constant 0 : i32
      %dma_start3A_1090 = tpu.memref_slice %arg5[%add3A_1082, %dma_start3A_1089] : memref<200x128xi32, #tpu.memory_space<vmem>> -> memref<1x128xi32, #tpu.memory_space<vmem>>
      %dma_start3A_1091 = tpu.memref_squeeze %dma_start3A_1090 : memref<1x128xi32, #tpu.memory_space<vmem>> -> memref<128xi32, #tpu.memory_space<vmem>>
      %dma_start3A_1092 = arith.constant 0 : i32
      %dma_start3A_1093 = arith.constant 0 : i32
      %dma_start3A_1094 = tpu.memref_slice %arg3[%dma_start3A_1092, %dma_start3A_1093] : memref<100000x128xf32, #tpu.memory_space<hbm>> -> memref<100000x128xf32, #tpu.memory_space<hbm>>
      %dma_start3A_1095 = tpu.memref_slice %arg7[%dma_start3A_1084] : memref<6x!tpu.dma_semaphore, #tpu.memory_space<semaphore_mem>> -> memref<1x!tpu.dma_semaphore, #tpu.memory_space<semaphore_mem>>
      %dma_start3A_1096 = tpu.memref_squeeze %dma_start3A_1095 : memref<1x!tpu.dma_semaphore, #tpu.memory_space<semaphore_mem>> -> memref<!tpu.dma_semaphore, #tpu.memory_space<semaphore_mem>>
      tpu.enqueue_indirect_dma source(%dma_start3A_1094 : memref<100000x128xf32, #tpu.memory_space<hbm>>) target(%dma_start3A_1088 : memref<128x128xf32, #tpu.memory_space<vmem>>) offsets(%dma_start3A_1091 : memref<128xi32, #tpu.memory_space<vmem>>) semaphore(%dma_start3A_1096 : memref<!tpu.dma_semaphore, #tpu.memory_space<semaphore_mem>>)
      %dma_wait3A_1097 = arith.constant 0 : i32
      %dma_wait3A_1098 = arith.constant 0 : i32
      %dma_wait3A_1099 = arith.constant 0 : i32
      %dma_wait3A_1100 = arith.constant 0 : i32
      %dma_wait3A_1101 = arith.constant 0 : i32
      %dma_wait3A_1102 = tpu.memref_slice %arg6[%dma_wait3A_1098, %dma_wait3A_1100, %dma_wait3A_1101] : memref<6x128x128xf32, #tpu.memory_space<vmem>> -> memref<1x128x128xf32, #tpu.memory_space<vmem>>
      %dma_wait3A_1103 = tpu.memref_squeeze %dma_wait3A_1102 : memref<1x128x128xf32, #tpu.memory_space<vmem>> -> memref<128x128xf32, #tpu.memory_space<vmem>>
      %dma_wait3A_1104 = arith.constant 0 : i32
      %dma_wait3A_1105 = arith.constant 0 : i32
      %dma_wait3A_1106 = tpu.memref_slice %arg4[%add3A, %dma_wait3A_1097, %dma_wait3A_1104, %dma_wait3A_1105] : memref<32x200x128x128xf32, #tpu.memory_space<hbm>> -> memref<1x1x128x128xf32, #tpu.memory_space<hbm>>
      %dma_wait3A_1107 = tpu.memref_squeeze %dma_wait3A_1106 : memref<1x1x128x128xf32, #tpu.memory_space<hbm>> -> memref<128x128xf32, #tpu.memory_space<hbm>>
      %dma_wait3A_1108 = tpu.memref_slice %arg7[%dma_wait3A_1099] : memref<6x!tpu.dma_semaphore, #tpu.memory_space<semaphore_mem>> -> memref<1x!tpu.dma_semaphore, #tpu.memory_space<semaphore_mem>>
      %dma_wait3A_1109 = tpu.memref_squeeze %dma_wait3A_1108 : memref<1x!tpu.dma_semaphore, #tpu.memory_space<semaphore_mem>> -> memref<!tpu.dma_semaphore, #tpu.memory_space<semaphore_mem>>
      %dma_wait3A_1110 = arith.constant 0 : i32
      %dma_wait3A_1111 = arith.constant 0 : i32
      %dma_wait3A_1112 = tpu.memref_slice %arg6[%dma_wait3A_1098, %dma_wait3A_1110, %dma_wait3A_1111] : memref<6x128x128xf32, #tpu.memory_space<vmem>> -> memref<1x128x128xf32, #tpu.memory_space<vmem>>
      %dma_wait3A_1113 = tpu.memref_squeeze %dma_wait3A_1112 : memref<1x128x128xf32, #tpu.memory_space<vmem>> -> memref<128x128xf32, #tpu.memory_space<vmem>>
      %dma_wait3A_1114 = arith.constant 0 : i32
      %dma_wait3A_1115 = arith.constant 0 : i32
      %dma_wait3A_1116 = tpu.memref_slice %arg4[%add3A, %dma_wait3A_1097, %dma_wait3A_1114, %dma_wait3A_1115] : memref<32x200x128x128xf32, #tpu.memory_space<hbm>> -> memref<1x1x128x128xf32, #tpu.memory_space<hbm>>
      %dma_wait3A_1117 = tpu.memref_squeeze %dma_wait3A_1116 : memref<1x1x128x128xf32, #tpu.memory_space<hbm>> -> memref<128x128xf32, #tpu.memory_space<hbm>>
      tpu.wait_dma2 semaphore(%dma_wait3A_1109 : memref<!tpu.dma_semaphore, #tpu.memory_space<semaphore_mem>>) src(%dma_wait3A_1117 : memref<128x128xf32, #tpu.memory_space<hbm>>) dst(%dma_wait3A_1113 : memref<128x128xf32, #tpu.memory_space<vmem>>)
      %dma_start3A_1118 = arith.constant 0 : i32
      %dma_start3A_1119 = arith.constant 0 : i32
      %dma_start3A_1120 = arith.constant 0 : i32
      %dma_start3A_1121 = arith.constant 0 : i32
      %dma_start3A_1122 = tpu.memref_slice %arg6[%dma_start3A_1118, %dma_start3A_1120, %dma_start3A_1121] : memref<6x128x128xf32, #tpu.memory_space<vmem>> -> memref<1x128x128xf32, #tpu.memory_space<vmem>>
      %dma_start3A_1123 = tpu.memref_squeeze %dma_start3A_1122 : memref<1x128x128xf32, #tpu.memory_space<vmem>> -> memref<128x128xf32, #tpu.memory_space<vmem>>
      %dma_start3A_1124 = arith.constant 0 : i32
      %dma_start3A_1125 = arith.constant 0 : i32
      %dma_start3A_1126 = tpu.memref_slice %arg4[%add3A, %add3A_1059, %dma_start3A_1124, %dma_start3A_1125] : memref<32x200x128x128xf32, #tpu.memory_space<hbm>> -> memref<1x1x128x128xf32, #tpu.memory_space<hbm>>
      %dma_start3A_1127 = tpu.memref_squeeze %dma_start3A_1126 : memref<1x1x128x128xf32, #tpu.memory_space<hbm>> -> memref<128x128xf32, #tpu.memory_space<hbm>>
      %dma_start3A_1128 = tpu.memref_slice %arg8[%dma_start3A_1119] : memref<6x!tpu.dma_semaphore, #tpu.memory_space<semaphore_mem>> -> memref<1x!tpu.dma_semaphore, #tpu.memory_space<semaphore_mem>>
      %dma_start3A_1129 = tpu.memref_squeeze %dma_start3A_1128 : memref<1x!tpu.dma_semaphore, #tpu.memory_space<semaphore_mem>> -> memref<!tpu.dma_semaphore, #tpu.memory_space<semaphore_mem>>
      %dma_start3A_1130 = arith.constant 0 : i32
      %dma_start3A_1131 = arith.constant 0 : i32
      %dma_start3A_1132 = tpu.memref_slice %arg4[%add3A, %add3A_1059, %dma_start3A_1130, %dma_start3A_1131] : memref<32x200x128x128xf32, #tpu.memory_space<hbm>> -> memref<1x1x128x128xf32, #tpu.memory_space<hbm>>
      %dma_start3A_1133 = tpu.memref_squeeze %dma_start3A_1132 : memref<1x1x128x128xf32, #tpu.memory_space<hbm>> -> memref<128x128xf32, #tpu.memory_space<hbm>>
      %dma_start3A_1134 = arith.constant 0 : i32
      %dma_start3A_1135 = arith.constant 0 : i32
      %dma_start3A_1136 = tpu.memref_slice %arg6[%dma_start3A_1118, %dma_start3A_1134, %dma_start3A_1135] : memref<6x128x128xf32, #tpu.memory_space<vmem>> -> memref<1x128x128xf32, #tpu.memory_space<vmem>>
      %dma_start3A_1137 = tpu.memref_squeeze %dma_start3A_1136 : memref<1x128x128xf32, #tpu.memory_space<vmem>> -> memref<128x128xf32, #tpu.memory_space<vmem>>
      tpu.enqueue_dma source(%dma_start3A_1137 : memref<128x128xf32, #tpu.memory_space<vmem>>) target(%dma_start3A_1133 : memref<128x128xf32, #tpu.memory_space<hbm>>) target_semaphore(%dma_start3A_1129 : memref<!tpu.dma_semaphore, #tpu.memory_space<semaphore_mem>>)
      %add3A_1138 = arith.constant 1 : i32
      %add3A_1139 = arith.addi %add3A_1057, %add3A_1138 : i32
      %dma_wait3A_1140 = arith.constant 0 : i32
      %dma_wait3A_1141 = arith.constant 3 : i32
      %dma_wait3A_1142 = arith.constant 3 : i32
      %dma_wait3A_1143 = arith.constant 0 : i32
      %dma_wait3A_1144 = arith.constant 0 : i32
      %dma_wait3A_1145 = tpu.memref_slice %arg6[%dma_wait3A_1141, %dma_wait3A_1143, %dma_wait3A_1144] : memref<6x128x128xf32, #tpu.memory_space<vmem>> -> memref<1x128x128xf32, #tpu.memory_space<vmem>>
      %dma_wait3A_1146 = tpu.memref_squeeze %dma_wait3A_1145 : memref<1x128x128xf32, #tpu.memory_space<vmem>> -> memref<128x128xf32, #tpu.memory_space<vmem>>
      %dma_wait3A_1147 = arith.constant 0 : i32
      %dma_wait3A_1148 = arith.constant 0 : i32
      %dma_wait3A_1149 = tpu.memref_slice %arg4[%add3A, %dma_wait3A_1140, %dma_wait3A_1147, %dma_wait3A_1148] : memref<32x200x128x128xf32, #tpu.memory_space<hbm>> -> memref<1x1x128x128xf32, #tpu.memory_space<hbm>>
      %dma_wait3A_1150 = tpu.memref_squeeze %dma_wait3A_1149 : memref<1x1x128x128xf32, #tpu.memory_space<hbm>> -> memref<128x128xf32, #tpu.memory_space<hbm>>
      %dma_wait3A_1151 = tpu.memref_slice %arg8[%dma_wait3A_1142] : memref<6x!tpu.dma_semaphore, #tpu.memory_space<semaphore_mem>> -> memref<1x!tpu.dma_semaphore, #tpu.memory_space<semaphore_mem>>
      %dma_wait3A_1152 = tpu.memref_squeeze %dma_wait3A_1151 : memref<1x!tpu.dma_semaphore, #tpu.memory_space<semaphore_mem>> -> memref<!tpu.dma_semaphore, #tpu.memory_space<semaphore_mem>>
      %dma_wait3A_1153 = arith.constant 0 : i32
      %dma_wait3A_1154 = arith.constant 0 : i32
      %dma_wait3A_1155 = tpu.memref_slice %arg6[%dma_wait3A_1141, %dma_wait3A_1153, %dma_wait3A_1154] : memref<6x128x128xf32, #tpu.memory_space<vmem>> -> memref<1x128x128xf32, #tpu.memory_space<vmem>>
      %dma_wait3A_1156 = tpu.memref_squeeze %dma_wait3A_1155 : memref<1x128x128xf32, #tpu.memory_space<vmem>> -> memref<128x128xf32, #tpu.memory_space<vmem>>
      %dma_wait3A_1157 = arith.constant 0 : i32
      %dma_wait3A_1158 = arith.constant 0 : i32
      %dma_wait3A_1159 = tpu.memref_slice %arg4[%add3A, %dma_wait3A_1140, %dma_wait3A_1157, %dma_wait3A_1158] : memref<32x200x128x128xf32, #tpu.memory_space<hbm>> -> memref<1x1x128x128xf32, #tpu.memory_space<hbm>>
      %dma_wait3A_1160 = tpu.memref_squeeze %dma_wait3A_1159 : memref<1x1x128x128xf32, #tpu.memory_space<hbm>> -> memref<128x128xf32, #tpu.memory_space<hbm>>
      tpu.wait_dma2 semaphore(%dma_wait3A_1152 : memref<!tpu.dma_semaphore, #tpu.memory_space<semaphore_mem>>) src(%dma_wait3A_1160 : memref<128x128xf32, #tpu.memory_space<hbm>>) dst(%dma_wait3A_1156 : memref<128x128xf32, #tpu.memory_space<vmem>>)
      %add3A_1161 = arith.constant 2 : i32
      %add3A_1162 = arith.addi %add3A_1139, %add3A_1161 : i32
      %dma_start3A_1163 = arith.constant 3 : i32
      %dma_start3A_1164 = arith.constant 3 : i32
      %dma_start3A_1165 = arith.constant 0 : i32
      %dma_start3A_1166 = arith.constant 0 : i32
      %dma_start3A_1167 = tpu.memref_slice %arg6[%dma_start3A_1163, %dma_start3A_1165, %dma_start3A_1166] : memref<6x128x128xf32, #tpu.memory_space<vmem>> -> memref<1x128x128xf32, #tpu.memory_space<vmem>>
      %dma_start3A_1168 = tpu.memref_squeeze %dma_start3A_1167 : memref<1x128x128xf32, #tpu.memory_space<vmem>> -> memref<128x128xf32, #tpu.memory_space<vmem>>
      %dma_start3A_1169 = arith.constant 0 : i32
      %dma_start3A_1170 = tpu.memref_slice %arg5[%add3A_1162, %dma_start3A_1169] : memref<200x128xi32, #tpu.memory_space<vmem>> -> memref<1x128xi32, #tpu.memory_space<vmem>>
      %dma_start3A_1171 = tpu.memref_squeeze %dma_start3A_1170 : memref<1x128xi32, #tpu.memory_space<vmem>> -> memref<128xi32, #tpu.memory_space<vmem>>
      %dma_start3A_1172 = arith.constant 0 : i32
      %dma_start3A_1173 = arith.constant 0 : i32
      %dma_start3A_1174 = tpu.memref_slice %arg3[%dma_start3A_1172, %dma_start3A_1173] : memref<100000x128xf32, #tpu.memory_space<hbm>> -> memref<100000x128xf32, #tpu.memory_space<hbm>>
      %dma_start3A_1175 = tpu.memref_slice %arg7[%dma_start3A_1164] : memref<6x!tpu.dma_semaphore, #tpu.memory_space<semaphore_mem>> -> memref<1x!tpu.dma_semaphore, #tpu.memory_space<semaphore_mem>>
      %dma_start3A_1176 = tpu.memref_squeeze %dma_start3A_1175 : memref<1x!tpu.dma_semaphore, #tpu.memory_space<semaphore_mem>> -> memref<!tpu.dma_semaphore, #tpu.memory_space<semaphore_mem>>
      tpu.enqueue_indirect_dma source(%dma_start3A_1174 : memref<100000x128xf32, #tpu.memory_space<hbm>>) target(%dma_start3A_1168 : memref<128x128xf32, #tpu.memory_space<vmem>>) offsets(%dma_start3A_1171 : memref<128xi32, #tpu.memory_space<vmem>>) semaphore(%dma_start3A_1176 : memref<!tpu.dma_semaphore, #tpu.memory_space<semaphore_mem>>)
      %dma_wait3A_1177 = arith.constant 0 : i32
      %dma_wait3A_1178 = arith.constant 1 : i32
      %dma_wait3A_1179 = arith.constant 1 : i32
      %dma_wait3A_1180 = arith.constant 0 : i32
      %dma_wait3A_1181 = arith.constant 0 : i32
      %dma_wait3A_1182 = tpu.memref_slice %arg6[%dma_wait3A_1178, %dma_wait3A_1180, %dma_wait3A_1181] : memref<6x128x128xf32, #tpu.memory_space<vmem>> -> memref<1x128x128xf32, #tpu.memory_space<vmem>>
      %dma_wait3A_1183 = tpu.memref_squeeze %dma_wait3A_1182 : memref<1x128x128xf32, #tpu.memory_space<vmem>> -> memref<128x128xf32, #tpu.memory_space<vmem>>
      %dma_wait3A_1184 = arith.constant 0 : i32
      %dma_wait3A_1185 = arith.constant 0 : i32
      %dma_wait3A_1186 = tpu.memref_slice %arg4[%add3A, %dma_wait3A_1177, %dma_wait3A_1184, %dma_wait3A_1185] : memref<32x200x128x128xf32, #tpu.memory_space<hbm>> -> memref<1x1x128x128xf32, #tpu.memory_space<hbm>>
      %dma_wait3A_1187 = tpu.memref_squeeze %dma_wait3A_1186 : memref<1x1x128x128xf32, #tpu.memory_space<hbm>> -> memref<128x128xf32, #tpu.memory_space<hbm>>
      %dma_wait3A_1188 = tpu.memref_slice %arg7[%dma_wait3A_1179] : memref<6x!tpu.dma_semaphore, #tpu.memory_space<semaphore_mem>> -> memref<1x!tpu.dma_semaphore, #tpu.memory_space<semaphore_mem>>
      %dma_wait3A_1189 = tpu.memref_squeeze %dma_wait3A_1188 : memref<1x!tpu.dma_semaphore, #tpu.memory_space<semaphore_mem>> -> memref<!tpu.dma_semaphore, #tpu.memory_space<semaphore_mem>>
      %dma_wait3A_1190 = arith.constant 0 : i32
      %dma_wait3A_1191 = arith.constant 0 : i32
      %dma_wait3A_1192 = tpu.memref_slice %arg6[%dma_wait3A_1178, %dma_wait3A_1190, %dma_wait3A_1191] : memref<6x128x128xf32, #tpu.memory_space<vmem>> -> memref<1x128x128xf32, #tpu.memory_space<vmem>>
      %dma_wait3A_1193 = tpu.memref_squeeze %dma_wait3A_1192 : memref<1x128x128xf32, #tpu.memory_space<vmem>> -> memref<128x128xf32, #tpu.memory_space<vmem>>
      %dma_wait3A_1194 = arith.constant 0 : i32
      %dma_wait3A_1195 = arith.constant 0 : i32
      %dma_wait3A_1196 = tpu.memref_slice %arg4[%add3A, %dma_wait3A_1177, %dma_wait3A_1194, %dma_wait3A_1195] : memref<32x200x128x128xf32, #tpu.memory_space<hbm>> -> memref<1x1x128x128xf32, #tpu.memory_space<hbm>>
      %dma_wait3A_1197 = tpu.memref_squeeze %dma_wait3A_1196 : memref<1x1x128x128xf32, #tpu.memory_space<hbm>> -> memref<128x128xf32, #tpu.memory_space<hbm>>
      tpu.wait_dma2 semaphore(%dma_wait3A_1189 : memref<!tpu.dma_semaphore, #tpu.memory_space<semaphore_mem>>) src(%dma_wait3A_1197 : memref<128x128xf32, #tpu.memory_space<hbm>>) dst(%dma_wait3A_1193 : memref<128x128xf32, #tpu.memory_space<vmem>>)
      %dma_start3A_1198 = arith.constant 1 : i32
      %dma_start3A_1199 = arith.constant 1 : i32
      %dma_start3A_1200 = arith.constant 0 : i32
      %dma_start3A_1201 = arith.constant 0 : i32
      %dma_start3A_1202 = tpu.memref_slice %arg6[%dma_start3A_1198, %dma_start3A_1200, %dma_start3A_1201] : memref<6x128x128xf32, #tpu.memory_space<vmem>> -> memref<1x128x128xf32, #tpu.memory_space<vmem>>
      %dma_start3A_1203 = tpu.memref_squeeze %dma_start3A_1202 : memref<1x128x128xf32, #tpu.memory_space<vmem>> -> memref<128x128xf32, #tpu.memory_space<vmem>>
      %dma_start3A_1204 = arith.constant 0 : i32
      %dma_start3A_1205 = arith.constant 0 : i32
      %dma_start3A_1206 = tpu.memref_slice %arg4[%add3A, %add3A_1139, %dma_start3A_1204, %dma_start3A_1205] : memref<32x200x128x128xf32, #tpu.memory_space<hbm>> -> memref<1x1x128x128xf32, #tpu.memory_space<hbm>>
      %dma_start3A_1207 = tpu.memref_squeeze %dma_start3A_1206 : memref<1x1x128x128xf32, #tpu.memory_space<hbm>> -> memref<128x128xf32, #tpu.memory_space<hbm>>
      %dma_start3A_1208 = tpu.memref_slice %arg8[%dma_start3A_1199] : memref<6x!tpu.dma_semaphore, #tpu.memory_space<semaphore_mem>> -> memref<1x!tpu.dma_semaphore, #tpu.memory_space<semaphore_mem>>
      %dma_start3A_1209 = tpu.memref_squeeze %dma_start3A_1208 : memref<1x!tpu.dma_semaphore, #tpu.memory_space<semaphore_mem>> -> memref<!tpu.dma_semaphore, #tpu.memory_space<semaphore_mem>>
      %dma_start3A_1210 = arith.constant 0 : i32
      %dma_start3A_1211 = arith.constant 0 : i32
      %dma_start3A_1212 = tpu.memref_slice %arg4[%add3A, %add3A_1139, %dma_start3A_1210, %dma_start3A_1211] : memref<32x200x128x128xf32, #tpu.memory_space<hbm>> -> memref<1x1x128x128xf32, #tpu.memory_space<hbm>>
      %dma_start3A_1213 = tpu.memref_squeeze %dma_start3A_1212 : memref<1x1x128x128xf32, #tpu.memory_space<hbm>> -> memref<128x128xf32, #tpu.memory_space<hbm>>
      %dma_start3A_1214 = arith.constant 0 : i32
      %dma_start3A_1215 = arith.constant 0 : i32
      %dma_start3A_1216 = tpu.memref_slice %arg6[%dma_start3A_1198, %dma_start3A_1214, %dma_start3A_1215] : memref<6x128x128xf32, #tpu.memory_space<vmem>> -> memref<1x128x128xf32, #tpu.memory_space<vmem>>
      %dma_start3A_1217 = tpu.memref_squeeze %dma_start3A_1216 : memref<1x128x128xf32, #tpu.memory_space<vmem>> -> memref<128x128xf32, #tpu.memory_space<vmem>>
      tpu.enqueue_dma source(%dma_start3A_1217 : memref<128x128xf32, #tpu.memory_space<vmem>>) target(%dma_start3A_1213 : memref<128x128xf32, #tpu.memory_space<hbm>>) target_semaphore(%dma_start3A_1209 : memref<!tpu.dma_semaphore, #tpu.memory_space<semaphore_mem>>)
      %add3A_1218 = arith.constant 2 : i32
      %add3A_1219 = arith.addi %add3A_1057, %add3A_1218 : i32
      %dma_wait3A_1220 = arith.constant 0 : i32
      %dma_wait3A_1221 = arith.constant 4 : i32
      %dma_wait3A_1222 = arith.constant 4 : i32
      %dma_wait3A_1223 = arith.constant 0 : i32
      %dma_wait3A_1224 = arith.constant 0 : i32
      %dma_wait3A_1225 = tpu.memref_slice %arg6[%dma_wait3A_1221, %dma_wait3A_1223, %dma_wait3A_1224] : memref<6x128x128xf32, #tpu.memory_space<vmem>> -> memref<1x128x128xf32, #tpu.memory_space<vmem>>
      %dma_wait3A_1226 = tpu.memref_squeeze %dma_wait3A_1225 : memref<1x128x128xf32, #tpu.memory_space<vmem>> -> memref<128x128xf32, #tpu.memory_space<vmem>>
      %dma_wait3A_1227 = arith.constant 0 : i32
      %dma_wait3A_1228 = arith.constant 0 : i32
      %dma_wait3A_1229 = tpu.memref_slice %arg4[%add3A, %dma_wait3A_1220, %dma_wait3A_1227, %dma_wait3A_1228] : memref<32x200x128x128xf32, #tpu.memory_space<hbm>> -> memref<1x1x128x128xf32, #tpu.memory_space<hbm>>
      %dma_wait3A_1230 = tpu.memref_squeeze %dma_wait3A_1229 : memref<1x1x128x128xf32, #tpu.memory_space<hbm>> -> memref<128x128xf32, #tpu.memory_space<hbm>>
      %dma_wait3A_1231 = tpu.memref_slice %arg8[%dma_wait3A_1222] : memref<6x!tpu.dma_semaphore, #tpu.memory_space<semaphore_mem>> -> memref<1x!tpu.dma_semaphore, #tpu.memory_space<semaphore_mem>>
      %dma_wait3A_1232 = tpu.memref_squeeze %dma_wait3A_1231 : memref<1x!tpu.dma_semaphore, #tpu.memory_space<semaphore_mem>> -> memref<!tpu.dma_semaphore, #tpu.memory_space<semaphore_mem>>
      %dma_wait3A_1233 = arith.constant 0 : i32
      %dma_wait3A_1234 = arith.constant 0 : i32
      %dma_wait3A_1235 = tpu.memref_slice %arg6[%dma_wait3A_1221, %dma_wait3A_1233, %dma_wait3A_1234] : memref<6x128x128xf32, #tpu.memory_space<vmem>> -> memref<1x128x128xf32, #tpu.memory_space<vmem>>
      %dma_wait3A_1236 = tpu.memref_squeeze %dma_wait3A_1235 : memref<1x128x128xf32, #tpu.memory_space<vmem>> -> memref<128x128xf32, #tpu.memory_space<vmem>>
      %dma_wait3A_1237 = arith.constant 0 : i32
      %dma_wait3A_1238 = arith.constant 0 : i32
      %dma_wait3A_1239 = tpu.memref_slice %arg4[%add3A, %dma_wait3A_1220, %dma_wait3A_1237, %dma_wait3A_1238] : memref<32x200x128x128xf32, #tpu.memory_space<hbm>> -> memref<1x1x128x128xf32, #tpu.memory_space<hbm>>
      %dma_wait3A_1240 = tpu.memref_squeeze %dma_wait3A_1239 : memref<1x1x128x128xf32, #tpu.memory_space<hbm>> -> memref<128x128xf32, #tpu.memory_space<hbm>>
      tpu.wait_dma2 semaphore(%dma_wait3A_1232 : memref<!tpu.dma_semaphore, #tpu.memory_space<semaphore_mem>>) src(%dma_wait3A_1240 : memref<128x128xf32, #tpu.memory_space<hbm>>) dst(%dma_wait3A_1236 : memref<128x128xf32, #tpu.memory_space<vmem>>)
      %add3A_1241 = arith.constant 2 : i32
      %add3A_1242 = arith.addi %add3A_1219, %add3A_1241 : i32
      %dma_start3A_1243 = arith.constant 4 : i32
      %dma_start3A_1244 = arith.constant 4 : i32
      %dma_start3A_1245 = arith.constant 0 : i32
      %dma_start3A_1246 = arith.constant 0 : i32
      %dma_start3A_1247 = tpu.memref_slice %arg6[%dma_start3A_1243, %dma_start3A_1245, %dma_start3A_1246] : memref<6x128x128xf32, #tpu.memory_space<vmem>> -> memref<1x128x128xf32, #tpu.memory_space<vmem>>
      %dma_start3A_1248 = tpu.memref_squeeze %dma_start3A_1247 : memref<1x128x128xf32, #tpu.memory_space<vmem>> -> memref<128x128xf32, #tpu.memory_space<vmem>>
      %dma_start3A_1249 = arith.constant 0 : i32
      %dma_start3A_1250 = tpu.memref_slice %arg5[%add3A_1242, %dma_start3A_1249] : memref<200x128xi32, #tpu.memory_space<vmem>> -> memref<1x128xi32, #tpu.memory_space<vmem>>
      %dma_start3A_1251 = tpu.memref_squeeze %dma_start3A_1250 : memref<1x128xi32, #tpu.memory_space<vmem>> -> memref<128xi32, #tpu.memory_space<vmem>>
      %dma_start3A_1252 = arith.constant 0 : i32
      %dma_start3A_1253 = arith.constant 0 : i32
      %dma_start3A_1254 = tpu.memref_slice %arg3[%dma_start3A_1252, %dma_start3A_1253] : memref<100000x128xf32, #tpu.memory_space<hbm>> -> memref<100000x128xf32, #tpu.memory_space<hbm>>
      %dma_start3A_1255 = tpu.memref_slice %arg7[%dma_start3A_1244] : memref<6x!tpu.dma_semaphore, #tpu.memory_space<semaphore_mem>> -> memref<1x!tpu.dma_semaphore, #tpu.memory_space<semaphore_mem>>
      %dma_start3A_1256 = tpu.memref_squeeze %dma_start3A_1255 : memref<1x!tpu.dma_semaphore, #tpu.memory_space<semaphore_mem>> -> memref<!tpu.dma_semaphore, #tpu.memory_space<semaphore_mem>>
      tpu.enqueue_indirect_dma source(%dma_start3A_1254 : memref<100000x128xf32, #tpu.memory_space<hbm>>) target(%dma_start3A_1248 : memref<128x128xf32, #tpu.memory_space<vmem>>) offsets(%dma_start3A_1251 : memref<128xi32, #tpu.memory_space<vmem>>) semaphore(%dma_start3A_1256 : memref<!tpu.dma_semaphore, #tpu.memory_space<semaphore_mem>>)
      %dma_wait3A_1257 = arith.constant 0 : i32
      %dma_wait3A_1258 = arith.constant 2 : i32
      %dma_wait3A_1259 = arith.constant 2 : i32
      %dma_wait3A_1260 = arith.constant 0 : i32
      %dma_wait3A_1261 = arith.constant 0 : i32
      %dma_wait3A_1262 = tpu.memref_slice %arg6[%dma_wait3A_1258, %dma_wait3A_1260, %dma_wait3A_1261] : memref<6x128x128xf32, #tpu.memory_space<vmem>> -> memref<1x128x128xf32, #tpu.memory_space<vmem>>
      %dma_wait3A_1263 = tpu.memref_squeeze %dma_wait3A_1262 : memref<1x128x128xf32, #tpu.memory_space<vmem>> -> memref<128x128xf32, #tpu.memory_space<vmem>>
      %dma_wait3A_1264 = arith.constant 0 : i32
      %dma_wait3A_1265 = arith.constant 0 : i32
      %dma_wait3A_1266 = tpu.memref_slice %arg4[%add3A, %dma_wait3A_1257, %dma_wait3A_1264, %dma_wait3A_1265] : memref<32x200x128x128xf32, #tpu.memory_space<hbm>> -> memref<1x1x128x128xf32, #tpu.memory_space<hbm>>
      %dma_wait3A_1267 = tpu.memref_squeeze %dma_wait3A_1266 : memref<1x1x128x128xf32, #tpu.memory_space<hbm>> -> memref<128x128xf32, #tpu.memory_space<hbm>>
      %dma_wait3A_1268 = tpu.memref_slice %arg7[%dma_wait3A_1259] : memref<6x!tpu.dma_semaphore, #tpu.memory_space<semaphore_mem>> -> memref<1x!tpu.dma_semaphore, #tpu.memory_space<semaphore_mem>>
      %dma_wait3A_1269 = tpu.memref_squeeze %dma_wait3A_1268 : memref<1x!tpu.dma_semaphore, #tpu.memory_space<semaphore_mem>> -> memref<!tpu.dma_semaphore, #tpu.memory_space<semaphore_mem>>
      %dma_wait3A_1270 = arith.constant 0 : i32
      %dma_wait3A_1271 = arith.constant 0 : i32
      %dma_wait3A_1272 = tpu.memref_slice %arg6[%dma_wait3A_1258, %dma_wait3A_1270, %dma_wait3A_1271] : memref<6x128x128xf32, #tpu.memory_space<vmem>> -> memref<1x128x128xf32, #tpu.memory_space<vmem>>
      %dma_wait3A_1273 = tpu.memref_squeeze %dma_wait3A_1272 : memref<1x128x128xf32, #tpu.memory_space<vmem>> -> memref<128x128xf32, #tpu.memory_space<vmem>>
      %dma_wait3A_1274 = arith.constant 0 : i32
      %dma_wait3A_1275 = arith.constant 0 : i32
      %dma_wait3A_1276 = tpu.memref_slice %arg4[%add3A, %dma_wait3A_1257, %dma_wait3A_1274, %dma_wait3A_1275] : memref<32x200x128x128xf32, #tpu.memory_space<hbm>> -> memref<1x1x128x128xf32, #tpu.memory_space<hbm>>
      %dma_wait3A_1277 = tpu.memref_squeeze %dma_wait3A_1276 : memref<1x1x128x128xf32, #tpu.memory_space<hbm>> -> memref<128x128xf32, #tpu.memory_space<hbm>>
      tpu.wait_dma2 semaphore(%dma_wait3A_1269 : memref<!tpu.dma_semaphore, #tpu.memory_space<semaphore_mem>>) src(%dma_wait3A_1277 : memref<128x128xf32, #tpu.memory_space<hbm>>) dst(%dma_wait3A_1273 : memref<128x128xf32, #tpu.memory_space<vmem>>)
      %dma_start3A_1278 = arith.constant 2 : i32
      %dma_start3A_1279 = arith.constant 2 : i32
      %dma_start3A_1280 = arith.constant 0 : i32
      %dma_start3A_1281 = arith.constant 0 : i32
      %dma_start3A_1282 = tpu.memref_slice %arg6[%dma_start3A_1278, %dma_start3A_1280, %dma_start3A_1281] : memref<6x128x128xf32, #tpu.memory_space<vmem>> -> memref<1x128x128xf32, #tpu.memory_space<vmem>>
      %dma_start3A_1283 = tpu.memref_squeeze %dma_start3A_1282 : memref<1x128x128xf32, #tpu.memory_space<vmem>> -> memref<128x128xf32, #tpu.memory_space<vmem>>
      %dma_start3A_1284 = arith.constant 0 : i32
      %dma_start3A_1285 = arith.constant 0 : i32
      %dma_start3A_1286 = tpu.memref_slice %arg4[%add3A, %add3A_1219, %dma_start3A_1284, %dma_start3A_1285] : memref<32x200x128x128xf32, #tpu.memory_space<hbm>> -> memref<1x1x128x128xf32, #tpu.memory_space<hbm>>
      %dma_start3A_1287 = tpu.memref_squeeze %dma_start3A_1286 : memref<1x1x128x128xf32, #tpu.memory_space<hbm>> -> memref<128x128xf32, #tpu.memory_space<hbm>>
      %dma_start3A_1288 = tpu.memref_slice %arg8[%dma_start3A_1279] : memref<6x!tpu.dma_semaphore, #tpu.memory_space<semaphore_mem>> -> memref<1x!tpu.dma_semaphore, #tpu.memory_space<semaphore_mem>>
      %dma_start3A_1289 = tpu.memref_squeeze %dma_start3A_1288 : memref<1x!tpu.dma_semaphore, #tpu.memory_space<semaphore_mem>> -> memref<!tpu.dma_semaphore, #tpu.memory_space<semaphore_mem>>
      %dma_start3A_1290 = arith.constant 0 : i32
      %dma_start3A_1291 = arith.constant 0 : i32
      %dma_start3A_1292 = tpu.memref_slice %arg4[%add3A, %add3A_1219, %dma_start3A_1290, %dma_start3A_1291] : memref<32x200x128x128xf32, #tpu.memory_space<hbm>> -> memref<1x1x128x128xf32, #tpu.memory_space<hbm>>
      %dma_start3A_1293 = tpu.memref_squeeze %dma_start3A_1292 : memref<1x1x128x128xf32, #tpu.memory_space<hbm>> -> memref<128x128xf32, #tpu.memory_space<hbm>>
      %dma_start3A_1294 = arith.constant 0 : i32
      %dma_start3A_1295 = arith.constant 0 : i32
      %dma_start3A_1296 = tpu.memref_slice %arg6[%dma_start3A_1278, %dma_start3A_1294, %dma_start3A_1295] : memref<6x128x128xf32, #tpu.memory_space<vmem>> -> memref<1x128x128xf32, #tpu.memory_space<vmem>>
      %dma_start3A_1297 = tpu.memref_squeeze %dma_start3A_1296 : memref<1x128x128xf32, #tpu.memory_space<vmem>> -> memref<128x128xf32, #tpu.memory_space<vmem>>
      tpu.enqueue_dma source(%dma_start3A_1297 : memref<128x128xf32, #tpu.memory_space<vmem>>) target(%dma_start3A_1293 : memref<128x128xf32, #tpu.memory_space<hbm>>) target_semaphore(%dma_start3A_1289 : memref<!tpu.dma_semaphore, #tpu.memory_space<semaphore_mem>>)
      %add3A_1298 = arith.constant 3 : i32
      %add3A_1299 = arith.addi %add3A_1057, %add3A_1298 : i32
      %dma_wait3A_1300 = arith.constant 0 : i32
      %dma_wait3A_1301 = arith.constant 5 : i32
      %dma_wait3A_1302 = arith.constant 5 : i32
      %dma_wait3A_1303 = arith.constant 0 : i32
      %dma_wait3A_1304 = arith.constant 0 : i32
      %dma_wait3A_1305 = tpu.memref_slice %arg6[%dma_wait3A_1301, %dma_wait3A_1303, %dma_wait3A_1304] : memref<6x128x128xf32, #tpu.memory_space<vmem>> -> memref<1x128x128xf32, #tpu.memory_space<vmem>>
      %dma_wait3A_1306 = tpu.memref_squeeze %dma_wait3A_1305 : memref<1x128x128xf32, #tpu.memory_space<vmem>> -> memref<128x128xf32, #tpu.memory_space<vmem>>
      %dma_wait3A_1307 = arith.constant 0 : i32
      %dma_wait3A_1308 = arith.constant 0 : i32
      %dma_wait3A_1309 = tpu.memref_slice %arg4[%add3A, %dma_wait3A_1300, %dma_wait3A_1307, %dma_wait3A_1308] : memref<32x200x128x128xf32, #tpu.memory_space<hbm>> -> memref<1x1x128x128xf32, #tpu.memory_space<hbm>>
      %dma_wait3A_1310 = tpu.memref_squeeze %dma_wait3A_1309 : memref<1x1x128x128xf32, #tpu.memory_space<hbm>> -> memref<128x128xf32, #tpu.memory_space<hbm>>
      %dma_wait3A_1311 = tpu.memref_slice %arg8[%dma_wait3A_1302] : memref<6x!tpu.dma_semaphore, #tpu.memory_space<semaphore_mem>> -> memref<1x!tpu.dma_semaphore, #tpu.memory_space<semaphore_mem>>
      %dma_wait3A_1312 = tpu.memref_squeeze %dma_wait3A_1311 : memref<1x!tpu.dma_semaphore, #tpu.memory_space<semaphore_mem>> -> memref<!tpu.dma_semaphore, #tpu.memory_space<semaphore_mem>>
      %dma_wait3A_1313 = arith.constant 0 : i32
      %dma_wait3A_1314 = arith.constant 0 : i32
      %dma_wait3A_1315 = tpu.memref_slice %arg6[%dma_wait3A_1301, %dma_wait3A_1313, %dma_wait3A_1314] : memref<6x128x128xf32, #tpu.memory_space<vmem>> -> memref<1x128x128xf32, #tpu.memory_space<vmem>>
      %dma_wait3A_1316 = tpu.memref_squeeze %dma_wait3A_1315 : memref<1x128x128xf32, #tpu.memory_space<vmem>> -> memref<128x128xf32, #tpu.memory_space<vmem>>
      %dma_wait3A_1317 = arith.constant 0 : i32
      %dma_wait3A_1318 = arith.constant 0 : i32
      %dma_wait3A_1319 = tpu.memref_slice %arg4[%add3A, %dma_wait3A_1300, %dma_wait3A_1317, %dma_wait3A_1318] : memref<32x200x128x128xf32, #tpu.memory_space<hbm>> -> memref<1x1x128x128xf32, #tpu.memory_space<hbm>>
      %dma_wait3A_1320 = tpu.memref_squeeze %dma_wait3A_1319 : memref<1x1x128x128xf32, #tpu.memory_space<hbm>> -> memref<128x128xf32, #tpu.memory_space<hbm>>
      tpu.wait_dma2 semaphore(%dma_wait3A_1312 : memref<!tpu.dma_semaphore, #tpu.memory_space<semaphore_mem>>) src(%dma_wait3A_1320 : memref<128x128xf32, #tpu.memory_space<hbm>>) dst(%dma_wait3A_1316 : memref<128x128xf32, #tpu.memory_space<vmem>>)
      %add3A_1321 = arith.constant 2 : i32
      %add3A_1322 = arith.addi %add3A_1299, %add3A_1321 : i32
      %dma_start3A_1323 = arith.constant 5 : i32
      %dma_start3A_1324 = arith.constant 5 : i32
      %dma_start3A_1325 = arith.constant 0 : i32
      %dma_start3A_1326 = arith.constant 0 : i32
      %dma_start3A_1327 = tpu.memref_slice %arg6[%dma_start3A_1323, %dma_start3A_1325, %dma_start3A_1326] : memref<6x128x128xf32, #tpu.memory_space<vmem>> -> memref<1x128x128xf32, #tpu.memory_space<vmem>>
      %dma_start3A_1328 = tpu.memref_squeeze %dma_start3A_1327 : memref<1x128x128xf32, #tpu.memory_space<vmem>> -> memref<128x128xf32, #tpu.memory_space<vmem>>
      %dma_start3A_1329 = arith.constant 0 : i32
      %dma_start3A_1330 = tpu.memref_slice %arg5[%add3A_1322, %dma_start3A_1329] : memref<200x128xi32, #tpu.memory_space<vmem>> -> memref<1x128xi32, #tpu.memory_space<vmem>>
      %dma_start3A_1331 = tpu.memref_squeeze %dma_start3A_1330 : memref<1x128xi32, #tpu.memory_space<vmem>> -> memref<128xi32, #tpu.memory_space<vmem>>
      %dma_start3A_1332 = arith.constant 0 : i32
      %dma_start3A_1333 = arith.constant 0 : i32
      %dma_start3A_1334 = tpu.memref_slice %arg3[%dma_start3A_1332, %dma_start3A_1333] : memref<100000x128xf32, #tpu.memory_space<hbm>> -> memref<100000x128xf32, #tpu.memory_space<hbm>>
      %dma_start3A_1335 = tpu.memref_slice %arg7[%dma_start3A_1324] : memref<6x!tpu.dma_semaphore, #tpu.memory_space<semaphore_mem>> -> memref<1x!tpu.dma_semaphore, #tpu.memory_space<semaphore_mem>>
      %dma_start3A_1336 = tpu.memref_squeeze %dma_start3A_1335 : memref<1x!tpu.dma_semaphore, #tpu.memory_space<semaphore_mem>> -> memref<!tpu.dma_semaphore, #tpu.memory_space<semaphore_mem>>
      tpu.enqueue_indirect_dma source(%dma_start3A_1334 : memref<100000x128xf32, #tpu.memory_space<hbm>>) target(%dma_start3A_1328 : memref<128x128xf32, #tpu.memory_space<vmem>>) offsets(%dma_start3A_1331 : memref<128xi32, #tpu.memory_space<vmem>>) semaphore(%dma_start3A_1336 : memref<!tpu.dma_semaphore, #tpu.memory_space<semaphore_mem>>)
      %dma_wait3A_1337 = arith.constant 0 : i32
      %dma_wait3A_1338 = arith.constant 3 : i32
      %dma_wait3A_1339 = arith.constant 3 : i32
      %dma_wait3A_1340 = arith.constant 0 : i32
      %dma_wait3A_1341 = arith.constant 0 : i32
      %dma_wait3A_1342 = tpu.memref_slice %arg6[%dma_wait3A_1338, %dma_wait3A_1340, %dma_wait3A_1341] : memref<6x128x128xf32, #tpu.memory_space<vmem>> -> memref<1x128x128xf32, #tpu.memory_space<vmem>>
      %dma_wait3A_1343 = tpu.memref_squeeze %dma_wait3A_1342 : memref<1x128x128xf32, #tpu.memory_space<vmem>> -> memref<128x128xf32, #tpu.memory_space<vmem>>
      %dma_wait3A_1344 = arith.constant 0 : i32
      %dma_wait3A_1345 = arith.constant 0 : i32
      %dma_wait3A_1346 = tpu.memref_slice %arg4[%add3A, %dma_wait3A_1337, %dma_wait3A_1344, %dma_wait3A_1345] : memref<32x200x128x128xf32, #tpu.memory_space<hbm>> -> memref<1x1x128x128xf32, #tpu.memory_space<hbm>>
      %dma_wait3A_1347 = tpu.memref_squeeze %dma_wait3A_1346 : memref<1x1x128x128xf32, #tpu.memory_space<hbm>> -> memref<128x128xf32, #tpu.memory_space<hbm>>
      %dma_wait3A_1348 = tpu.memref_slice %arg7[%dma_wait3A_1339] : memref<6x!tpu.dma_semaphore, #tpu.memory_space<semaphore_mem>> -> memref<1x!tpu.dma_semaphore, #tpu.memory_space<semaphore_mem>>
      %dma_wait3A_1349 = tpu.memref_squeeze %dma_wait3A_1348 : memref<1x!tpu.dma_semaphore, #tpu.memory_space<semaphore_mem>> -> memref<!tpu.dma_semaphore, #tpu.memory_space<semaphore_mem>>
      %dma_wait3A_1350 = arith.constant 0 : i32
      %dma_wait3A_1351 = arith.constant 0 : i32
      %dma_wait3A_1352 = tpu.memref_slice %arg6[%dma_wait3A_1338, %dma_wait3A_1350, %dma_wait3A_1351] : memref<6x128x128xf32, #tpu.memory_space<vmem>> -> memref<1x128x128xf32, #tpu.memory_space<vmem>>
      %dma_wait3A_1353 = tpu.memref_squeeze %dma_wait3A_1352 : memref<1x128x128xf32, #tpu.memory_space<vmem>> -> memref<128x128xf32, #tpu.memory_space<vmem>>
      %dma_wait3A_1354 = arith.constant 0 : i32
      %dma_wait3A_1355 = arith.constant 0 : i32
      %dma_wait3A_1356 = tpu.memref_slice %arg4[%add3A, %dma_wait3A_1337, %dma_wait3A_1354, %dma_wait3A_1355] : memref<32x200x128x128xf32, #tpu.memory_space<hbm>> -> memref<1x1x128x128xf32, #tpu.memory_space<hbm>>
      %dma_wait3A_1357 = tpu.memref_squeeze %dma_wait3A_1356 : memref<1x1x128x128xf32, #tpu.memory_space<hbm>> -> memref<128x128xf32, #tpu.memory_space<hbm>>
      tpu.wait_dma2 semaphore(%dma_wait3A_1349 : memref<!tpu.dma_semaphore, #tpu.memory_space<semaphore_mem>>) src(%dma_wait3A_1357 : memref<128x128xf32, #tpu.memory_space<hbm>>) dst(%dma_wait3A_1353 : memref<128x128xf32, #tpu.memory_space<vmem>>)
      %dma_start3A_1358 = arith.constant 3 : i32
      %dma_start3A_1359 = arith.constant 3 : i32
      %dma_start3A_1360 = arith.constant 0 : i32
      %dma_start3A_1361 = arith.constant 0 : i32
      %dma_start3A_1362 = tpu.memref_slice %arg6[%dma_start3A_1358, %dma_start3A_1360, %dma_start3A_1361] : memref<6x128x128xf32, #tpu.memory_space<vmem>> -> memref<1x128x128xf32, #tpu.memory_space<vmem>>
      %dma_start3A_1363 = tpu.memref_squeeze %dma_start3A_1362 : memref<1x128x128xf32, #tpu.memory_space<vmem>> -> memref<128x128xf32, #tpu.memory_space<vmem>>
      %dma_start3A_1364 = arith.constant 0 : i32
      %dma_start3A_1365 = arith.constant 0 : i32
      %dma_start3A_1366 = tpu.memref_slice %arg4[%add3A, %add3A_1299, %dma_start3A_1364, %dma_start3A_1365] : memref<32x200x128x128xf32, #tpu.memory_space<hbm>> -> memref<1x1x128x128xf32, #tpu.memory_space<hbm>>
      %dma_start3A_1367 = tpu.memref_squeeze %dma_start3A_1366 : memref<1x1x128x128xf32, #tpu.memory_space<hbm>> -> memref<128x128xf32, #tpu.memory_space<hbm>>
      %dma_start3A_1368 = tpu.memref_slice %arg8[%dma_start3A_1359] : memref<6x!tpu.dma_semaphore, #tpu.memory_space<semaphore_mem>> -> memref<1x!tpu.dma_semaphore, #tpu.memory_space<semaphore_mem>>
      %dma_start3A_1369 = tpu.memref_squeeze %dma_start3A_1368 : memref<1x!tpu.dma_semaphore, #tpu.memory_space<semaphore_mem>> -> memref<!tpu.dma_semaphore, #tpu.memory_space<semaphore_mem>>
      %dma_start3A_1370 = arith.constant 0 : i32
      %dma_start3A_1371 = arith.constant 0 : i32
      %dma_start3A_1372 = tpu.memref_slice %arg4[%add3A, %add3A_1299, %dma_start3A_1370, %dma_start3A_1371] : memref<32x200x128x128xf32, #tpu.memory_space<hbm>> -> memref<1x1x128x128xf32, #tpu.memory_space<hbm>>
      %dma_start3A_1373 = tpu.memref_squeeze %dma_start3A_1372 : memref<1x1x128x128xf32, #tpu.memory_space<hbm>> -> memref<128x128xf32, #tpu.memory_space<hbm>>
      %dma_start3A_1374 = arith.constant 0 : i32
      %dma_start3A_1375 = arith.constant 0 : i32
      %dma_start3A_1376 = tpu.memref_slice %arg6[%dma_start3A_1358, %dma_start3A_1374, %dma_start3A_1375] : memref<6x128x128xf32, #tpu.memory_space<vmem>> -> memref<1x128x128xf32, #tpu.memory_space<vmem>>
      %dma_start3A_1377 = tpu.memref_squeeze %dma_start3A_1376 : memref<1x128x128xf32, #tpu.memory_space<vmem>> -> memref<128x128xf32, #tpu.memory_space<vmem>>
      tpu.enqueue_dma source(%dma_start3A_1377 : memref<128x128xf32, #tpu.memory_space<vmem>>) target(%dma_start3A_1373 : memref<128x128xf32, #tpu.memory_space<hbm>>) target_semaphore(%dma_start3A_1369 : memref<!tpu.dma_semaphore, #tpu.memory_space<semaphore_mem>>)
      %add3A_1378 = arith.constant 4 : i32
      %add3A_1379 = arith.addi %add3A_1057, %add3A_1378 : i32
      %dma_wait3A_1380 = arith.constant 0 : i32
      %dma_wait3A_1381 = arith.constant 0 : i32
      %dma_wait3A_1382 = arith.constant 0 : i32
      %dma_wait3A_1383 = arith.constant 0 : i32
      %dma_wait3A_1384 = arith.constant 0 : i32
      %dma_wait3A_1385 = tpu.memref_slice %arg6[%dma_wait3A_1381, %dma_wait3A_1383, %dma_wait3A_1384] : memref<6x128x128xf32, #tpu.memory_space<vmem>> -> memref<1x128x128xf32, #tpu.memory_space<vmem>>
      %dma_wait3A_1386 = tpu.memref_squeeze %dma_wait3A_1385 : memref<1x128x128xf32, #tpu.memory_space<vmem>> -> memref<128x128xf32, #tpu.memory_space<vmem>>
      %dma_wait3A_1387 = arith.constant 0 : i32
      %dma_wait3A_1388 = arith.constant 0 : i32
      %dma_wait3A_1389 = tpu.memref_slice %arg4[%add3A, %dma_wait3A_1380, %dma_wait3A_1387, %dma_wait3A_1388] : memref<32x200x128x128xf32, #tpu.memory_space<hbm>> -> memref<1x1x128x128xf32, #tpu.memory_space<hbm>>
      %dma_wait3A_1390 = tpu.memref_squeeze %dma_wait3A_1389 : memref<1x1x128x128xf32, #tpu.memory_space<hbm>> -> memref<128x128xf32, #tpu.memory_space<hbm>>
      %dma_wait3A_1391 = tpu.memref_slice %arg8[%dma_wait3A_1382] : memref<6x!tpu.dma_semaphore, #tpu.memory_space<semaphore_mem>> -> memref<1x!tpu.dma_semaphore, #tpu.memory_space<semaphore_mem>>
      %dma_wait3A_1392 = tpu.memref_squeeze %dma_wait3A_1391 : memref<1x!tpu.dma_semaphore, #tpu.memory_space<semaphore_mem>> -> memref<!tpu.dma_semaphore, #tpu.memory_space<semaphore_mem>>
      %dma_wait3A_1393 = arith.constant 0 : i32
      %dma_wait3A_1394 = arith.constant 0 : i32
      %dma_wait3A_1395 = tpu.memref_slice %arg6[%dma_wait3A_1381, %dma_wait3A_1393, %dma_wait3A_1394] : memref<6x128x128xf32, #tpu.memory_space<vmem>> -> memref<1x128x128xf32, #tpu.memory_space<vmem>>
      %dma_wait3A_1396 = tpu.memref_squeeze %dma_wait3A_1395 : memref<1x128x128xf32, #tpu.memory_space<vmem>> -> memref<128x128xf32, #tpu.memory_space<vmem>>
      %dma_wait3A_1397 = arith.constant 0 : i32
      %dma_wait3A_1398 = arith.constant 0 : i32
      %dma_wait3A_1399 = tpu.memref_slice %arg4[%add3A, %dma_wait3A_1380, %dma_wait3A_1397, %dma_wait3A_1398] : memref<32x200x128x128xf32, #tpu.memory_space<hbm>> -> memref<1x1x128x128xf32, #tpu.memory_space<hbm>>
      %dma_wait3A_1400 = tpu.memref_squeeze %dma_wait3A_1399 : memref<1x1x128x128xf32, #tpu.memory_space<hbm>> -> memref<128x128xf32, #tpu.memory_space<hbm>>
      tpu.wait_dma2 semaphore(%dma_wait3A_1392 : memref<!tpu.dma_semaphore, #tpu.memory_space<semaphore_mem>>) src(%dma_wait3A_1400 : memref<128x128xf32, #tpu.memory_space<hbm>>) dst(%dma_wait3A_1396 : memref<128x128xf32, #tpu.memory_space<vmem>>)
      %add3A_1401 = arith.constant 2 : i32
      %add3A_1402 = arith.addi %add3A_1379, %add3A_1401 : i32
      %dma_start3A_1403 = arith.constant 0 : i32
      %dma_start3A_1404 = arith.constant 0 : i32
      %dma_start3A_1405 = arith.constant 0 : i32
      %dma_start3A_1406 = arith.constant 0 : i32
      %dma_start3A_1407 = tpu.memref_slice %arg6[%dma_start3A_1403, %dma_start3A_1405, %dma_start3A_1406] : memref<6x128x128xf32, #tpu.memory_space<vmem>> -> memref<1x128x128xf32, #tpu.memory_space<vmem>>
      %dma_start3A_1408 = tpu.memref_squeeze %dma_start3A_1407 : memref<1x128x128xf32, #tpu.memory_space<vmem>> -> memref<128x128xf32, #tpu.memory_space<vmem>>
      %dma_start3A_1409 = arith.constant 0 : i32
      %dma_start3A_1410 = tpu.memref_slice %arg5[%add3A_1402, %dma_start3A_1409] : memref<200x128xi32, #tpu.memory_space<vmem>> -> memref<1x128xi32, #tpu.memory_space<vmem>>
      %dma_start3A_1411 = tpu.memref_squeeze %dma_start3A_1410 : memref<1x128xi32, #tpu.memory_space<vmem>> -> memref<128xi32, #tpu.memory_space<vmem>>
      %dma_start3A_1412 = arith.constant 0 : i32
      %dma_start3A_1413 = arith.constant 0 : i32
      %dma_start3A_1414 = tpu.memref_slice %arg3[%dma_start3A_1412, %dma_start3A_1413] : memref<100000x128xf32, #tpu.memory_space<hbm>> -> memref<100000x128xf32, #tpu.memory_space<hbm>>
      %dma_start3A_1415 = tpu.memref_slice %arg7[%dma_start3A_1404] : memref<6x!tpu.dma_semaphore, #tpu.memory_space<semaphore_mem>> -> memref<1x!tpu.dma_semaphore, #tpu.memory_space<semaphore_mem>>
      %dma_start3A_1416 = tpu.memref_squeeze %dma_start3A_1415 : memref<1x!tpu.dma_semaphore, #tpu.memory_space<semaphore_mem>> -> memref<!tpu.dma_semaphore, #tpu.memory_space<semaphore_mem>>
      tpu.enqueue_indirect_dma source(%dma_start3A_1414 : memref<100000x128xf32, #tpu.memory_space<hbm>>) target(%dma_start3A_1408 : memref<128x128xf32, #tpu.memory_space<vmem>>) offsets(%dma_start3A_1411 : memref<128xi32, #tpu.memory_space<vmem>>) semaphore(%dma_start3A_1416 : memref<!tpu.dma_semaphore, #tpu.memory_space<semaphore_mem>>)
      %dma_wait3A_1417 = arith.constant 0 : i32
      %dma_wait3A_1418 = arith.constant 4 : i32
      %dma_wait3A_1419 = arith.constant 4 : i32
      %dma_wait3A_1420 = arith.constant 0 : i32
      %dma_wait3A_1421 = arith.constant 0 : i32
      %dma_wait3A_1422 = tpu.memref_slice %arg6[%dma_wait3A_1418, %dma_wait3A_1420, %dma_wait3A_1421] : memref<6x128x128xf32, #tpu.memory_space<vmem>> -> memref<1x128x128xf32, #tpu.memory_space<vmem>>
      %dma_wait3A_1423 = tpu.memref_squeeze %dma_wait3A_1422 : memref<1x128x128xf32, #tpu.memory_space<vmem>> -> memref<128x128xf32, #tpu.memory_space<vmem>>
      %dma_wait3A_1424 = arith.constant 0 : i32
      %dma_wait3A_1425 = arith.constant 0 : i32
      %dma_wait3A_1426 = tpu.memref_slice %arg4[%add3A, %dma_wait3A_1417, %dma_wait3A_1424, %dma_wait3A_1425] : memref<32x200x128x128xf32, #tpu.memory_space<hbm>> -> memref<1x1x128x128xf32, #tpu.memory_space<hbm>>
      %dma_wait3A_1427 = tpu.memref_squeeze %dma_wait3A_1426 : memref<1x1x128x128xf32, #tpu.memory_space<hbm>> -> memref<128x128xf32, #tpu.memory_space<hbm>>
      %dma_wait3A_1428 = tpu.memref_slice %arg7[%dma_wait3A_1419] : memref<6x!tpu.dma_semaphore, #tpu.memory_space<semaphore_mem>> -> memref<1x!tpu.dma_semaphore, #tpu.memory_space<semaphore_mem>>
      %dma_wait3A_1429 = tpu.memref_squeeze %dma_wait3A_1428 : memref<1x!tpu.dma_semaphore, #tpu.memory_space<semaphore_mem>> -> memref<!tpu.dma_semaphore, #tpu.memory_space<semaphore_mem>>
      %dma_wait3A_1430 = arith.constant 0 : i32
      %dma_wait3A_1431 = arith.constant 0 : i32
      %dma_wait3A_1432 = tpu.memref_slice %arg6[%dma_wait3A_1418, %dma_wait3A_1430, %dma_wait3A_1431] : memref<6x128x128xf32, #tpu.memory_space<vmem>> -> memref<1x128x128xf32, #tpu.memory_space<vmem>>
      %dma_wait3A_1433 = tpu.memref_squeeze %dma_wait3A_1432 : memref<1x128x128xf32, #tpu.memory_space<vmem>> -> memref<128x128xf32, #tpu.memory_space<vmem>>
      %dma_wait3A_1434 = arith.constant 0 : i32
      %dma_wait3A_1435 = arith.constant 0 : i32
      %dma_wait3A_1436 = tpu.memref_slice %arg4[%add3A, %dma_wait3A_1417, %dma_wait3A_1434, %dma_wait3A_1435] : memref<32x200x128x128xf32, #tpu.memory_space<hbm>> -> memref<1x1x128x128xf32, #tpu.memory_space<hbm>>
      %dma_wait3A_1437 = tpu.memref_squeeze %dma_wait3A_1436 : memref<1x1x128x128xf32, #tpu.memory_space<hbm>> -> memref<128x128xf32, #tpu.memory_space<hbm>>
      tpu.wait_dma2 semaphore(%dma_wait3A_1429 : memref<!tpu.dma_semaphore, #tpu.memory_space<semaphore_mem>>) src(%dma_wait3A_1437 : memref<128x128xf32, #tpu.memory_space<hbm>>) dst(%dma_wait3A_1433 : memref<128x128xf32, #tpu.memory_space<vmem>>)
      %dma_start3A_1438 = arith.constant 4 : i32
      %dma_start3A_1439 = arith.constant 4 : i32
      %dma_start3A_1440 = arith.constant 0 : i32
      %dma_start3A_1441 = arith.constant 0 : i32
      %dma_start3A_1442 = tpu.memref_slice %arg6[%dma_start3A_1438, %dma_start3A_1440, %dma_start3A_1441] : memref<6x128x128xf32, #tpu.memory_space<vmem>> -> memref<1x128x128xf32, #tpu.memory_space<vmem>>
      %dma_start3A_1443 = tpu.memref_squeeze %dma_start3A_1442 : memref<1x128x128xf32, #tpu.memory_space<vmem>> -> memref<128x128xf32, #tpu.memory_space<vmem>>
      %dma_start3A_1444 = arith.constant 0 : i32
      %dma_start3A_1445 = arith.constant 0 : i32
      %dma_start3A_1446 = tpu.memref_slice %arg4[%add3A, %add3A_1379, %dma_start3A_1444, %dma_start3A_1445] : memref<32x200x128x128xf32, #tpu.memory_space<hbm>> -> memref<1x1x128x128xf32, #tpu.memory_space<hbm>>
      %dma_start3A_1447 = tpu.memref_squeeze %dma_start3A_1446 : memref<1x1x128x128xf32, #tpu.memory_space<hbm>> -> memref<128x128xf32, #tpu.memory_space<hbm>>
      %dma_start3A_1448 = tpu.memref_slice %arg8[%dma_start3A_1439] : memref<6x!tpu.dma_semaphore, #tpu.memory_space<semaphore_mem>> -> memref<1x!tpu.dma_semaphore, #tpu.memory_space<semaphore_mem>>
      %dma_start3A_1449 = tpu.memref_squeeze %dma_start3A_1448 : memref<1x!tpu.dma_semaphore, #tpu.memory_space<semaphore_mem>> -> memref<!tpu.dma_semaphore, #tpu.memory_space<semaphore_mem>>
      %dma_start3A_1450 = arith.constant 0 : i32
      %dma_start3A_1451 = arith.constant 0 : i32
      %dma_start3A_1452 = tpu.memref_slice %arg4[%add3A, %add3A_1379, %dma_start3A_1450, %dma_start3A_1451] : memref<32x200x128x128xf32, #tpu.memory_space<hbm>> -> memref<1x1x128x128xf32, #tpu.memory_space<hbm>>
      %dma_start3A_1453 = tpu.memref_squeeze %dma_start3A_1452 : memref<1x1x128x128xf32, #tpu.memory_space<hbm>> -> memref<128x128xf32, #tpu.memory_space<hbm>>
      %dma_start3A_1454 = arith.constant 0 : i32
      %dma_start3A_1455 = arith.constant 0 : i32
      %dma_start3A_1456 = tpu.memref_slice %arg6[%dma_start3A_1438, %dma_start3A_1454, %dma_start3A_1455] : memref<6x128x128xf32, #tpu.memory_space<vmem>> -> memref<1x128x128xf32, #tpu.memory_space<vmem>>
      %dma_start3A_1457 = tpu.memref_squeeze %dma_start3A_1456 : memref<1x128x128xf32, #tpu.memory_space<vmem>> -> memref<128x128xf32, #tpu.memory_space<vmem>>
      tpu.enqueue_dma source(%dma_start3A_1457 : memref<128x128xf32, #tpu.memory_space<vmem>>) target(%dma_start3A_1453 : memref<128x128xf32, #tpu.memory_space<hbm>>) target_semaphore(%dma_start3A_1449 : memref<!tpu.dma_semaphore, #tpu.memory_space<semaphore_mem>>)
      %add3A_1458 = arith.constant 5 : i32
      %add3A_1459 = arith.addi %add3A_1057, %add3A_1458 : i32
      %dma_wait3A_1460 = arith.constant 0 : i32
      %dma_wait3A_1461 = arith.constant 1 : i32
      %dma_wait3A_1462 = arith.constant 1 : i32
      %dma_wait3A_1463 = arith.constant 0 : i32
      %dma_wait3A_1464 = arith.constant 0 : i32
      %dma_wait3A_1465 = tpu.memref_slice %arg6[%dma_wait3A_1461, %dma_wait3A_1463, %dma_wait3A_1464] : memref<6x128x128xf32, #tpu.memory_space<vmem>> -> memref<1x128x128xf32, #tpu.memory_space<vmem>>
      %dma_wait3A_1466 = tpu.memref_squeeze %dma_wait3A_1465 : memref<1x128x128xf32, #tpu.memory_space<vmem>> -> memref<128x128xf32, #tpu.memory_space<vmem>>
      %dma_wait3A_1467 = arith.constant 0 : i32
      %dma_wait3A_1468 = arith.constant 0 : i32
      %dma_wait3A_1469 = tpu.memref_slice %arg4[%add3A, %dma_wait3A_1460, %dma_wait3A_1467, %dma_wait3A_1468] : memref<32x200x128x128xf32, #tpu.memory_space<hbm>> -> memref<1x1x128x128xf32, #tpu.memory_space<hbm>>
      %dma_wait3A_1470 = tpu.memref_squeeze %dma_wait3A_1469 : memref<1x1x128x128xf32, #tpu.memory_space<hbm>> -> memref<128x128xf32, #tpu.memory_space<hbm>>
      %dma_wait3A_1471 = tpu.memref_slice %arg8[%dma_wait3A_1462] : memref<6x!tpu.dma_semaphore, #tpu.memory_space<semaphore_mem>> -> memref<1x!tpu.dma_semaphore, #tpu.memory_space<semaphore_mem>>
      %dma_wait3A_1472 = tpu.memref_squeeze %dma_wait3A_1471 : memref<1x!tpu.dma_semaphore, #tpu.memory_space<semaphore_mem>> -> memref<!tpu.dma_semaphore, #tpu.memory_space<semaphore_mem>>
      %dma_wait3A_1473 = arith.constant 0 : i32
      %dma_wait3A_1474 = arith.constant 0 : i32
      %dma_wait3A_1475 = tpu.memref_slice %arg6[%dma_wait3A_1461, %dma_wait3A_1473, %dma_wait3A_1474] : memref<6x128x128xf32, #tpu.memory_space<vmem>> -> memref<1x128x128xf32, #tpu.memory_space<vmem>>
      %dma_wait3A_1476 = tpu.memref_squeeze %dma_wait3A_1475 : memref<1x128x128xf32, #tpu.memory_space<vmem>> -> memref<128x128xf32, #tpu.memory_space<vmem>>
      %dma_wait3A_1477 = arith.constant 0 : i32
      %dma_wait3A_1478 = arith.constant 0 : i32
      %dma_wait3A_1479 = tpu.memref_slice %arg4[%add3A, %dma_wait3A_1460, %dma_wait3A_1477, %dma_wait3A_1478] : memref<32x200x128x128xf32, #tpu.memory_space<hbm>> -> memref<1x1x128x128xf32, #tpu.memory_space<hbm>>
      %dma_wait3A_1480 = tpu.memref_squeeze %dma_wait3A_1479 : memref<1x1x128x128xf32, #tpu.memory_space<hbm>> -> memref<128x128xf32, #tpu.memory_space<hbm>>
      tpu.wait_dma2 semaphore(%dma_wait3A_1472 : memref<!tpu.dma_semaphore, #tpu.memory_space<semaphore_mem>>) src(%dma_wait3A_1480 : memref<128x128xf32, #tpu.memory_space<hbm>>) dst(%dma_wait3A_1476 : memref<128x128xf32, #tpu.memory_space<vmem>>)
      %add3A_1481 = arith.constant 2 : i32
      %add3A_1482 = arith.addi %add3A_1459, %add3A_1481 : i32
      %dma_start3A_1483 = arith.constant 1 : i32
      %dma_start3A_1484 = arith.constant 1 : i32
      %dma_start3A_1485 = arith.constant 0 : i32
      %dma_start3A_1486 = arith.constant 0 : i32
      %dma_start3A_1487 = tpu.memref_slice %arg6[%dma_start3A_1483, %dma_start3A_1485, %dma_start3A_1486] : memref<6x128x128xf32, #tpu.memory_space<vmem>> -> memref<1x128x128xf32, #tpu.memory_space<vmem>>
      %dma_start3A_1488 = tpu.memref_squeeze %dma_start3A_1487 : memref<1x128x128xf32, #tpu.memory_space<vmem>> -> memref<128x128xf32, #tpu.memory_space<vmem>>
      %dma_start3A_1489 = arith.constant 0 : i32
      %dma_start3A_1490 = tpu.memref_slice %arg5[%add3A_1482, %dma_start3A_1489] : memref<200x128xi32, #tpu.memory_space<vmem>> -> memref<1x128xi32, #tpu.memory_space<vmem>>
      %dma_start3A_1491 = tpu.memref_squeeze %dma_start3A_1490 : memref<1x128xi32, #tpu.memory_space<vmem>> -> memref<128xi32, #tpu.memory_space<vmem>>
      %dma_start3A_1492 = arith.constant 0 : i32
      %dma_start3A_1493 = arith.constant 0 : i32
      %dma_start3A_1494 = tpu.memref_slice %arg3[%dma_start3A_1492, %dma_start3A_1493] : memref<100000x128xf32, #tpu.memory_space<hbm>> -> memref<100000x128xf32, #tpu.memory_space<hbm>>
      %dma_start3A_1495 = tpu.memref_slice %arg7[%dma_start3A_1484] : memref<6x!tpu.dma_semaphore, #tpu.memory_space<semaphore_mem>> -> memref<1x!tpu.dma_semaphore, #tpu.memory_space<semaphore_mem>>
      %dma_start3A_1496 = tpu.memref_squeeze %dma_start3A_1495 : memref<1x!tpu.dma_semaphore, #tpu.memory_space<semaphore_mem>> -> memref<!tpu.dma_semaphore, #tpu.memory_space<semaphore_mem>>
      tpu.enqueue_indirect_dma source(%dma_start3A_1494 : memref<100000x128xf32, #tpu.memory_space<hbm>>) target(%dma_start3A_1488 : memref<128x128xf32, #tpu.memory_space<vmem>>) offsets(%dma_start3A_1491 : memref<128xi32, #tpu.memory_space<vmem>>) semaphore(%dma_start3A_1496 : memref<!tpu.dma_semaphore, #tpu.memory_space<semaphore_mem>>)
      %dma_wait3A_1497 = arith.constant 0 : i32
      %dma_wait3A_1498 = arith.constant 5 : i32
      %dma_wait3A_1499 = arith.constant 5 : i32
      %dma_wait3A_1500 = arith.constant 0 : i32
      %dma_wait3A_1501 = arith.constant 0 : i32
      %dma_wait3A_1502 = tpu.memref_slice %arg6[%dma_wait3A_1498, %dma_wait3A_1500, %dma_wait3A_1501] : memref<6x128x128xf32, #tpu.memory_space<vmem>> -> memref<1x128x128xf32, #tpu.memory_space<vmem>>
      %dma_wait3A_1503 = tpu.memref_squeeze %dma_wait3A_1502 : memref<1x128x128xf32, #tpu.memory_space<vmem>> -> memref<128x128xf32, #tpu.memory_space<vmem>>
      %dma_wait3A_1504 = arith.constant 0 : i32
      %dma_wait3A_1505 = arith.constant 0 : i32
      %dma_wait3A_1506 = tpu.memref_slice %arg4[%add3A, %dma_wait3A_1497, %dma_wait3A_1504, %dma_wait3A_1505] : memref<32x200x128x128xf32, #tpu.memory_space<hbm>> -> memref<1x1x128x128xf32, #tpu.memory_space<hbm>>
      %dma_wait3A_1507 = tpu.memref_squeeze %dma_wait3A_1506 : memref<1x1x128x128xf32, #tpu.memory_space<hbm>> -> memref<128x128xf32, #tpu.memory_space<hbm>>
      %dma_wait3A_1508 = tpu.memref_slice %arg7[%dma_wait3A_1499] : memref<6x!tpu.dma_semaphore, #tpu.memory_space<semaphore_mem>> -> memref<1x!tpu.dma_semaphore, #tpu.memory_space<semaphore_mem>>
      %dma_wait3A_1509 = tpu.memref_squeeze %dma_wait3A_1508 : memref<1x!tpu.dma_semaphore, #tpu.memory_space<semaphore_mem>> -> memref<!tpu.dma_semaphore, #tpu.memory_space<semaphore_mem>>
      %dma_wait3A_1510 = arith.constant 0 : i32
      %dma_wait3A_1511 = arith.constant 0 : i32
      %dma_wait3A_1512 = tpu.memref_slice %arg6[%dma_wait3A_1498, %dma_wait3A_1510, %dma_wait3A_1511] : memref<6x128x128xf32, #tpu.memory_space<vmem>> -> memref<1x128x128xf32, #tpu.memory_space<vmem>>
      %dma_wait3A_1513 = tpu.memref_squeeze %dma_wait3A_1512 : memref<1x128x128xf32, #tpu.memory_space<vmem>> -> memref<128x128xf32, #tpu.memory_space<vmem>>
      %dma_wait3A_1514 = arith.constant 0 : i32
      %dma_wait3A_1515 = arith.constant 0 : i32
      %dma_wait3A_1516 = tpu.memref_slice %arg4[%add3A, %dma_wait3A_1497, %dma_wait3A_1514, %dma_wait3A_1515] : memref<32x200x128x128xf32, #tpu.memory_space<hbm>> -> memref<1x1x128x128xf32, #tpu.memory_space<hbm>>
      %dma_wait3A_1517 = tpu.memref_squeeze %dma_wait3A_1516 : memref<1x1x128x128xf32, #tpu.memory_space<hbm>> -> memref<128x128xf32, #tpu.memory_space<hbm>>
      tpu.wait_dma2 semaphore(%dma_wait3A_1509 : memref<!tpu.dma_semaphore, #tpu.memory_space<semaphore_mem>>) src(%dma_wait3A_1517 : memref<128x128xf32, #tpu.memory_space<hbm>>) dst(%dma_wait3A_1513 : memref<128x128xf32, #tpu.memory_space<vmem>>)
      %dma_start3A_1518 = arith.constant 5 : i32
      %dma_start3A_1519 = arith.constant 5 : i32
      %dma_start3A_1520 = arith.constant 0 : i32
      %dma_start3A_1521 = arith.constant 0 : i32
      %dma_start3A_1522 = tpu.memref_slice %arg6[%dma_start3A_1518, %dma_start3A_1520, %dma_start3A_1521] : memref<6x128x128xf32, #tpu.memory_space<vmem>> -> memref<1x128x128xf32, #tpu.memory_space<vmem>>
      %dma_start3A_1523 = tpu.memref_squeeze %dma_start3A_1522 : memref<1x128x128xf32, #tpu.memory_space<vmem>> -> memref<128x128xf32, #tpu.memory_space<vmem>>
      %dma_start3A_1524 = arith.constant 0 : i32
      %dma_start3A_1525 = arith.constant 0 : i32
      %dma_start3A_1526 = tpu.memref_slice %arg4[%add3A, %add3A_1459, %dma_start3A_1524, %dma_start3A_1525] : memref<32x200x128x128xf32, #tpu.memory_space<hbm>> -> memref<1x1x128x128xf32, #tpu.memory_space<hbm>>
      %dma_start3A_1527 = tpu.memref_squeeze %dma_start3A_1526 : memref<1x1x128x128xf32, #tpu.memory_space<hbm>> -> memref<128x128xf32, #tpu.memory_space<hbm>>
      %dma_start3A_1528 = tpu.memref_slice %arg8[%dma_start3A_1519] : memref<6x!tpu.dma_semaphore, #tpu.memory_space<semaphore_mem>> -> memref<1x!tpu.dma_semaphore, #tpu.memory_space<semaphore_mem>>
      %dma_start3A_1529 = tpu.memref_squeeze %dma_start3A_1528 : memref<1x!tpu.dma_semaphore, #tpu.memory_space<semaphore_mem>> -> memref<!tpu.dma_semaphore, #tpu.memory_space<semaphore_mem>>
      %dma_start3A_1530 = arith.constant 0 : i32
      %dma_start3A_1531 = arith.constant 0 : i32
      %dma_start3A_1532 = tpu.memref_slice %arg4[%add3A, %add3A_1459, %dma_start3A_1530, %dma_start3A_1531] : memref<32x200x128x128xf32, #tpu.memory_space<hbm>> -> memref<1x1x128x128xf32, #tpu.memory_space<hbm>>
      %dma_start3A_1533 = tpu.memref_squeeze %dma_start3A_1532 : memref<1x1x128x128xf32, #tpu.memory_space<hbm>> -> memref<128x128xf32, #tpu.memory_space<hbm>>
      %dma_start3A_1534 = arith.constant 0 : i32
      %dma_start3A_1535 = arith.constant 0 : i32
      %dma_start3A_1536 = tpu.memref_slice %arg6[%dma_start3A_1518, %dma_start3A_1534, %dma_start3A_1535] : memref<6x128x128xf32, #tpu.memory_space<vmem>> -> memref<1x128x128xf32, #tpu.memory_space<vmem>>
      %dma_start3A_1537 = tpu.memref_squeeze %dma_start3A_1536 : memref<1x128x128xf32, #tpu.memory_space<vmem>> -> memref<128x128xf32, #tpu.memory_space<vmem>>
      tpu.enqueue_dma source(%dma_start3A_1537 : memref<128x128xf32, #tpu.memory_space<vmem>>) target(%dma_start3A_1533 : memref<128x128xf32, #tpu.memory_space<hbm>>) target_semaphore(%dma_start3A_1529 : memref<!tpu.dma_semaphore, #tpu.memory_space<semaphore_mem>>)
    }
    %scan3A_416 = arith.constant 31 : i32
    %dma_wait3A_417 = arith.constant 0 : i32
    %dma_wait3A_418 = arith.constant 2 : i32
    %dma_wait3A_419 = arith.constant 2 : i32
    %dma_wait3A_420 = arith.constant 0 : i32
    %dma_wait3A_421 = arith.constant 0 : i32
    %dma_wait3A_422 = tpu.memref_slice %arg6[%dma_wait3A_418, %dma_wait3A_420, %dma_wait3A_421] : memref<6x128x128xf32, #tpu.memory_space<vmem>> -> memref<1x128x128xf32, #tpu.memory_space<vmem>>
    %dma_wait3A_423 = tpu.memref_squeeze %dma_wait3A_422 : memref<1x128x128xf32, #tpu.memory_space<vmem>> -> memref<128x128xf32, #tpu.memory_space<vmem>>
    %dma_wait3A_424 = arith.constant 0 : i32
    %dma_wait3A_425 = arith.constant 0 : i32
    %dma_wait3A_426 = tpu.memref_slice %arg4[%add3A, %dma_wait3A_417, %dma_wait3A_424, %dma_wait3A_425] : memref<32x200x128x128xf32, #tpu.memory_space<hbm>> -> memref<1x1x128x128xf32, #tpu.memory_space<hbm>>
    %dma_wait3A_427 = tpu.memref_squeeze %dma_wait3A_426 : memref<1x1x128x128xf32, #tpu.memory_space<hbm>> -> memref<128x128xf32, #tpu.memory_space<hbm>>
    %dma_wait3A_428 = tpu.memref_slice %arg8[%dma_wait3A_419] : memref<6x!tpu.dma_semaphore, #tpu.memory_space<semaphore_mem>> -> memref<1x!tpu.dma_semaphore, #tpu.memory_space<semaphore_mem>>
    %dma_wait3A_429 = tpu.memref_squeeze %dma_wait3A_428 : memref<1x!tpu.dma_semaphore, #tpu.memory_space<semaphore_mem>> -> memref<!tpu.dma_semaphore, #tpu.memory_space<semaphore_mem>>
    %dma_wait3A_430 = arith.constant 0 : i32
    %dma_wait3A_431 = arith.constant 0 : i32
    %dma_wait3A_432 = tpu.memref_slice %arg6[%dma_wait3A_418, %dma_wait3A_430, %dma_wait3A_431] : memref<6x128x128xf32, #tpu.memory_space<vmem>> -> memref<1x128x128xf32, #tpu.memory_space<vmem>>
    %dma_wait3A_433 = tpu.memref_squeeze %dma_wait3A_432 : memref<1x128x128xf32, #tpu.memory_space<vmem>> -> memref<128x128xf32, #tpu.memory_space<vmem>>
    %dma_wait3A_434 = arith.constant 0 : i32
    %dma_wait3A_435 = arith.constant 0 : i32
    %dma_wait3A_436 = tpu.memref_slice %arg4[%add3A, %dma_wait3A_417, %dma_wait3A_434, %dma_wait3A_435] : memref<32x200x128x128xf32, #tpu.memory_space<hbm>> -> memref<1x1x128x128xf32, #tpu.memory_space<hbm>>
    %dma_wait3A_437 = tpu.memref_squeeze %dma_wait3A_436 : memref<1x1x128x128xf32, #tpu.memory_space<hbm>> -> memref<128x128xf32, #tpu.memory_space<hbm>>
    tpu.wait_dma2 semaphore(%dma_wait3A_429 : memref<!tpu.dma_semaphore, #tpu.memory_space<semaphore_mem>>) src(%dma_wait3A_437 : memref<128x128xf32, #tpu.memory_space<hbm>>) dst(%dma_wait3A_433 : memref<128x128xf32, #tpu.memory_space<vmem>>)
    %dma_start3A_438 = arith.constant 194 : i32
    %dma_start3A_439 = arith.constant 2 : i32
    %dma_start3A_440 = arith.constant 2 : i32
    %dma_start3A_441 = arith.constant 0 : i32
    %dma_start3A_442 = arith.constant 0 : i32
    %dma_start3A_443 = tpu.memref_slice %arg6[%dma_start3A_439, %dma_start3A_441, %dma_start3A_442] : memref<6x128x128xf32, #tpu.memory_space<vmem>> -> memref<1x128x128xf32, #tpu.memory_space<vmem>>
    %dma_start3A_444 = tpu.memref_squeeze %dma_start3A_443 : memref<1x128x128xf32, #tpu.memory_space<vmem>> -> memref<128x128xf32, #tpu.memory_space<vmem>>
    %dma_start3A_445 = arith.constant 0 : i32
    %dma_start3A_446 = tpu.memref_slice %arg5[%dma_start3A_438, %dma_start3A_445] : memref<200x128xi32, #tpu.memory_space<vmem>> -> memref<1x128xi32, #tpu.memory_space<vmem>>
    %dma_start3A_447 = tpu.memref_squeeze %dma_start3A_446 : memref<1x128xi32, #tpu.memory_space<vmem>> -> memref<128xi32, #tpu.memory_space<vmem>>
    %dma_start3A_448 = arith.constant 0 : i32
    %dma_start3A_449 = arith.constant 0 : i32
    %dma_start3A_450 = tpu.memref_slice %arg3[%dma_start3A_448, %dma_start3A_449] : memref<100000x128xf32, #tpu.memory_space<hbm>> -> memref<100000x128xf32, #tpu.memory_space<hbm>>
    %dma_start3A_451 = tpu.memref_slice %arg7[%dma_start3A_440] : memref<6x!tpu.dma_semaphore, #tpu.memory_space<semaphore_mem>> -> memref<1x!tpu.dma_semaphore, #tpu.memory_space<semaphore_mem>>
    %dma_start3A_452 = tpu.memref_squeeze %dma_start3A_451 : memref<1x!tpu.dma_semaphore, #tpu.memory_space<semaphore_mem>> -> memref<!tpu.dma_semaphore, #tpu.memory_space<semaphore_mem>>
    tpu.enqueue_indirect_dma source(%dma_start3A_450 : memref<100000x128xf32, #tpu.memory_space<hbm>>) target(%dma_start3A_444 : memref<128x128xf32, #tpu.memory_space<vmem>>) offsets(%dma_start3A_447 : memref<128xi32, #tpu.memory_space<vmem>>) semaphore(%dma_start3A_452 : memref<!tpu.dma_semaphore, #tpu.memory_space<semaphore_mem>>)
    %dma_wait3A_453 = arith.constant 0 : i32
    %dma_wait3A_454 = arith.constant 0 : i32
    %dma_wait3A_455 = arith.constant 0 : i32
    %dma_wait3A_456 = arith.constant 0 : i32
    %dma_wait3A_457 = arith.constant 0 : i32
    %dma_wait3A_458 = tpu.memref_slice %arg6[%dma_wait3A_454, %dma_wait3A_456, %dma_wait3A_457] : memref<6x128x128xf32, #tpu.memory_space<vmem>> -> memref<1x128x128xf32, #tpu.memory_space<vmem>>
    %dma_wait3A_459 = tpu.memref_squeeze %dma_wait3A_458 : memref<1x128x128xf32, #tpu.memory_space<vmem>> -> memref<128x128xf32, #tpu.memory_space<vmem>>
    %dma_wait3A_460 = arith.constant 0 : i32
    %dma_wait3A_461 = arith.constant 0 : i32
    %dma_wait3A_462 = tpu.memref_slice %arg4[%add3A, %dma_wait3A_453, %dma_wait3A_460, %dma_wait3A_461] : memref<32x200x128x128xf32, #tpu.memory_space<hbm>> -> memref<1x1x128x128xf32, #tpu.memory_space<hbm>>
    %dma_wait3A_463 = tpu.memref_squeeze %dma_wait3A_462 : memref<1x1x128x128xf32, #tpu.memory_space<hbm>> -> memref<128x128xf32, #tpu.memory_space<hbm>>
    %dma_wait3A_464 = tpu.memref_slice %arg7[%dma_wait3A_455] : memref<6x!tpu.dma_semaphore, #tpu.memory_space<semaphore_mem>> -> memref<1x!tpu.dma_semaphore, #tpu.memory_space<semaphore_mem>>
    %dma_wait3A_465 = tpu.memref_squeeze %dma_wait3A_464 : memref<1x!tpu.dma_semaphore, #tpu.memory_space<semaphore_mem>> -> memref<!tpu.dma_semaphore, #tpu.memory_space<semaphore_mem>>
    %dma_wait3A_466 = arith.constant 0 : i32
    %dma_wait3A_467 = arith.constant 0 : i32
    %dma_wait3A_468 = tpu.memref_slice %arg6[%dma_wait3A_454, %dma_wait3A_466, %dma_wait3A_467] : memref<6x128x128xf32, #tpu.memory_space<vmem>> -> memref<1x128x128xf32, #tpu.memory_space<vmem>>
    %dma_wait3A_469 = tpu.memref_squeeze %dma_wait3A_468 : memref<1x128x128xf32, #tpu.memory_space<vmem>> -> memref<128x128xf32, #tpu.memory_space<vmem>>
    %dma_wait3A_470 = arith.constant 0 : i32
    %dma_wait3A_471 = arith.constant 0 : i32
    %dma_wait3A_472 = tpu.memref_slice %arg4[%add3A, %dma_wait3A_453, %dma_wait3A_470, %dma_wait3A_471] : memref<32x200x128x128xf32, #tpu.memory_space<hbm>> -> memref<1x1x128x128xf32, #tpu.memory_space<hbm>>
    %dma_wait3A_473 = tpu.memref_squeeze %dma_wait3A_472 : memref<1x1x128x128xf32, #tpu.memory_space<hbm>> -> memref<128x128xf32, #tpu.memory_space<hbm>>
    tpu.wait_dma2 semaphore(%dma_wait3A_465 : memref<!tpu.dma_semaphore, #tpu.memory_space<semaphore_mem>>) src(%dma_wait3A_473 : memref<128x128xf32, #tpu.memory_space<hbm>>) dst(%dma_wait3A_469 : memref<128x128xf32, #tpu.memory_space<vmem>>)
    %dma_start3A_474 = arith.constant 0 : i32
    %dma_start3A_475 = arith.constant 192 : i32
    %dma_start3A_476 = arith.constant 0 : i32
    %dma_start3A_477 = arith.constant 0 : i32
    %dma_start3A_478 = arith.constant 0 : i32
    %dma_start3A_479 = tpu.memref_slice %arg6[%dma_start3A_474, %dma_start3A_477, %dma_start3A_478] : memref<6x128x128xf32, #tpu.memory_space<vmem>> -> memref<1x128x128xf32, #tpu.memory_space<vmem>>
    %dma_start3A_480 = tpu.memref_squeeze %dma_start3A_479 : memref<1x128x128xf32, #tpu.memory_space<vmem>> -> memref<128x128xf32, #tpu.memory_space<vmem>>
    %dma_start3A_481 = arith.constant 0 : i32
    %dma_start3A_482 = arith.constant 0 : i32
    %dma_start3A_483 = tpu.memref_slice %arg4[%add3A, %dma_start3A_475, %dma_start3A_481, %dma_start3A_482] : memref<32x200x128x128xf32, #tpu.memory_space<hbm>> -> memref<1x1x128x128xf32, #tpu.memory_space<hbm>>
    %dma_start3A_484 = tpu.memref_squeeze %dma_start3A_483 : memref<1x1x128x128xf32, #tpu.memory_space<hbm>> -> memref<128x128xf32, #tpu.memory_space<hbm>>
    %dma_start3A_485 = tpu.memref_slice %arg8[%dma_start3A_476] : memref<6x!tpu.dma_semaphore, #tpu.memory_space<semaphore_mem>> -> memref<1x!tpu.dma_semaphore, #tpu.memory_space<semaphore_mem>>
    %dma_start3A_486 = tpu.memref_squeeze %dma_start3A_485 : memref<1x!tpu.dma_semaphore, #tpu.memory_space<semaphore_mem>> -> memref<!tpu.dma_semaphore, #tpu.memory_space<semaphore_mem>>
    %dma_start3A_487 = arith.constant 0 : i32
    %dma_start3A_488 = arith.constant 0 : i32
    %dma_start3A_489 = tpu.memref_slice %arg4[%add3A, %dma_start3A_475, %dma_start3A_487, %dma_start3A_488] : memref<32x200x128x128xf32, #tpu.memory_space<hbm>> -> memref<1x1x128x128xf32, #tpu.memory_space<hbm>>
    %dma_start3A_490 = tpu.memref_squeeze %dma_start3A_489 : memref<1x1x128x128xf32, #tpu.memory_space<hbm>> -> memref<128x128xf32, #tpu.memory_space<hbm>>
    %dma_start3A_491 = arith.constant 0 : i32
    %dma_start3A_492 = arith.constant 0 : i32
    %dma_start3A_493 = tpu.memref_slice %arg6[%dma_start3A_474, %dma_start3A_491, %dma_start3A_492] : memref<6x128x128xf32, #tpu.memory_space<vmem>> -> memref<1x128x128xf32, #tpu.memory_space<vmem>>
    %dma_start3A_494 = tpu.memref_squeeze %dma_start3A_493 : memref<1x128x128xf32, #tpu.memory_space<vmem>> -> memref<128x128xf32, #tpu.memory_space<vmem>>
    tpu.enqueue_dma source(%dma_start3A_494 : memref<128x128xf32, #tpu.memory_space<vmem>>) target(%dma_start3A_490 : memref<128x128xf32, #tpu.memory_space<hbm>>) target_semaphore(%dma_start3A_486 : memref<!tpu.dma_semaphore, #tpu.memory_space<semaphore_mem>>)
    %dma_wait3A_495 = arith.constant 0 : i32
    %dma_wait3A_496 = arith.constant 3 : i32
    %dma_wait3A_497 = arith.constant 3 : i32
    %dma_wait3A_498 = arith.constant 0 : i32
    %dma_wait3A_499 = arith.constant 0 : i32
    %dma_wait3A_500 = tpu.memref_slice %arg6[%dma_wait3A_496, %dma_wait3A_498, %dma_wait3A_499] : memref<6x128x128xf32, #tpu.memory_space<vmem>> -> memref<1x128x128xf32, #tpu.memory_space<vmem>>
    %dma_wait3A_501 = tpu.memref_squeeze %dma_wait3A_500 : memref<1x128x128xf32, #tpu.memory_space<vmem>> -> memref<128x128xf32, #tpu.memory_space<vmem>>
    %dma_wait3A_502 = arith.constant 0 : i32
    %dma_wait3A_503 = arith.constant 0 : i32
    %dma_wait3A_504 = tpu.memref_slice %arg4[%add3A, %dma_wait3A_495, %dma_wait3A_502, %dma_wait3A_503] : memref<32x200x128x128xf32, #tpu.memory_space<hbm>> -> memref<1x1x128x128xf32, #tpu.memory_space<hbm>>
    %dma_wait3A_505 = tpu.memref_squeeze %dma_wait3A_504 : memref<1x1x128x128xf32, #tpu.memory_space<hbm>> -> memref<128x128xf32, #tpu.memory_space<hbm>>
    %dma_wait3A_506 = tpu.memref_slice %arg8[%dma_wait3A_497] : memref<6x!tpu.dma_semaphore, #tpu.memory_space<semaphore_mem>> -> memref<1x!tpu.dma_semaphore, #tpu.memory_space<semaphore_mem>>
    %dma_wait3A_507 = tpu.memref_squeeze %dma_wait3A_506 : memref<1x!tpu.dma_semaphore, #tpu.memory_space<semaphore_mem>> -> memref<!tpu.dma_semaphore, #tpu.memory_space<semaphore_mem>>
    %dma_wait3A_508 = arith.constant 0 : i32
    %dma_wait3A_509 = arith.constant 0 : i32
    %dma_wait3A_510 = tpu.memref_slice %arg6[%dma_wait3A_496, %dma_wait3A_508, %dma_wait3A_509] : memref<6x128x128xf32, #tpu.memory_space<vmem>> -> memref<1x128x128xf32, #tpu.memory_space<vmem>>
    %dma_wait3A_511 = tpu.memref_squeeze %dma_wait3A_510 : memref<1x128x128xf32, #tpu.memory_space<vmem>> -> memref<128x128xf32, #tpu.memory_space<vmem>>
    %dma_wait3A_512 = arith.constant 0 : i32
    %dma_wait3A_513 = arith.constant 0 : i32
    %dma_wait3A_514 = tpu.memref_slice %arg4[%add3A, %dma_wait3A_495, %dma_wait3A_512, %dma_wait3A_513] : memref<32x200x128x128xf32, #tpu.memory_space<hbm>> -> memref<1x1x128x128xf32, #tpu.memory_space<hbm>>
    %dma_wait3A_515 = tpu.memref_squeeze %dma_wait3A_514 : memref<1x1x128x128xf32, #tpu.memory_space<hbm>> -> memref<128x128xf32, #tpu.memory_space<hbm>>
    tpu.wait_dma2 semaphore(%dma_wait3A_507 : memref<!tpu.dma_semaphore, #tpu.memory_space<semaphore_mem>>) src(%dma_wait3A_515 : memref<128x128xf32, #tpu.memory_space<hbm>>) dst(%dma_wait3A_511 : memref<128x128xf32, #tpu.memory_space<vmem>>)
    %dma_start3A_516 = arith.constant 195 : i32
    %dma_start3A_517 = arith.constant 3 : i32
    %dma_start3A_518 = arith.constant 3 : i32
    %dma_start3A_519 = arith.constant 0 : i32
    %dma_start3A_520 = arith.constant 0 : i32
    %dma_start3A_521 = tpu.memref_slice %arg6[%dma_start3A_517, %dma_start3A_519, %dma_start3A_520] : memref<6x128x128xf32, #tpu.memory_space<vmem>> -> memref<1x128x128xf32, #tpu.memory_space<vmem>>
    %dma_start3A_522 = tpu.memref_squeeze %dma_start3A_521 : memref<1x128x128xf32, #tpu.memory_space<vmem>> -> memref<128x128xf32, #tpu.memory_space<vmem>>
    %dma_start3A_523 = arith.constant 0 : i32
    %dma_start3A_524 = tpu.memref_slice %arg5[%dma_start3A_516, %dma_start3A_523] : memref<200x128xi32, #tpu.memory_space<vmem>> -> memref<1x128xi32, #tpu.memory_space<vmem>>
    %dma_start3A_525 = tpu.memref_squeeze %dma_start3A_524 : memref<1x128xi32, #tpu.memory_space<vmem>> -> memref<128xi32, #tpu.memory_space<vmem>>
    %dma_start3A_526 = arith.constant 0 : i32
    %dma_start3A_527 = arith.constant 0 : i32
    %dma_start3A_528 = tpu.memref_slice %arg3[%dma_start3A_526, %dma_start3A_527] : memref<100000x128xf32, #tpu.memory_space<hbm>> -> memref<100000x128xf32, #tpu.memory_space<hbm>>
    %dma_start3A_529 = tpu.memref_slice %arg7[%dma_start3A_518] : memref<6x!tpu.dma_semaphore, #tpu.memory_space<semaphore_mem>> -> memref<1x!tpu.dma_semaphore, #tpu.memory_space<semaphore_mem>>
    %dma_start3A_530 = tpu.memref_squeeze %dma_start3A_529 : memref<1x!tpu.dma_semaphore, #tpu.memory_space<semaphore_mem>> -> memref<!tpu.dma_semaphore, #tpu.memory_space<semaphore_mem>>
    tpu.enqueue_indirect_dma source(%dma_start3A_528 : memref<100000x128xf32, #tpu.memory_space<hbm>>) target(%dma_start3A_522 : memref<128x128xf32, #tpu.memory_space<vmem>>) offsets(%dma_start3A_525 : memref<128xi32, #tpu.memory_space<vmem>>) semaphore(%dma_start3A_530 : memref<!tpu.dma_semaphore, #tpu.memory_space<semaphore_mem>>)
    %dma_wait3A_531 = arith.constant 0 : i32
    %dma_wait3A_532 = arith.constant 1 : i32
    %dma_wait3A_533 = arith.constant 1 : i32
    %dma_wait3A_534 = arith.constant 0 : i32
    %dma_wait3A_535 = arith.constant 0 : i32
    %dma_wait3A_536 = tpu.memref_slice %arg6[%dma_wait3A_532, %dma_wait3A_534, %dma_wait3A_535] : memref<6x128x128xf32, #tpu.memory_space<vmem>> -> memref<1x128x128xf32, #tpu.memory_space<vmem>>
    %dma_wait3A_537 = tpu.memref_squeeze %dma_wait3A_536 : memref<1x128x128xf32, #tpu.memory_space<vmem>> -> memref<128x128xf32, #tpu.memory_space<vmem>>
    %dma_wait3A_538 = arith.constant 0 : i32
    %dma_wait3A_539 = arith.constant 0 : i32
    %dma_wait3A_540 = tpu.memref_slice %arg4[%add3A, %dma_wait3A_531, %dma_wait3A_538, %dma_wait3A_539] : memref<32x200x128x128xf32, #tpu.memory_space<hbm>> -> memref<1x1x128x128xf32, #tpu.memory_space<hbm>>
    %dma_wait3A_541 = tpu.memref_squeeze %dma_wait3A_540 : memref<1x1x128x128xf32, #tpu.memory_space<hbm>> -> memref<128x128xf32, #tpu.memory_space<hbm>>
    %dma_wait3A_542 = tpu.memref_slice %arg7[%dma_wait3A_533] : memref<6x!tpu.dma_semaphore, #tpu.memory_space<semaphore_mem>> -> memref<1x!tpu.dma_semaphore, #tpu.memory_space<semaphore_mem>>
    %dma_wait3A_543 = tpu.memref_squeeze %dma_wait3A_542 : memref<1x!tpu.dma_semaphore, #tpu.memory_space<semaphore_mem>> -> memref<!tpu.dma_semaphore, #tpu.memory_space<semaphore_mem>>
    %dma_wait3A_544 = arith.constant 0 : i32
    %dma_wait3A_545 = arith.constant 0 : i32
    %dma_wait3A_546 = tpu.memref_slice %arg6[%dma_wait3A_532, %dma_wait3A_544, %dma_wait3A_545] : memref<6x128x128xf32, #tpu.memory_space<vmem>> -> memref<1x128x128xf32, #tpu.memory_space<vmem>>
    %dma_wait3A_547 = tpu.memref_squeeze %dma_wait3A_546 : memref<1x128x128xf32, #tpu.memory_space<vmem>> -> memref<128x128xf32, #tpu.memory_space<vmem>>
    %dma_wait3A_548 = arith.constant 0 : i32
    %dma_wait3A_549 = arith.constant 0 : i32
    %dma_wait3A_550 = tpu.memref_slice %arg4[%add3A, %dma_wait3A_531, %dma_wait3A_548, %dma_wait3A_549] : memref<32x200x128x128xf32, #tpu.memory_space<hbm>> -> memref<1x1x128x128xf32, #tpu.memory_space<hbm>>
    %dma_wait3A_551 = tpu.memref_squeeze %dma_wait3A_550 : memref<1x1x128x128xf32, #tpu.memory_space<hbm>> -> memref<128x128xf32, #tpu.memory_space<hbm>>
    tpu.wait_dma2 semaphore(%dma_wait3A_543 : memref<!tpu.dma_semaphore, #tpu.memory_space<semaphore_mem>>) src(%dma_wait3A_551 : memref<128x128xf32, #tpu.memory_space<hbm>>) dst(%dma_wait3A_547 : memref<128x128xf32, #tpu.memory_space<vmem>>)
    %dma_start3A_552 = arith.constant 1 : i32
    %dma_start3A_553 = arith.constant 193 : i32
    %dma_start3A_554 = arith.constant 1 : i32
    %dma_start3A_555 = arith.constant 0 : i32
    %dma_start3A_556 = arith.constant 0 : i32
    %dma_start3A_557 = tpu.memref_slice %arg6[%dma_start3A_552, %dma_start3A_555, %dma_start3A_556] : memref<6x128x128xf32, #tpu.memory_space<vmem>> -> memref<1x128x128xf32, #tpu.memory_space<vmem>>
    %dma_start3A_558 = tpu.memref_squeeze %dma_start3A_557 : memref<1x128x128xf32, #tpu.memory_space<vmem>> -> memref<128x128xf32, #tpu.memory_space<vmem>>
    %dma_start3A_559 = arith.constant 0 : i32
    %dma_start3A_560 = arith.constant 0 : i32
    %dma_start3A_561 = tpu.memref_slice %arg4[%add3A, %dma_start3A_553, %dma_start3A_559, %dma_start3A_560] : memref<32x200x128x128xf32, #tpu.memory_space<hbm>> -> memref<1x1x128x128xf32, #tpu.memory_space<hbm>>
    %dma_start3A_562 = tpu.memref_squeeze %dma_start3A_561 : memref<1x1x128x128xf32, #tpu.memory_space<hbm>> -> memref<128x128xf32, #tpu.memory_space<hbm>>
    %dma_start3A_563 = tpu.memref_slice %arg8[%dma_start3A_554] : memref<6x!tpu.dma_semaphore, #tpu.memory_space<semaphore_mem>> -> memref<1x!tpu.dma_semaphore, #tpu.memory_space<semaphore_mem>>
    %dma_start3A_564 = tpu.memref_squeeze %dma_start3A_563 : memref<1x!tpu.dma_semaphore, #tpu.memory_space<semaphore_mem>> -> memref<!tpu.dma_semaphore, #tpu.memory_space<semaphore_mem>>
    %dma_start3A_565 = arith.constant 0 : i32
    %dma_start3A_566 = arith.constant 0 : i32
    %dma_start3A_567 = tpu.memref_slice %arg4[%add3A, %dma_start3A_553, %dma_start3A_565, %dma_start3A_566] : memref<32x200x128x128xf32, #tpu.memory_space<hbm>> -> memref<1x1x128x128xf32, #tpu.memory_space<hbm>>
    %dma_start3A_568 = tpu.memref_squeeze %dma_start3A_567 : memref<1x1x128x128xf32, #tpu.memory_space<hbm>> -> memref<128x128xf32, #tpu.memory_space<hbm>>
    %dma_start3A_569 = arith.constant 0 : i32
    %dma_start3A_570 = arith.constant 0 : i32
    %dma_start3A_571 = tpu.memref_slice %arg6[%dma_start3A_552, %dma_start3A_569, %dma_start3A_570] : memref<6x128x128xf32, #tpu.memory_space<vmem>> -> memref<1x128x128xf32, #tpu.memory_space<vmem>>
    %dma_start3A_572 = tpu.memref_squeeze %dma_start3A_571 : memref<1x128x128xf32, #tpu.memory_space<vmem>> -> memref<128x128xf32, #tpu.memory_space<vmem>>
    tpu.enqueue_dma source(%dma_start3A_572 : memref<128x128xf32, #tpu.memory_space<vmem>>) target(%dma_start3A_568 : memref<128x128xf32, #tpu.memory_space<hbm>>) target_semaphore(%dma_start3A_564 : memref<!tpu.dma_semaphore, #tpu.memory_space<semaphore_mem>>)
    %dma_wait3A_573 = arith.constant 0 : i32
    %dma_wait3A_574 = arith.constant 4 : i32
    %dma_wait3A_575 = arith.constant 4 : i32
    %dma_wait3A_576 = arith.constant 0 : i32
    %dma_wait3A_577 = arith.constant 0 : i32
    %dma_wait3A_578 = tpu.memref_slice %arg6[%dma_wait3A_574, %dma_wait3A_576, %dma_wait3A_577] : memref<6x128x128xf32, #tpu.memory_space<vmem>> -> memref<1x128x128xf32, #tpu.memory_space<vmem>>
    %dma_wait3A_579 = tpu.memref_squeeze %dma_wait3A_578 : memref<1x128x128xf32, #tpu.memory_space<vmem>> -> memref<128x128xf32, #tpu.memory_space<vmem>>
    %dma_wait3A_580 = arith.constant 0 : i32
    %dma_wait3A_581 = arith.constant 0 : i32
    %dma_wait3A_582 = tpu.memref_slice %arg4[%add3A, %dma_wait3A_573, %dma_wait3A_580, %dma_wait3A_581] : memref<32x200x128x128xf32, #tpu.memory_space<hbm>> -> memref<1x1x128x128xf32, #tpu.memory_space<hbm>>
    %dma_wait3A_583 = tpu.memref_squeeze %dma_wait3A_582 : memref<1x1x128x128xf32, #tpu.memory_space<hbm>> -> memref<128x128xf32, #tpu.memory_space<hbm>>
    %dma_wait3A_584 = tpu.memref_slice %arg8[%dma_wait3A_575] : memref<6x!tpu.dma_semaphore, #tpu.memory_space<semaphore_mem>> -> memref<1x!tpu.dma_semaphore, #tpu.memory_space<semaphore_mem>>
    %dma_wait3A_585 = tpu.memref_squeeze %dma_wait3A_584 : memref<1x!tpu.dma_semaphore, #tpu.memory_space<semaphore_mem>> -> memref<!tpu.dma_semaphore, #tpu.memory_space<semaphore_mem>>
    %dma_wait3A_586 = arith.constant 0 : i32
    %dma_wait3A_587 = arith.constant 0 : i32
    %dma_wait3A_588 = tpu.memref_slice %arg6[%dma_wait3A_574, %dma_wait3A_586, %dma_wait3A_587] : memref<6x128x128xf32, #tpu.memory_space<vmem>> -> memref<1x128x128xf32, #tpu.memory_space<vmem>>
    %dma_wait3A_589 = tpu.memref_squeeze %dma_wait3A_588 : memref<1x128x128xf32, #tpu.memory_space<vmem>> -> memref<128x128xf32, #tpu.memory_space<vmem>>
    %dma_wait3A_590 = arith.constant 0 : i32
    %dma_wait3A_591 = arith.constant 0 : i32
    %dma_wait3A_592 = tpu.memref_slice %arg4[%add3A, %dma_wait3A_573, %dma_wait3A_590, %dma_wait3A_591] : memref<32x200x128x128xf32, #tpu.memory_space<hbm>> -> memref<1x1x128x128xf32, #tpu.memory_space<hbm>>
    %dma_wait3A_593 = tpu.memref_squeeze %dma_wait3A_592 : memref<1x1x128x128xf32, #tpu.memory_space<hbm>> -> memref<128x128xf32, #tpu.memory_space<hbm>>
    tpu.wait_dma2 semaphore(%dma_wait3A_585 : memref<!tpu.dma_semaphore, #tpu.memory_space<semaphore_mem>>) src(%dma_wait3A_593 : memref<128x128xf32, #tpu.memory_space<hbm>>) dst(%dma_wait3A_589 : memref<128x128xf32, #tpu.memory_space<vmem>>)
    %dma_start3A_594 = arith.constant 196 : i32
    %dma_start3A_595 = arith.constant 4 : i32
    %dma_start3A_596 = arith.constant 4 : i32
    %dma_start3A_597 = arith.constant 0 : i32
    %dma_start3A_598 = arith.constant 0 : i32
    %dma_start3A_599 = tpu.memref_slice %arg6[%dma_start3A_595, %dma_start3A_597, %dma_start3A_598] : memref<6x128x128xf32, #tpu.memory_space<vmem>> -> memref<1x128x128xf32, #tpu.memory_space<vmem>>
    %dma_start3A_600 = tpu.memref_squeeze %dma_start3A_599 : memref<1x128x128xf32, #tpu.memory_space<vmem>> -> memref<128x128xf32, #tpu.memory_space<vmem>>
    %dma_start3A_601 = arith.constant 0 : i32
    %dma_start3A_602 = tpu.memref_slice %arg5[%dma_start3A_594, %dma_start3A_601] : memref<200x128xi32, #tpu.memory_space<vmem>> -> memref<1x128xi32, #tpu.memory_space<vmem>>
    %dma_start3A_603 = tpu.memref_squeeze %dma_start3A_602 : memref<1x128xi32, #tpu.memory_space<vmem>> -> memref<128xi32, #tpu.memory_space<vmem>>
    %dma_start3A_604 = arith.constant 0 : i32
    %dma_start3A_605 = arith.constant 0 : i32
    %dma_start3A_606 = tpu.memref_slice %arg3[%dma_start3A_604, %dma_start3A_605] : memref<100000x128xf32, #tpu.memory_space<hbm>> -> memref<100000x128xf32, #tpu.memory_space<hbm>>
    %dma_start3A_607 = tpu.memref_slice %arg7[%dma_start3A_596] : memref<6x!tpu.dma_semaphore, #tpu.memory_space<semaphore_mem>> -> memref<1x!tpu.dma_semaphore, #tpu.memory_space<semaphore_mem>>
    %dma_start3A_608 = tpu.memref_squeeze %dma_start3A_607 : memref<1x!tpu.dma_semaphore, #tpu.memory_space<semaphore_mem>> -> memref<!tpu.dma_semaphore, #tpu.memory_space<semaphore_mem>>
    tpu.enqueue_indirect_dma source(%dma_start3A_606 : memref<100000x128xf32, #tpu.memory_space<hbm>>) target(%dma_start3A_600 : memref<128x128xf32, #tpu.memory_space<vmem>>) offsets(%dma_start3A_603 : memref<128xi32, #tpu.memory_space<vmem>>) semaphore(%dma_start3A_608 : memref<!tpu.dma_semaphore, #tpu.memory_space<semaphore_mem>>)
    %dma_wait3A_609 = arith.constant 0 : i32
    %dma_wait3A_610 = arith.constant 2 : i32
    %dma_wait3A_611 = arith.constant 2 : i32
    %dma_wait3A_612 = arith.constant 0 : i32
    %dma_wait3A_613 = arith.constant 0 : i32
    %dma_wait3A_614 = tpu.memref_slice %arg6[%dma_wait3A_610, %dma_wait3A_612, %dma_wait3A_613] : memref<6x128x128xf32, #tpu.memory_space<vmem>> -> memref<1x128x128xf32, #tpu.memory_space<vmem>>
    %dma_wait3A_615 = tpu.memref_squeeze %dma_wait3A_614 : memref<1x128x128xf32, #tpu.memory_space<vmem>> -> memref<128x128xf32, #tpu.memory_space<vmem>>
    %dma_wait3A_616 = arith.constant 0 : i32
    %dma_wait3A_617 = arith.constant 0 : i32
    %dma_wait3A_618 = tpu.memref_slice %arg4[%add3A, %dma_wait3A_609, %dma_wait3A_616, %dma_wait3A_617] : memref<32x200x128x128xf32, #tpu.memory_space<hbm>> -> memref<1x1x128x128xf32, #tpu.memory_space<hbm>>
    %dma_wait3A_619 = tpu.memref_squeeze %dma_wait3A_618 : memref<1x1x128x128xf32, #tpu.memory_space<hbm>> -> memref<128x128xf32, #tpu.memory_space<hbm>>
    %dma_wait3A_620 = tpu.memref_slice %arg7[%dma_wait3A_611] : memref<6x!tpu.dma_semaphore, #tpu.memory_space<semaphore_mem>> -> memref<1x!tpu.dma_semaphore, #tpu.memory_space<semaphore_mem>>
    %dma_wait3A_621 = tpu.memref_squeeze %dma_wait3A_620 : memref<1x!tpu.dma_semaphore, #tpu.memory_space<semaphore_mem>> -> memref<!tpu.dma_semaphore, #tpu.memory_space<semaphore_mem>>
    %dma_wait3A_622 = arith.constant 0 : i32
    %dma_wait3A_623 = arith.constant 0 : i32
    %dma_wait3A_624 = tpu.memref_slice %arg6[%dma_wait3A_610, %dma_wait3A_622, %dma_wait3A_623] : memref<6x128x128xf32, #tpu.memory_space<vmem>> -> memref<1x128x128xf32, #tpu.memory_space<vmem>>
    %dma_wait3A_625 = tpu.memref_squeeze %dma_wait3A_624 : memref<1x128x128xf32, #tpu.memory_space<vmem>> -> memref<128x128xf32, #tpu.memory_space<vmem>>
    %dma_wait3A_626 = arith.constant 0 : i32
    %dma_wait3A_627 = arith.constant 0 : i32
    %dma_wait3A_628 = tpu.memref_slice %arg4[%add3A, %dma_wait3A_609, %dma_wait3A_626, %dma_wait3A_627] : memref<32x200x128x128xf32, #tpu.memory_space<hbm>> -> memref<1x1x128x128xf32, #tpu.memory_space<hbm>>
    %dma_wait3A_629 = tpu.memref_squeeze %dma_wait3A_628 : memref<1x1x128x128xf32, #tpu.memory_space<hbm>> -> memref<128x128xf32, #tpu.memory_space<hbm>>
    tpu.wait_dma2 semaphore(%dma_wait3A_621 : memref<!tpu.dma_semaphore, #tpu.memory_space<semaphore_mem>>) src(%dma_wait3A_629 : memref<128x128xf32, #tpu.memory_space<hbm>>) dst(%dma_wait3A_625 : memref<128x128xf32, #tpu.memory_space<vmem>>)
    %dma_start3A_630 = arith.constant 2 : i32
    %dma_start3A_631 = arith.constant 194 : i32
    %dma_start3A_632 = arith.constant 2 : i32
    %dma_start3A_633 = arith.constant 0 : i32
    %dma_start3A_634 = arith.constant 0 : i32
    %dma_start3A_635 = tpu.memref_slice %arg6[%dma_start3A_630, %dma_start3A_633, %dma_start3A_634] : memref<6x128x128xf32, #tpu.memory_space<vmem>> -> memref<1x128x128xf32, #tpu.memory_space<vmem>>
    %dma_start3A_636 = tpu.memref_squeeze %dma_start3A_635 : memref<1x128x128xf32, #tpu.memory_space<vmem>> -> memref<128x128xf32, #tpu.memory_space<vmem>>
    %dma_start3A_637 = arith.constant 0 : i32
    %dma_start3A_638 = arith.constant 0 : i32
    %dma_start3A_639 = tpu.memref_slice %arg4[%add3A, %dma_start3A_631, %dma_start3A_637, %dma_start3A_638] : memref<32x200x128x128xf32, #tpu.memory_space<hbm>> -> memref<1x1x128x128xf32, #tpu.memory_space<hbm>>
    %dma_start3A_640 = tpu.memref_squeeze %dma_start3A_639 : memref<1x1x128x128xf32, #tpu.memory_space<hbm>> -> memref<128x128xf32, #tpu.memory_space<hbm>>
    %dma_start3A_641 = tpu.memref_slice %arg8[%dma_start3A_632] : memref<6x!tpu.dma_semaphore, #tpu.memory_space<semaphore_mem>> -> memref<1x!tpu.dma_semaphore, #tpu.memory_space<semaphore_mem>>
    %dma_start3A_642 = tpu.memref_squeeze %dma_start3A_641 : memref<1x!tpu.dma_semaphore, #tpu.memory_space<semaphore_mem>> -> memref<!tpu.dma_semaphore, #tpu.memory_space<semaphore_mem>>
    %dma_start3A_643 = arith.constant 0 : i32
    %dma_start3A_644 = arith.constant 0 : i32
    %dma_start3A_645 = tpu.memref_slice %arg4[%add3A, %dma_start3A_631, %dma_start3A_643, %dma_start3A_644] : memref<32x200x128x128xf32, #tpu.memory_space<hbm>> -> memref<1x1x128x128xf32, #tpu.memory_space<hbm>>
    %dma_start3A_646 = tpu.memref_squeeze %dma_start3A_645 : memref<1x1x128x128xf32, #tpu.memory_space<hbm>> -> memref<128x128xf32, #tpu.memory_space<hbm>>
    %dma_start3A_647 = arith.constant 0 : i32
    %dma_start3A_648 = arith.constant 0 : i32
    %dma_start3A_649 = tpu.memref_slice %arg6[%dma_start3A_630, %dma_start3A_647, %dma_start3A_648] : memref<6x128x128xf32, #tpu.memory_space<vmem>> -> memref<1x128x128xf32, #tpu.memory_space<vmem>>
    %dma_start3A_650 = tpu.memref_squeeze %dma_start3A_649 : memref<1x128x128xf32, #tpu.memory_space<vmem>> -> memref<128x128xf32, #tpu.memory_space<vmem>>
    tpu.enqueue_dma source(%dma_start3A_650 : memref<128x128xf32, #tpu.memory_space<vmem>>) target(%dma_start3A_646 : memref<128x128xf32, #tpu.memory_space<hbm>>) target_semaphore(%dma_start3A_642 : memref<!tpu.dma_semaphore, #tpu.memory_space<semaphore_mem>>)
    %dma_wait3A_651 = arith.constant 0 : i32
    %dma_wait3A_652 = arith.constant 5 : i32
    %dma_wait3A_653 = arith.constant 5 : i32
    %dma_wait3A_654 = arith.constant 0 : i32
    %dma_wait3A_655 = arith.constant 0 : i32
    %dma_wait3A_656 = tpu.memref_slice %arg6[%dma_wait3A_652, %dma_wait3A_654, %dma_wait3A_655] : memref<6x128x128xf32, #tpu.memory_space<vmem>> -> memref<1x128x128xf32, #tpu.memory_space<vmem>>
    %dma_wait3A_657 = tpu.memref_squeeze %dma_wait3A_656 : memref<1x128x128xf32, #tpu.memory_space<vmem>> -> memref<128x128xf32, #tpu.memory_space<vmem>>
    %dma_wait3A_658 = arith.constant 0 : i32
    %dma_wait3A_659 = arith.constant 0 : i32
    %dma_wait3A_660 = tpu.memref_slice %arg4[%add3A, %dma_wait3A_651, %dma_wait3A_658, %dma_wait3A_659] : memref<32x200x128x128xf32, #tpu.memory_space<hbm>> -> memref<1x1x128x128xf32, #tpu.memory_space<hbm>>
    %dma_wait3A_661 = tpu.memref_squeeze %dma_wait3A_660 : memref<1x1x128x128xf32, #tpu.memory_space<hbm>> -> memref<128x128xf32, #tpu.memory_space<hbm>>
    %dma_wait3A_662 = tpu.memref_slice %arg8[%dma_wait3A_653] : memref<6x!tpu.dma_semaphore, #tpu.memory_space<semaphore_mem>> -> memref<1x!tpu.dma_semaphore, #tpu.memory_space<semaphore_mem>>
    %dma_wait3A_663 = tpu.memref_squeeze %dma_wait3A_662 : memref<1x!tpu.dma_semaphore, #tpu.memory_space<semaphore_mem>> -> memref<!tpu.dma_semaphore, #tpu.memory_space<semaphore_mem>>
    %dma_wait3A_664 = arith.constant 0 : i32
    %dma_wait3A_665 = arith.constant 0 : i32
    %dma_wait3A_666 = tpu.memref_slice %arg6[%dma_wait3A_652, %dma_wait3A_664, %dma_wait3A_665] : memref<6x128x128xf32, #tpu.memory_space<vmem>> -> memref<1x128x128xf32, #tpu.memory_space<vmem>>
    %dma_wait3A_667 = tpu.memref_squeeze %dma_wait3A_666 : memref<1x128x128xf32, #tpu.memory_space<vmem>> -> memref<128x128xf32, #tpu.memory_space<vmem>>
    %dma_wait3A_668 = arith.constant 0 : i32
    %dma_wait3A_669 = arith.constant 0 : i32
    %dma_wait3A_670 = tpu.memref_slice %arg4[%add3A, %dma_wait3A_651, %dma_wait3A_668, %dma_wait3A_669] : memref<32x200x128x128xf32, #tpu.memory_space<hbm>> -> memref<1x1x128x128xf32, #tpu.memory_space<hbm>>
    %dma_wait3A_671 = tpu.memref_squeeze %dma_wait3A_670 : memref<1x1x128x128xf32, #tpu.memory_space<hbm>> -> memref<128x128xf32, #tpu.memory_space<hbm>>
    tpu.wait_dma2 semaphore(%dma_wait3A_663 : memref<!tpu.dma_semaphore, #tpu.memory_space<semaphore_mem>>) src(%dma_wait3A_671 : memref<128x128xf32, #tpu.memory_space<hbm>>) dst(%dma_wait3A_667 : memref<128x128xf32, #tpu.memory_space<vmem>>)
    %dma_start3A_672 = arith.constant 197 : i32
    %dma_start3A_673 = arith.constant 5 : i32
    %dma_start3A_674 = arith.constant 5 : i32
    %dma_start3A_675 = arith.constant 0 : i32
    %dma_start3A_676 = arith.constant 0 : i32
    %dma_start3A_677 = tpu.memref_slice %arg6[%dma_start3A_673, %dma_start3A_675, %dma_start3A_676] : memref<6x128x128xf32, #tpu.memory_space<vmem>> -> memref<1x128x128xf32, #tpu.memory_space<vmem>>
    %dma_start3A_678 = tpu.memref_squeeze %dma_start3A_677 : memref<1x128x128xf32, #tpu.memory_space<vmem>> -> memref<128x128xf32, #tpu.memory_space<vmem>>
    %dma_start3A_679 = arith.constant 0 : i32
    %dma_start3A_680 = tpu.memref_slice %arg5[%dma_start3A_672, %dma_start3A_679] : memref<200x128xi32, #tpu.memory_space<vmem>> -> memref<1x128xi32, #tpu.memory_space<vmem>>
    %dma_start3A_681 = tpu.memref_squeeze %dma_start3A_680 : memref<1x128xi32, #tpu.memory_space<vmem>> -> memref<128xi32, #tpu.memory_space<vmem>>
    %dma_start3A_682 = arith.constant 0 : i32
    %dma_start3A_683 = arith.constant 0 : i32
    %dma_start3A_684 = tpu.memref_slice %arg3[%dma_start3A_682, %dma_start3A_683] : memref<100000x128xf32, #tpu.memory_space<hbm>> -> memref<100000x128xf32, #tpu.memory_space<hbm>>
    %dma_start3A_685 = tpu.memref_slice %arg7[%dma_start3A_674] : memref<6x!tpu.dma_semaphore, #tpu.memory_space<semaphore_mem>> -> memref<1x!tpu.dma_semaphore, #tpu.memory_space<semaphore_mem>>
    %dma_start3A_686 = tpu.memref_squeeze %dma_start3A_685 : memref<1x!tpu.dma_semaphore, #tpu.memory_space<semaphore_mem>> -> memref<!tpu.dma_semaphore, #tpu.memory_space<semaphore_mem>>
    tpu.enqueue_indirect_dma source(%dma_start3A_684 : memref<100000x128xf32, #tpu.memory_space<hbm>>) target(%dma_start3A_678 : memref<128x128xf32, #tpu.memory_space<vmem>>) offsets(%dma_start3A_681 : memref<128xi32, #tpu.memory_space<vmem>>) semaphore(%dma_start3A_686 : memref<!tpu.dma_semaphore, #tpu.memory_space<semaphore_mem>>)
    %dma_wait3A_687 = arith.constant 0 : i32
    %dma_wait3A_688 = arith.constant 3 : i32
    %dma_wait3A_689 = arith.constant 3 : i32
    %dma_wait3A_690 = arith.constant 0 : i32
    %dma_wait3A_691 = arith.constant 0 : i32
    %dma_wait3A_692 = tpu.memref_slice %arg6[%dma_wait3A_688, %dma_wait3A_690, %dma_wait3A_691] : memref<6x128x128xf32, #tpu.memory_space<vmem>> -> memref<1x128x128xf32, #tpu.memory_space<vmem>>
    %dma_wait3A_693 = tpu.memref_squeeze %dma_wait3A_692 : memref<1x128x128xf32, #tpu.memory_space<vmem>> -> memref<128x128xf32, #tpu.memory_space<vmem>>
    %dma_wait3A_694 = arith.constant 0 : i32
    %dma_wait3A_695 = arith.constant 0 : i32
    %dma_wait3A_696 = tpu.memref_slice %arg4[%add3A, %dma_wait3A_687, %dma_wait3A_694, %dma_wait3A_695] : memref<32x200x128x128xf32, #tpu.memory_space<hbm>> -> memref<1x1x128x128xf32, #tpu.memory_space<hbm>>
    %dma_wait3A_697 = tpu.memref_squeeze %dma_wait3A_696 : memref<1x1x128x128xf32, #tpu.memory_space<hbm>> -> memref<128x128xf32, #tpu.memory_space<hbm>>
    %dma_wait3A_698 = tpu.memref_slice %arg7[%dma_wait3A_689] : memref<6x!tpu.dma_semaphore, #tpu.memory_space<semaphore_mem>> -> memref<1x!tpu.dma_semaphore, #tpu.memory_space<semaphore_mem>>
    %dma_wait3A_699 = tpu.memref_squeeze %dma_wait3A_698 : memref<1x!tpu.dma_semaphore, #tpu.memory_space<semaphore_mem>> -> memref<!tpu.dma_semaphore, #tpu.memory_space<semaphore_mem>>
    %dma_wait3A_700 = arith.constant 0 : i32
    %dma_wait3A_701 = arith.constant 0 : i32
    %dma_wait3A_702 = tpu.memref_slice %arg6[%dma_wait3A_688, %dma_wait3A_700, %dma_wait3A_701] : memref<6x128x128xf32, #tpu.memory_space<vmem>> -> memref<1x128x128xf32, #tpu.memory_space<vmem>>
    %dma_wait3A_703 = tpu.memref_squeeze %dma_wait3A_702 : memref<1x128x128xf32, #tpu.memory_space<vmem>> -> memref<128x128xf32, #tpu.memory_space<vmem>>
    %dma_wait3A_704 = arith.constant 0 : i32
    %dma_wait3A_705 = arith.constant 0 : i32
    %dma_wait3A_706 = tpu.memref_slice %arg4[%add3A, %dma_wait3A_687, %dma_wait3A_704, %dma_wait3A_705] : memref<32x200x128x128xf32, #tpu.memory_space<hbm>> -> memref<1x1x128x128xf32, #tpu.memory_space<hbm>>
    %dma_wait3A_707 = tpu.memref_squeeze %dma_wait3A_706 : memref<1x1x128x128xf32, #tpu.memory_space<hbm>> -> memref<128x128xf32, #tpu.memory_space<hbm>>
    tpu.wait_dma2 semaphore(%dma_wait3A_699 : memref<!tpu.dma_semaphore, #tpu.memory_space<semaphore_mem>>) src(%dma_wait3A_707 : memref<128x128xf32, #tpu.memory_space<hbm>>) dst(%dma_wait3A_703 : memref<128x128xf32, #tpu.memory_space<vmem>>)
    %dma_start3A_708 = arith.constant 3 : i32
    %dma_start3A_709 = arith.constant 195 : i32
    %dma_start3A_710 = arith.constant 3 : i32
    %dma_start3A_711 = arith.constant 0 : i32
    %dma_start3A_712 = arith.constant 0 : i32
    %dma_start3A_713 = tpu.memref_slice %arg6[%dma_start3A_708, %dma_start3A_711, %dma_start3A_712] : memref<6x128x128xf32, #tpu.memory_space<vmem>> -> memref<1x128x128xf32, #tpu.memory_space<vmem>>
    %dma_start3A_714 = tpu.memref_squeeze %dma_start3A_713 : memref<1x128x128xf32, #tpu.memory_space<vmem>> -> memref<128x128xf32, #tpu.memory_space<vmem>>
    %dma_start3A_715 = arith.constant 0 : i32
    %dma_start3A_716 = arith.constant 0 : i32
    %dma_start3A_717 = tpu.memref_slice %arg4[%add3A, %dma_start3A_709, %dma_start3A_715, %dma_start3A_716] : memref<32x200x128x128xf32, #tpu.memory_space<hbm>> -> memref<1x1x128x128xf32, #tpu.memory_space<hbm>>
    %dma_start3A_718 = tpu.memref_squeeze %dma_start3A_717 : memref<1x1x128x128xf32, #tpu.memory_space<hbm>> -> memref<128x128xf32, #tpu.memory_space<hbm>>
    %dma_start3A_719 = tpu.memref_slice %arg8[%dma_start3A_710] : memref<6x!tpu.dma_semaphore, #tpu.memory_space<semaphore_mem>> -> memref<1x!tpu.dma_semaphore, #tpu.memory_space<semaphore_mem>>
    %dma_start3A_720 = tpu.memref_squeeze %dma_start3A_719 : memref<1x!tpu.dma_semaphore, #tpu.memory_space<semaphore_mem>> -> memref<!tpu.dma_semaphore, #tpu.memory_space<semaphore_mem>>
    %dma_start3A_721 = arith.constant 0 : i32
    %dma_start3A_722 = arith.constant 0 : i32
    %dma_start3A_723 = tpu.memref_slice %arg4[%add3A, %dma_start3A_709, %dma_start3A_721, %dma_start3A_722] : memref<32x200x128x128xf32, #tpu.memory_space<hbm>> -> memref<1x1x128x128xf32, #tpu.memory_space<hbm>>
    %dma_start3A_724 = tpu.memref_squeeze %dma_start3A_723 : memref<1x1x128x128xf32, #tpu.memory_space<hbm>> -> memref<128x128xf32, #tpu.memory_space<hbm>>
    %dma_start3A_725 = arith.constant 0 : i32
    %dma_start3A_726 = arith.constant 0 : i32
    %dma_start3A_727 = tpu.memref_slice %arg6[%dma_start3A_708, %dma_start3A_725, %dma_start3A_726] : memref<6x128x128xf32, #tpu.memory_space<vmem>> -> memref<1x128x128xf32, #tpu.memory_space<vmem>>
    %dma_start3A_728 = tpu.memref_squeeze %dma_start3A_727 : memref<1x128x128xf32, #tpu.memory_space<vmem>> -> memref<128x128xf32, #tpu.memory_space<vmem>>
    tpu.enqueue_dma source(%dma_start3A_728 : memref<128x128xf32, #tpu.memory_space<vmem>>) target(%dma_start3A_724 : memref<128x128xf32, #tpu.memory_space<hbm>>) target_semaphore(%dma_start3A_720 : memref<!tpu.dma_semaphore, #tpu.memory_space<semaphore_mem>>)
    %dma_wait3A_729 = arith.constant 0 : i32
    %dma_wait3A_730 = arith.constant 0 : i32
    %dma_wait3A_731 = arith.constant 0 : i32
    %dma_wait3A_732 = arith.constant 0 : i32
    %dma_wait3A_733 = arith.constant 0 : i32
    %dma_wait3A_734 = tpu.memref_slice %arg6[%dma_wait3A_730, %dma_wait3A_732, %dma_wait3A_733] : memref<6x128x128xf32, #tpu.memory_space<vmem>> -> memref<1x128x128xf32, #tpu.memory_space<vmem>>
    %dma_wait3A_735 = tpu.memref_squeeze %dma_wait3A_734 : memref<1x128x128xf32, #tpu.memory_space<vmem>> -> memref<128x128xf32, #tpu.memory_space<vmem>>
    %dma_wait3A_736 = arith.constant 0 : i32
    %dma_wait3A_737 = arith.constant 0 : i32
    %dma_wait3A_738 = tpu.memref_slice %arg4[%add3A, %dma_wait3A_729, %dma_wait3A_736, %dma_wait3A_737] : memref<32x200x128x128xf32, #tpu.memory_space<hbm>> -> memref<1x1x128x128xf32, #tpu.memory_space<hbm>>
    %dma_wait3A_739 = tpu.memref_squeeze %dma_wait3A_738 : memref<1x1x128x128xf32, #tpu.memory_space<hbm>> -> memref<128x128xf32, #tpu.memory_space<hbm>>
    %dma_wait3A_740 = tpu.memref_slice %arg8[%dma_wait3A_731] : memref<6x!tpu.dma_semaphore, #tpu.memory_space<semaphore_mem>> -> memref<1x!tpu.dma_semaphore, #tpu.memory_space<semaphore_mem>>
    %dma_wait3A_741 = tpu.memref_squeeze %dma_wait3A_740 : memref<1x!tpu.dma_semaphore, #tpu.memory_space<semaphore_mem>> -> memref<!tpu.dma_semaphore, #tpu.memory_space<semaphore_mem>>
    %dma_wait3A_742 = arith.constant 0 : i32
    %dma_wait3A_743 = arith.constant 0 : i32
    %dma_wait3A_744 = tpu.memref_slice %arg6[%dma_wait3A_730, %dma_wait3A_742, %dma_wait3A_743] : memref<6x128x128xf32, #tpu.memory_space<vmem>> -> memref<1x128x128xf32, #tpu.memory_space<vmem>>
    %dma_wait3A_745 = tpu.memref_squeeze %dma_wait3A_744 : memref<1x128x128xf32, #tpu.memory_space<vmem>> -> memref<128x128xf32, #tpu.memory_space<vmem>>
    %dma_wait3A_746 = arith.constant 0 : i32
    %dma_wait3A_747 = arith.constant 0 : i32
    %dma_wait3A_748 = tpu.memref_slice %arg4[%add3A, %dma_wait3A_729, %dma_wait3A_746, %dma_wait3A_747] : memref<32x200x128x128xf32, #tpu.memory_space<hbm>> -> memref<1x1x128x128xf32, #tpu.memory_space<hbm>>
    %dma_wait3A_749 = tpu.memref_squeeze %dma_wait3A_748 : memref<1x1x128x128xf32, #tpu.memory_space<hbm>> -> memref<128x128xf32, #tpu.memory_space<hbm>>
    tpu.wait_dma2 semaphore(%dma_wait3A_741 : memref<!tpu.dma_semaphore, #tpu.memory_space<semaphore_mem>>) src(%dma_wait3A_749 : memref<128x128xf32, #tpu.memory_space<hbm>>) dst(%dma_wait3A_745 : memref<128x128xf32, #tpu.memory_space<vmem>>)
    %dma_start3A_750 = arith.constant 198 : i32
    %dma_start3A_751 = arith.constant 0 : i32
    %dma_start3A_752 = arith.constant 0 : i32
    %dma_start3A_753 = arith.constant 0 : i32
    %dma_start3A_754 = arith.constant 0 : i32
    %dma_start3A_755 = tpu.memref_slice %arg6[%dma_start3A_751, %dma_start3A_753, %dma_start3A_754] : memref<6x128x128xf32, #tpu.memory_space<vmem>> -> memref<1x128x128xf32, #tpu.memory_space<vmem>>
    %dma_start3A_756 = tpu.memref_squeeze %dma_start3A_755 : memref<1x128x128xf32, #tpu.memory_space<vmem>> -> memref<128x128xf32, #tpu.memory_space<vmem>>
    %dma_start3A_757 = arith.constant 0 : i32
    %dma_start3A_758 = tpu.memref_slice %arg5[%dma_start3A_750, %dma_start3A_757] : memref<200x128xi32, #tpu.memory_space<vmem>> -> memref<1x128xi32, #tpu.memory_space<vmem>>
    %dma_start3A_759 = tpu.memref_squeeze %dma_start3A_758 : memref<1x128xi32, #tpu.memory_space<vmem>> -> memref<128xi32, #tpu.memory_space<vmem>>
    %dma_start3A_760 = arith.constant 0 : i32
    %dma_start3A_761 = arith.constant 0 : i32
    %dma_start3A_762 = tpu.memref_slice %arg3[%dma_start3A_760, %dma_start3A_761] : memref<100000x128xf32, #tpu.memory_space<hbm>> -> memref<100000x128xf32, #tpu.memory_space<hbm>>
    %dma_start3A_763 = tpu.memref_slice %arg7[%dma_start3A_752] : memref<6x!tpu.dma_semaphore, #tpu.memory_space<semaphore_mem>> -> memref<1x!tpu.dma_semaphore, #tpu.memory_space<semaphore_mem>>
    %dma_start3A_764 = tpu.memref_squeeze %dma_start3A_763 : memref<1x!tpu.dma_semaphore, #tpu.memory_space<semaphore_mem>> -> memref<!tpu.dma_semaphore, #tpu.memory_space<semaphore_mem>>
    tpu.enqueue_indirect_dma source(%dma_start3A_762 : memref<100000x128xf32, #tpu.memory_space<hbm>>) target(%dma_start3A_756 : memref<128x128xf32, #tpu.memory_space<vmem>>) offsets(%dma_start3A_759 : memref<128xi32, #tpu.memory_space<vmem>>) semaphore(%dma_start3A_764 : memref<!tpu.dma_semaphore, #tpu.memory_space<semaphore_mem>>)
    %dma_wait3A_765 = arith.constant 0 : i32
    %dma_wait3A_766 = arith.constant 4 : i32
    %dma_wait3A_767 = arith.constant 4 : i32
    %dma_wait3A_768 = arith.constant 0 : i32
    %dma_wait3A_769 = arith.constant 0 : i32
    %dma_wait3A_770 = tpu.memref_slice %arg6[%dma_wait3A_766, %dma_wait3A_768, %dma_wait3A_769] : memref<6x128x128xf32, #tpu.memory_space<vmem>> -> memref<1x128x128xf32, #tpu.memory_space<vmem>>
    %dma_wait3A_771 = tpu.memref_squeeze %dma_wait3A_770 : memref<1x128x128xf32, #tpu.memory_space<vmem>> -> memref<128x128xf32, #tpu.memory_space<vmem>>
    %dma_wait3A_772 = arith.constant 0 : i32
    %dma_wait3A_773 = arith.constant 0 : i32
    %dma_wait3A_774 = tpu.memref_slice %arg4[%add3A, %dma_wait3A_765, %dma_wait3A_772, %dma_wait3A_773] : memref<32x200x128x128xf32, #tpu.memory_space<hbm>> -> memref<1x1x128x128xf32, #tpu.memory_space<hbm>>
    %dma_wait3A_775 = tpu.memref_squeeze %dma_wait3A_774 : memref<1x1x128x128xf32, #tpu.memory_space<hbm>> -> memref<128x128xf32, #tpu.memory_space<hbm>>
    %dma_wait3A_776 = tpu.memref_slice %arg7[%dma_wait3A_767] : memref<6x!tpu.dma_semaphore, #tpu.memory_space<semaphore_mem>> -> memref<1x!tpu.dma_semaphore, #tpu.memory_space<semaphore_mem>>
    %dma_wait3A_777 = tpu.memref_squeeze %dma_wait3A_776 : memref<1x!tpu.dma_semaphore, #tpu.memory_space<semaphore_mem>> -> memref<!tpu.dma_semaphore, #tpu.memory_space<semaphore_mem>>
    %dma_wait3A_778 = arith.constant 0 : i32
    %dma_wait3A_779 = arith.constant 0 : i32
    %dma_wait3A_780 = tpu.memref_slice %arg6[%dma_wait3A_766, %dma_wait3A_778, %dma_wait3A_779] : memref<6x128x128xf32, #tpu.memory_space<vmem>> -> memref<1x128x128xf32, #tpu.memory_space<vmem>>
    %dma_wait3A_781 = tpu.memref_squeeze %dma_wait3A_780 : memref<1x128x128xf32, #tpu.memory_space<vmem>> -> memref<128x128xf32, #tpu.memory_space<vmem>>
    %dma_wait3A_782 = arith.constant 0 : i32
    %dma_wait3A_783 = arith.constant 0 : i32
    %dma_wait3A_784 = tpu.memref_slice %arg4[%add3A, %dma_wait3A_765, %dma_wait3A_782, %dma_wait3A_783] : memref<32x200x128x128xf32, #tpu.memory_space<hbm>> -> memref<1x1x128x128xf32, #tpu.memory_space<hbm>>
    %dma_wait3A_785 = tpu.memref_squeeze %dma_wait3A_784 : memref<1x1x128x128xf32, #tpu.memory_space<hbm>> -> memref<128x128xf32, #tpu.memory_space<hbm>>
    tpu.wait_dma2 semaphore(%dma_wait3A_777 : memref<!tpu.dma_semaphore, #tpu.memory_space<semaphore_mem>>) src(%dma_wait3A_785 : memref<128x128xf32, #tpu.memory_space<hbm>>) dst(%dma_wait3A_781 : memref<128x128xf32, #tpu.memory_space<vmem>>)
    %dma_start3A_786 = arith.constant 4 : i32
    %dma_start3A_787 = arith.constant 196 : i32
    %dma_start3A_788 = arith.constant 4 : i32
    %dma_start3A_789 = arith.constant 0 : i32
    %dma_start3A_790 = arith.constant 0 : i32
    %dma_start3A_791 = tpu.memref_slice %arg6[%dma_start3A_786, %dma_start3A_789, %dma_start3A_790] : memref<6x128x128xf32, #tpu.memory_space<vmem>> -> memref<1x128x128xf32, #tpu.memory_space<vmem>>
    %dma_start3A_792 = tpu.memref_squeeze %dma_start3A_791 : memref<1x128x128xf32, #tpu.memory_space<vmem>> -> memref<128x128xf32, #tpu.memory_space<vmem>>
    %dma_start3A_793 = arith.constant 0 : i32
    %dma_start3A_794 = arith.constant 0 : i32
    %dma_start3A_795 = tpu.memref_slice %arg4[%add3A, %dma_start3A_787, %dma_start3A_793, %dma_start3A_794] : memref<32x200x128x128xf32, #tpu.memory_space<hbm>> -> memref<1x1x128x128xf32, #tpu.memory_space<hbm>>
    %dma_start3A_796 = tpu.memref_squeeze %dma_start3A_795 : memref<1x1x128x128xf32, #tpu.memory_space<hbm>> -> memref<128x128xf32, #tpu.memory_space<hbm>>
    %dma_start3A_797 = tpu.memref_slice %arg8[%dma_start3A_788] : memref<6x!tpu.dma_semaphore, #tpu.memory_space<semaphore_mem>> -> memref<1x!tpu.dma_semaphore, #tpu.memory_space<semaphore_mem>>
    %dma_start3A_798 = tpu.memref_squeeze %dma_start3A_797 : memref<1x!tpu.dma_semaphore, #tpu.memory_space<semaphore_mem>> -> memref<!tpu.dma_semaphore, #tpu.memory_space<semaphore_mem>>
    %dma_start3A_799 = arith.constant 0 : i32
    %dma_start3A_800 = arith.constant 0 : i32
    %dma_start3A_801 = tpu.memref_slice %arg4[%add3A, %dma_start3A_787, %dma_start3A_799, %dma_start3A_800] : memref<32x200x128x128xf32, #tpu.memory_space<hbm>> -> memref<1x1x128x128xf32, #tpu.memory_space<hbm>>
    %dma_start3A_802 = tpu.memref_squeeze %dma_start3A_801 : memref<1x1x128x128xf32, #tpu.memory_space<hbm>> -> memref<128x128xf32, #tpu.memory_space<hbm>>
    %dma_start3A_803 = arith.constant 0 : i32
    %dma_start3A_804 = arith.constant 0 : i32
    %dma_start3A_805 = tpu.memref_slice %arg6[%dma_start3A_786, %dma_start3A_803, %dma_start3A_804] : memref<6x128x128xf32, #tpu.memory_space<vmem>> -> memref<1x128x128xf32, #tpu.memory_space<vmem>>
    %dma_start3A_806 = tpu.memref_squeeze %dma_start3A_805 : memref<1x128x128xf32, #tpu.memory_space<vmem>> -> memref<128x128xf32, #tpu.memory_space<vmem>>
    tpu.enqueue_dma source(%dma_start3A_806 : memref<128x128xf32, #tpu.memory_space<vmem>>) target(%dma_start3A_802 : memref<128x128xf32, #tpu.memory_space<hbm>>) target_semaphore(%dma_start3A_798 : memref<!tpu.dma_semaphore, #tpu.memory_space<semaphore_mem>>)
    %dma_wait3A_807 = arith.constant 0 : i32
    %dma_wait3A_808 = arith.constant 1 : i32
    %dma_wait3A_809 = arith.constant 1 : i32
    %dma_wait3A_810 = arith.constant 0 : i32
    %dma_wait3A_811 = arith.constant 0 : i32
    %dma_wait3A_812 = tpu.memref_slice %arg6[%dma_wait3A_808, %dma_wait3A_810, %dma_wait3A_811] : memref<6x128x128xf32, #tpu.memory_space<vmem>> -> memref<1x128x128xf32, #tpu.memory_space<vmem>>
    %dma_wait3A_813 = tpu.memref_squeeze %dma_wait3A_812 : memref<1x128x128xf32, #tpu.memory_space<vmem>> -> memref<128x128xf32, #tpu.memory_space<vmem>>
    %dma_wait3A_814 = arith.constant 0 : i32
    %dma_wait3A_815 = arith.constant 0 : i32
    %dma_wait3A_816 = tpu.memref_slice %arg4[%add3A, %dma_wait3A_807, %dma_wait3A_814, %dma_wait3A_815] : memref<32x200x128x128xf32, #tpu.memory_space<hbm>> -> memref<1x1x128x128xf32, #tpu.memory_space<hbm>>
    %dma_wait3A_817 = tpu.memref_squeeze %dma_wait3A_816 : memref<1x1x128x128xf32, #tpu.memory_space<hbm>> -> memref<128x128xf32, #tpu.memory_space<hbm>>
    %dma_wait3A_818 = tpu.memref_slice %arg8[%dma_wait3A_809] : memref<6x!tpu.dma_semaphore, #tpu.memory_space<semaphore_mem>> -> memref<1x!tpu.dma_semaphore, #tpu.memory_space<semaphore_mem>>
    %dma_wait3A_819 = tpu.memref_squeeze %dma_wait3A_818 : memref<1x!tpu.dma_semaphore, #tpu.memory_space<semaphore_mem>> -> memref<!tpu.dma_semaphore, #tpu.memory_space<semaphore_mem>>
    %dma_wait3A_820 = arith.constant 0 : i32
    %dma_wait3A_821 = arith.constant 0 : i32
    %dma_wait3A_822 = tpu.memref_slice %arg6[%dma_wait3A_808, %dma_wait3A_820, %dma_wait3A_821] : memref<6x128x128xf32, #tpu.memory_space<vmem>> -> memref<1x128x128xf32, #tpu.memory_space<vmem>>
    %dma_wait3A_823 = tpu.memref_squeeze %dma_wait3A_822 : memref<1x128x128xf32, #tpu.memory_space<vmem>> -> memref<128x128xf32, #tpu.memory_space<vmem>>
    %dma_wait3A_824 = arith.constant 0 : i32
    %dma_wait3A_825 = arith.constant 0 : i32
    %dma_wait3A_826 = tpu.memref_slice %arg4[%add3A, %dma_wait3A_807, %dma_wait3A_824, %dma_wait3A_825] : memref<32x200x128x128xf32, #tpu.memory_space<hbm>> -> memref<1x1x128x128xf32, #tpu.memory_space<hbm>>
    %dma_wait3A_827 = tpu.memref_squeeze %dma_wait3A_826 : memref<1x1x128x128xf32, #tpu.memory_space<hbm>> -> memref<128x128xf32, #tpu.memory_space<hbm>>
    tpu.wait_dma2 semaphore(%dma_wait3A_819 : memref<!tpu.dma_semaphore, #tpu.memory_space<semaphore_mem>>) src(%dma_wait3A_827 : memref<128x128xf32, #tpu.memory_space<hbm>>) dst(%dma_wait3A_823 : memref<128x128xf32, #tpu.memory_space<vmem>>)
    %dma_start3A_828 = arith.constant 199 : i32
    %dma_start3A_829 = arith.constant 1 : i32
    %dma_start3A_830 = arith.constant 1 : i32
    %dma_start3A_831 = arith.constant 0 : i32
    %dma_start3A_832 = arith.constant 0 : i32
    %dma_start3A_833 = tpu.memref_slice %arg6[%dma_start3A_829, %dma_start3A_831, %dma_start3A_832] : memref<6x128x128xf32, #tpu.memory_space<vmem>> -> memref<1x128x128xf32, #tpu.memory_space<vmem>>
    %dma_start3A_834 = tpu.memref_squeeze %dma_start3A_833 : memref<1x128x128xf32, #tpu.memory_space<vmem>> -> memref<128x128xf32, #tpu.memory_space<vmem>>
    %dma_start3A_835 = arith.constant 0 : i32
    %dma_start3A_836 = tpu.memref_slice %arg5[%dma_start3A_828, %dma_start3A_835] : memref<200x128xi32, #tpu.memory_space<vmem>> -> memref<1x128xi32, #tpu.memory_space<vmem>>
    %dma_start3A_837 = tpu.memref_squeeze %dma_start3A_836 : memref<1x128xi32, #tpu.memory_space<vmem>> -> memref<128xi32, #tpu.memory_space<vmem>>
    %dma_start3A_838 = arith.constant 0 : i32
    %dma_start3A_839 = arith.constant 0 : i32
    %dma_start3A_840 = tpu.memref_slice %arg3[%dma_start3A_838, %dma_start3A_839] : memref<100000x128xf32, #tpu.memory_space<hbm>> -> memref<100000x128xf32, #tpu.memory_space<hbm>>
    %dma_start3A_841 = tpu.memref_slice %arg7[%dma_start3A_830] : memref<6x!tpu.dma_semaphore, #tpu.memory_space<semaphore_mem>> -> memref<1x!tpu.dma_semaphore, #tpu.memory_space<semaphore_mem>>
    %dma_start3A_842 = tpu.memref_squeeze %dma_start3A_841 : memref<1x!tpu.dma_semaphore, #tpu.memory_space<semaphore_mem>> -> memref<!tpu.dma_semaphore, #tpu.memory_space<semaphore_mem>>
    tpu.enqueue_indirect_dma source(%dma_start3A_840 : memref<100000x128xf32, #tpu.memory_space<hbm>>) target(%dma_start3A_834 : memref<128x128xf32, #tpu.memory_space<vmem>>) offsets(%dma_start3A_837 : memref<128xi32, #tpu.memory_space<vmem>>) semaphore(%dma_start3A_842 : memref<!tpu.dma_semaphore, #tpu.memory_space<semaphore_mem>>)
    %dma_wait3A_843 = arith.constant 0 : i32
    %dma_wait3A_844 = arith.constant 5 : i32
    %dma_wait3A_845 = arith.constant 5 : i32
    %dma_wait3A_846 = arith.constant 0 : i32
    %dma_wait3A_847 = arith.constant 0 : i32
    %dma_wait3A_848 = tpu.memref_slice %arg6[%dma_wait3A_844, %dma_wait3A_846, %dma_wait3A_847] : memref<6x128x128xf32, #tpu.memory_space<vmem>> -> memref<1x128x128xf32, #tpu.memory_space<vmem>>
    %dma_wait3A_849 = tpu.memref_squeeze %dma_wait3A_848 : memref<1x128x128xf32, #tpu.memory_space<vmem>> -> memref<128x128xf32, #tpu.memory_space<vmem>>
    %dma_wait3A_850 = arith.constant 0 : i32
    %dma_wait3A_851 = arith.constant 0 : i32
    %dma_wait3A_852 = tpu.memref_slice %arg4[%add3A, %dma_wait3A_843, %dma_wait3A_850, %dma_wait3A_851] : memref<32x200x128x128xf32, #tpu.memory_space<hbm>> -> memref<1x1x128x128xf32, #tpu.memory_space<hbm>>
    %dma_wait3A_853 = tpu.memref_squeeze %dma_wait3A_852 : memref<1x1x128x128xf32, #tpu.memory_space<hbm>> -> memref<128x128xf32, #tpu.memory_space<hbm>>
    %dma_wait3A_854 = tpu.memref_slice %arg7[%dma_wait3A_845] : memref<6x!tpu.dma_semaphore, #tpu.memory_space<semaphore_mem>> -> memref<1x!tpu.dma_semaphore, #tpu.memory_space<semaphore_mem>>
    %dma_wait3A_855 = tpu.memref_squeeze %dma_wait3A_854 : memref<1x!tpu.dma_semaphore, #tpu.memory_space<semaphore_mem>> -> memref<!tpu.dma_semaphore, #tpu.memory_space<semaphore_mem>>
    %dma_wait3A_856 = arith.constant 0 : i32
    %dma_wait3A_857 = arith.constant 0 : i32
    %dma_wait3A_858 = tpu.memref_slice %arg6[%dma_wait3A_844, %dma_wait3A_856, %dma_wait3A_857] : memref<6x128x128xf32, #tpu.memory_space<vmem>> -> memref<1x128x128xf32, #tpu.memory_space<vmem>>
    %dma_wait3A_859 = tpu.memref_squeeze %dma_wait3A_858 : memref<1x128x128xf32, #tpu.memory_space<vmem>> -> memref<128x128xf32, #tpu.memory_space<vmem>>
    %dma_wait3A_860 = arith.constant 0 : i32
    %dma_wait3A_861 = arith.constant 0 : i32
    %dma_wait3A_862 = tpu.memref_slice %arg4[%add3A, %dma_wait3A_843, %dma_wait3A_860, %dma_wait3A_861] : memref<32x200x128x128xf32, #tpu.memory_space<hbm>> -> memref<1x1x128x128xf32, #tpu.memory_space<hbm>>
    %dma_wait3A_863 = tpu.memref_squeeze %dma_wait3A_862 : memref<1x1x128x128xf32, #tpu.memory_space<hbm>> -> memref<128x128xf32, #tpu.memory_space<hbm>>
    tpu.wait_dma2 semaphore(%dma_wait3A_855 : memref<!tpu.dma_semaphore, #tpu.memory_space<semaphore_mem>>) src(%dma_wait3A_863 : memref<128x128xf32, #tpu.memory_space<hbm>>) dst(%dma_wait3A_859 : memref<128x128xf32, #tpu.memory_space<vmem>>)
    %dma_start3A_864 = arith.constant 5 : i32
    %dma_start3A_865 = arith.constant 197 : i32
    %dma_start3A_866 = arith.constant 5 : i32
    %dma_start3A_867 = arith.constant 0 : i32
    %dma_start3A_868 = arith.constant 0 : i32
    %dma_start3A_869 = tpu.memref_slice %arg6[%dma_start3A_864, %dma_start3A_867, %dma_start3A_868] : memref<6x128x128xf32, #tpu.memory_space<vmem>> -> memref<1x128x128xf32, #tpu.memory_space<vmem>>
    %dma_start3A_870 = tpu.memref_squeeze %dma_start3A_869 : memref<1x128x128xf32, #tpu.memory_space<vmem>> -> memref<128x128xf32, #tpu.memory_space<vmem>>
    %dma_start3A_871 = arith.constant 0 : i32
    %dma_start3A_872 = arith.constant 0 : i32
    %dma_start3A_873 = tpu.memref_slice %arg4[%add3A, %dma_start3A_865, %dma_start3A_871, %dma_start3A_872] : memref<32x200x128x128xf32, #tpu.memory_space<hbm>> -> memref<1x1x128x128xf32, #tpu.memory_space<hbm>>
    %dma_start3A_874 = tpu.memref_squeeze %dma_start3A_873 : memref<1x1x128x128xf32, #tpu.memory_space<hbm>> -> memref<128x128xf32, #tpu.memory_space<hbm>>
    %dma_start3A_875 = tpu.memref_slice %arg8[%dma_start3A_866] : memref<6x!tpu.dma_semaphore, #tpu.memory_space<semaphore_mem>> -> memref<1x!tpu.dma_semaphore, #tpu.memory_space<semaphore_mem>>
    %dma_start3A_876 = tpu.memref_squeeze %dma_start3A_875 : memref<1x!tpu.dma_semaphore, #tpu.memory_space<semaphore_mem>> -> memref<!tpu.dma_semaphore, #tpu.memory_space<semaphore_mem>>
    %dma_start3A_877 = arith.constant 0 : i32
    %dma_start3A_878 = arith.constant 0 : i32
    %dma_start3A_879 = tpu.memref_slice %arg4[%add3A, %dma_start3A_865, %dma_start3A_877, %dma_start3A_878] : memref<32x200x128x128xf32, #tpu.memory_space<hbm>> -> memref<1x1x128x128xf32, #tpu.memory_space<hbm>>
    %dma_start3A_880 = tpu.memref_squeeze %dma_start3A_879 : memref<1x1x128x128xf32, #tpu.memory_space<hbm>> -> memref<128x128xf32, #tpu.memory_space<hbm>>
    %dma_start3A_881 = arith.constant 0 : i32
    %dma_start3A_882 = arith.constant 0 : i32
    %dma_start3A_883 = tpu.memref_slice %arg6[%dma_start3A_864, %dma_start3A_881, %dma_start3A_882] : memref<6x128x128xf32, #tpu.memory_space<vmem>> -> memref<1x128x128xf32, #tpu.memory_space<vmem>>
    %dma_start3A_884 = tpu.memref_squeeze %dma_start3A_883 : memref<1x128x128xf32, #tpu.memory_space<vmem>> -> memref<128x128xf32, #tpu.memory_space<vmem>>
    tpu.enqueue_dma source(%dma_start3A_884 : memref<128x128xf32, #tpu.memory_space<vmem>>) target(%dma_start3A_880 : memref<128x128xf32, #tpu.memory_space<hbm>>) target_semaphore(%dma_start3A_876 : memref<!tpu.dma_semaphore, #tpu.memory_space<semaphore_mem>>)
    %dma_wait3A_885 = arith.constant 0 : i32
    %dma_wait3A_886 = arith.constant 2 : i32
    %dma_wait3A_887 = arith.constant 2 : i32
    %dma_wait3A_888 = arith.constant 0 : i32
    %dma_wait3A_889 = arith.constant 0 : i32
    %dma_wait3A_890 = tpu.memref_slice %arg6[%dma_wait3A_886, %dma_wait3A_888, %dma_wait3A_889] : memref<6x128x128xf32, #tpu.memory_space<vmem>> -> memref<1x128x128xf32, #tpu.memory_space<vmem>>
    %dma_wait3A_891 = tpu.memref_squeeze %dma_wait3A_890 : memref<1x128x128xf32, #tpu.memory_space<vmem>> -> memref<128x128xf32, #tpu.memory_space<vmem>>
    %dma_wait3A_892 = arith.constant 0 : i32
    %dma_wait3A_893 = arith.constant 0 : i32
    %dma_wait3A_894 = tpu.memref_slice %arg4[%add3A, %dma_wait3A_885, %dma_wait3A_892, %dma_wait3A_893] : memref<32x200x128x128xf32, #tpu.memory_space<hbm>> -> memref<1x1x128x128xf32, #tpu.memory_space<hbm>>
    %dma_wait3A_895 = tpu.memref_squeeze %dma_wait3A_894 : memref<1x1x128x128xf32, #tpu.memory_space<hbm>> -> memref<128x128xf32, #tpu.memory_space<hbm>>
    %dma_wait3A_896 = tpu.memref_slice %arg8[%dma_wait3A_887] : memref<6x!tpu.dma_semaphore, #tpu.memory_space<semaphore_mem>> -> memref<1x!tpu.dma_semaphore, #tpu.memory_space<semaphore_mem>>
    %dma_wait3A_897 = tpu.memref_squeeze %dma_wait3A_896 : memref<1x!tpu.dma_semaphore, #tpu.memory_space<semaphore_mem>> -> memref<!tpu.dma_semaphore, #tpu.memory_space<semaphore_mem>>
    %dma_wait3A_898 = arith.constant 0 : i32
    %dma_wait3A_899 = arith.constant 0 : i32
    %dma_wait3A_900 = tpu.memref_slice %arg6[%dma_wait3A_886, %dma_wait3A_898, %dma_wait3A_899] : memref<6x128x128xf32, #tpu.memory_space<vmem>> -> memref<1x128x128xf32, #tpu.memory_space<vmem>>
    %dma_wait3A_901 = tpu.memref_squeeze %dma_wait3A_900 : memref<1x128x128xf32, #tpu.memory_space<vmem>> -> memref<128x128xf32, #tpu.memory_space<vmem>>
    %dma_wait3A_902 = arith.constant 0 : i32
    %dma_wait3A_903 = arith.constant 0 : i32
    %dma_wait3A_904 = tpu.memref_slice %arg4[%add3A, %dma_wait3A_885, %dma_wait3A_902, %dma_wait3A_903] : memref<32x200x128x128xf32, #tpu.memory_space<hbm>> -> memref<1x1x128x128xf32, #tpu.memory_space<hbm>>
    %dma_wait3A_905 = tpu.memref_squeeze %dma_wait3A_904 : memref<1x1x128x128xf32, #tpu.memory_space<hbm>> -> memref<128x128xf32, #tpu.memory_space<hbm>>
    tpu.wait_dma2 semaphore(%dma_wait3A_897 : memref<!tpu.dma_semaphore, #tpu.memory_space<semaphore_mem>>) src(%dma_wait3A_905 : memref<128x128xf32, #tpu.memory_space<hbm>>) dst(%dma_wait3A_901 : memref<128x128xf32, #tpu.memory_space<vmem>>)
    %dma_wait3A_906 = arith.constant 0 : i32
    %dma_wait3A_907 = arith.constant 0 : i32
    %dma_wait3A_908 = arith.constant 0 : i32
    %dma_wait3A_909 = arith.constant 0 : i32
    %dma_wait3A_910 = arith.constant 0 : i32
    %dma_wait3A_911 = tpu.memref_slice %arg6[%dma_wait3A_907, %dma_wait3A_909, %dma_wait3A_910] : memref<6x128x128xf32, #tpu.memory_space<vmem>> -> memref<1x128x128xf32, #tpu.memory_space<vmem>>
    %dma_wait3A_912 = tpu.memref_squeeze %dma_wait3A_911 : memref<1x128x128xf32, #tpu.memory_space<vmem>> -> memref<128x128xf32, #tpu.memory_space<vmem>>
    %dma_wait3A_913 = arith.constant 0 : i32
    %dma_wait3A_914 = arith.constant 0 : i32
    %dma_wait3A_915 = tpu.memref_slice %arg4[%add3A, %dma_wait3A_906, %dma_wait3A_913, %dma_wait3A_914] : memref<32x200x128x128xf32, #tpu.memory_space<hbm>> -> memref<1x1x128x128xf32, #tpu.memory_space<hbm>>
    %dma_wait3A_916 = tpu.memref_squeeze %dma_wait3A_915 : memref<1x1x128x128xf32, #tpu.memory_space<hbm>> -> memref<128x128xf32, #tpu.memory_space<hbm>>
    %dma_wait3A_917 = tpu.memref_slice %arg7[%dma_wait3A_908] : memref<6x!tpu.dma_semaphore, #tpu.memory_space<semaphore_mem>> -> memref<1x!tpu.dma_semaphore, #tpu.memory_space<semaphore_mem>>
    %dma_wait3A_918 = tpu.memref_squeeze %dma_wait3A_917 : memref<1x!tpu.dma_semaphore, #tpu.memory_space<semaphore_mem>> -> memref<!tpu.dma_semaphore, #tpu.memory_space<semaphore_mem>>
    %dma_wait3A_919 = arith.constant 0 : i32
    %dma_wait3A_920 = arith.constant 0 : i32
    %dma_wait3A_921 = tpu.memref_slice %arg6[%dma_wait3A_907, %dma_wait3A_919, %dma_wait3A_920] : memref<6x128x128xf32, #tpu.memory_space<vmem>> -> memref<1x128x128xf32, #tpu.memory_space<vmem>>
    %dma_wait3A_922 = tpu.memref_squeeze %dma_wait3A_921 : memref<1x128x128xf32, #tpu.memory_space<vmem>> -> memref<128x128xf32, #tpu.memory_space<vmem>>
    %dma_wait3A_923 = arith.constant 0 : i32
    %dma_wait3A_924 = arith.constant 0 : i32
    %dma_wait3A_925 = tpu.memref_slice %arg4[%add3A, %dma_wait3A_906, %dma_wait3A_923, %dma_wait3A_924] : memref<32x200x128x128xf32, #tpu.memory_space<hbm>> -> memref<1x1x128x128xf32, #tpu.memory_space<hbm>>
    %dma_wait3A_926 = tpu.memref_squeeze %dma_wait3A_925 : memref<1x1x128x128xf32, #tpu.memory_space<hbm>> -> memref<128x128xf32, #tpu.memory_space<hbm>>
    tpu.wait_dma2 semaphore(%dma_wait3A_918 : memref<!tpu.dma_semaphore, #tpu.memory_space<semaphore_mem>>) src(%dma_wait3A_926 : memref<128x128xf32, #tpu.memory_space<hbm>>) dst(%dma_wait3A_922 : memref<128x128xf32, #tpu.memory_space<vmem>>)
    %dma_start3A_927 = arith.constant 0 : i32
    %dma_start3A_928 = arith.constant 198 : i32
    %dma_start3A_929 = arith.constant 0 : i32
    %dma_start3A_930 = arith.constant 0 : i32
    %dma_start3A_931 = arith.constant 0 : i32
    %dma_start3A_932 = tpu.memref_slice %arg6[%dma_start3A_927, %dma_start3A_930, %dma_start3A_931] : memref<6x128x128xf32, #tpu.memory_space<vmem>> -> memref<1x128x128xf32, #tpu.memory_space<vmem>>
    %dma_start3A_933 = tpu.memref_squeeze %dma_start3A_932 : memref<1x128x128xf32, #tpu.memory_space<vmem>> -> memref<128x128xf32, #tpu.memory_space<vmem>>
    %dma_start3A_934 = arith.constant 0 : i32
    %dma_start3A_935 = arith.constant 0 : i32
    %dma_start3A_936 = tpu.memref_slice %arg4[%add3A, %dma_start3A_928, %dma_start3A_934, %dma_start3A_935] : memref<32x200x128x128xf32, #tpu.memory_space<hbm>> -> memref<1x1x128x128xf32, #tpu.memory_space<hbm>>
    %dma_start3A_937 = tpu.memref_squeeze %dma_start3A_936 : memref<1x1x128x128xf32, #tpu.memory_space<hbm>> -> memref<128x128xf32, #tpu.memory_space<hbm>>
    %dma_start3A_938 = tpu.memref_slice %arg8[%dma_start3A_929] : memref<6x!tpu.dma_semaphore, #tpu.memory_space<semaphore_mem>> -> memref<1x!tpu.dma_semaphore, #tpu.memory_space<semaphore_mem>>
    %dma_start3A_939 = tpu.memref_squeeze %dma_start3A_938 : memref<1x!tpu.dma_semaphore, #tpu.memory_space<semaphore_mem>> -> memref<!tpu.dma_semaphore, #tpu.memory_space<semaphore_mem>>
    %dma_start3A_940 = arith.constant 0 : i32
    %dma_start3A_941 = arith.constant 0 : i32
    %dma_start3A_942 = tpu.memref_slice %arg4[%add3A, %dma_start3A_928, %dma_start3A_940, %dma_start3A_941] : memref<32x200x128x128xf32, #tpu.memory_space<hbm>> -> memref<1x1x128x128xf32, #tpu.memory_space<hbm>>
    %dma_start3A_943 = tpu.memref_squeeze %dma_start3A_942 : memref<1x1x128x128xf32, #tpu.memory_space<hbm>> -> memref<128x128xf32, #tpu.memory_space<hbm>>
    %dma_start3A_944 = arith.constant 0 : i32
    %dma_start3A_945 = arith.constant 0 : i32
    %dma_start3A_946 = tpu.memref_slice %arg6[%dma_start3A_927, %dma_start3A_944, %dma_start3A_945] : memref<6x128x128xf32, #tpu.memory_space<vmem>> -> memref<1x128x128xf32, #tpu.memory_space<vmem>>
    %dma_start3A_947 = tpu.memref_squeeze %dma_start3A_946 : memref<1x128x128xf32, #tpu.memory_space<vmem>> -> memref<128x128xf32, #tpu.memory_space<vmem>>
    tpu.enqueue_dma source(%dma_start3A_947 : memref<128x128xf32, #tpu.memory_space<vmem>>) target(%dma_start3A_943 : memref<128x128xf32, #tpu.memory_space<hbm>>) target_semaphore(%dma_start3A_939 : memref<!tpu.dma_semaphore, #tpu.memory_space<semaphore_mem>>)
    %dma_wait3A_948 = arith.constant 0 : i32
    %dma_wait3A_949 = arith.constant 3 : i32
    %dma_wait3A_950 = arith.constant 3 : i32
    %dma_wait3A_951 = arith.constant 0 : i32
    %dma_wait3A_952 = arith.constant 0 : i32
    %dma_wait3A_953 = tpu.memref_slice %arg6[%dma_wait3A_949, %dma_wait3A_951, %dma_wait3A_952] : memref<6x128x128xf32, #tpu.memory_space<vmem>> -> memref<1x128x128xf32, #tpu.memory_space<vmem>>
    %dma_wait3A_954 = tpu.memref_squeeze %dma_wait3A_953 : memref<1x128x128xf32, #tpu.memory_space<vmem>> -> memref<128x128xf32, #tpu.memory_space<vmem>>
    %dma_wait3A_955 = arith.constant 0 : i32
    %dma_wait3A_956 = arith.constant 0 : i32
    %dma_wait3A_957 = tpu.memref_slice %arg4[%add3A, %dma_wait3A_948, %dma_wait3A_955, %dma_wait3A_956] : memref<32x200x128x128xf32, #tpu.memory_space<hbm>> -> memref<1x1x128x128xf32, #tpu.memory_space<hbm>>
    %dma_wait3A_958 = tpu.memref_squeeze %dma_wait3A_957 : memref<1x1x128x128xf32, #tpu.memory_space<hbm>> -> memref<128x128xf32, #tpu.memory_space<hbm>>
    %dma_wait3A_959 = tpu.memref_slice %arg8[%dma_wait3A_950] : memref<6x!tpu.dma_semaphore, #tpu.memory_space<semaphore_mem>> -> memref<1x!tpu.dma_semaphore, #tpu.memory_space<semaphore_mem>>
    %dma_wait3A_960 = tpu.memref_squeeze %dma_wait3A_959 : memref<1x!tpu.dma_semaphore, #tpu.memory_space<semaphore_mem>> -> memref<!tpu.dma_semaphore, #tpu.memory_space<semaphore_mem>>
    %dma_wait3A_961 = arith.constant 0 : i32
    %dma_wait3A_962 = arith.constant 0 : i32
    %dma_wait3A_963 = tpu.memref_slice %arg6[%dma_wait3A_949, %dma_wait3A_961, %dma_wait3A_962] : memref<6x128x128xf32, #tpu.memory_space<vmem>> -> memref<1x128x128xf32, #tpu.memory_space<vmem>>
    %dma_wait3A_964 = tpu.memref_squeeze %dma_wait3A_963 : memref<1x128x128xf32, #tpu.memory_space<vmem>> -> memref<128x128xf32, #tpu.memory_space<vmem>>
    %dma_wait3A_965 = arith.constant 0 : i32
    %dma_wait3A_966 = arith.constant 0 : i32
    %dma_wait3A_967 = tpu.memref_slice %arg4[%add3A, %dma_wait3A_948, %dma_wait3A_965, %dma_wait3A_966] : memref<32x200x128x128xf32, #tpu.memory_space<hbm>> -> memref<1x1x128x128xf32, #tpu.memory_space<hbm>>
    %dma_wait3A_968 = tpu.memref_squeeze %dma_wait3A_967 : memref<1x1x128x128xf32, #tpu.memory_space<hbm>> -> memref<128x128xf32, #tpu.memory_space<hbm>>
    tpu.wait_dma2 semaphore(%dma_wait3A_960 : memref<!tpu.dma_semaphore, #tpu.memory_space<semaphore_mem>>) src(%dma_wait3A_968 : memref<128x128xf32, #tpu.memory_space<hbm>>) dst(%dma_wait3A_964 : memref<128x128xf32, #tpu.memory_space<vmem>>)
    %dma_wait3A_969 = arith.constant 0 : i32
    %dma_wait3A_970 = arith.constant 1 : i32
    %dma_wait3A_971 = arith.constant 1 : i32
    %dma_wait3A_972 = arith.constant 0 : i32
    %dma_wait3A_973 = arith.constant 0 : i32
    %dma_wait3A_974 = tpu.memref_slice %arg6[%dma_wait3A_970, %dma_wait3A_972, %dma_wait3A_973] : memref<6x128x128xf32, #tpu.memory_space<vmem>> -> memref<1x128x128xf32, #tpu.memory_space<vmem>>
    %dma_wait3A_975 = tpu.memref_squeeze %dma_wait3A_974 : memref<1x128x128xf32, #tpu.memory_space<vmem>> -> memref<128x128xf32, #tpu.memory_space<vmem>>
    %dma_wait3A_976 = arith.constant 0 : i32
    %dma_wait3A_977 = arith.constant 0 : i32
    %dma_wait3A_978 = tpu.memref_slice %arg4[%add3A, %dma_wait3A_969, %dma_wait3A_976, %dma_wait3A_977] : memref<32x200x128x128xf32, #tpu.memory_space<hbm>> -> memref<1x1x128x128xf32, #tpu.memory_space<hbm>>
    %dma_wait3A_979 = tpu.memref_squeeze %dma_wait3A_978 : memref<1x1x128x128xf32, #tpu.memory_space<hbm>> -> memref<128x128xf32, #tpu.memory_space<hbm>>
    %dma_wait3A_980 = tpu.memref_slice %arg7[%dma_wait3A_971] : memref<6x!tpu.dma_semaphore, #tpu.memory_space<semaphore_mem>> -> memref<1x!tpu.dma_semaphore, #tpu.memory_space<semaphore_mem>>
    %dma_wait3A_981 = tpu.memref_squeeze %dma_wait3A_980 : memref<1x!tpu.dma_semaphore, #tpu.memory_space<semaphore_mem>> -> memref<!tpu.dma_semaphore, #tpu.memory_space<semaphore_mem>>
    %dma_wait3A_982 = arith.constant 0 : i32
    %dma_wait3A_983 = arith.constant 0 : i32
    %dma_wait3A_984 = tpu.memref_slice %arg6[%dma_wait3A_970, %dma_wait3A_982, %dma_wait3A_983] : memref<6x128x128xf32, #tpu.memory_space<vmem>> -> memref<1x128x128xf32, #tpu.memory_space<vmem>>
    %dma_wait3A_985 = tpu.memref_squeeze %dma_wait3A_984 : memref<1x128x128xf32, #tpu.memory_space<vmem>> -> memref<128x128xf32, #tpu.memory_space<vmem>>
    %dma_wait3A_986 = arith.constant 0 : i32
    %dma_wait3A_987 = arith.constant 0 : i32
    %dma_wait3A_988 = tpu.memref_slice %arg4[%add3A, %dma_wait3A_969, %dma_wait3A_986, %dma_wait3A_987] : memref<32x200x128x128xf32, #tpu.memory_space<hbm>> -> memref<1x1x128x128xf32, #tpu.memory_space<hbm>>
    %dma_wait3A_989 = tpu.memref_squeeze %dma_wait3A_988 : memref<1x1x128x128xf32, #tpu.memory_space<hbm>> -> memref<128x128xf32, #tpu.memory_space<hbm>>
    tpu.wait_dma2 semaphore(%dma_wait3A_981 : memref<!tpu.dma_semaphore, #tpu.memory_space<semaphore_mem>>) src(%dma_wait3A_989 : memref<128x128xf32, #tpu.memory_space<hbm>>) dst(%dma_wait3A_985 : memref<128x128xf32, #tpu.memory_space<vmem>>)
    %dma_start3A_990 = arith.constant 1 : i32
    %dma_start3A_991 = arith.constant 199 : i32
    %dma_start3A_992 = arith.constant 1 : i32
    %dma_start3A_993 = arith.constant 0 : i32
    %dma_start3A_994 = arith.constant 0 : i32
    %dma_start3A_995 = tpu.memref_slice %arg6[%dma_start3A_990, %dma_start3A_993, %dma_start3A_994] : memref<6x128x128xf32, #tpu.memory_space<vmem>> -> memref<1x128x128xf32, #tpu.memory_space<vmem>>
    %dma_start3A_996 = tpu.memref_squeeze %dma_start3A_995 : memref<1x128x128xf32, #tpu.memory_space<vmem>> -> memref<128x128xf32, #tpu.memory_space<vmem>>
    %dma_start3A_997 = arith.constant 0 : i32
    %dma_start3A_998 = arith.constant 0 : i32
    %dma_start3A_999 = tpu.memref_slice %arg4[%add3A, %dma_start3A_991, %dma_start3A_997, %dma_start3A_998] : memref<32x200x128x128xf32, #tpu.memory_space<hbm>> -> memref<1x1x128x128xf32, #tpu.memory_space<hbm>>
    %dma_start3A_1000 = tpu.memref_squeeze %dma_start3A_999 : memref<1x1x128x128xf32, #tpu.memory_space<hbm>> -> memref<128x128xf32, #tpu.memory_space<hbm>>
    %dma_start3A_1001 = tpu.memref_slice %arg8[%dma_start3A_992] : memref<6x!tpu.dma_semaphore, #tpu.memory_space<semaphore_mem>> -> memref<1x!tpu.dma_semaphore, #tpu.memory_space<semaphore_mem>>
    %dma_start3A_1002 = tpu.memref_squeeze %dma_start3A_1001 : memref<1x!tpu.dma_semaphore, #tpu.memory_space<semaphore_mem>> -> memref<!tpu.dma_semaphore, #tpu.memory_space<semaphore_mem>>
    %dma_start3A_1003 = arith.constant 0 : i32
    %dma_start3A_1004 = arith.constant 0 : i32
    %dma_start3A_1005 = tpu.memref_slice %arg4[%add3A, %dma_start3A_991, %dma_start3A_1003, %dma_start3A_1004] : memref<32x200x128x128xf32, #tpu.memory_space<hbm>> -> memref<1x1x128x128xf32, #tpu.memory_space<hbm>>
    %dma_start3A_1006 = tpu.memref_squeeze %dma_start3A_1005 : memref<1x1x128x128xf32, #tpu.memory_space<hbm>> -> memref<128x128xf32, #tpu.memory_space<hbm>>
    %dma_start3A_1007 = arith.constant 0 : i32
    %dma_start3A_1008 = arith.constant 0 : i32
    %dma_start3A_1009 = tpu.memref_slice %arg6[%dma_start3A_990, %dma_start3A_1007, %dma_start3A_1008] : memref<6x128x128xf32, #tpu.memory_space<vmem>> -> memref<1x128x128xf32, #tpu.memory_space<vmem>>
    %dma_start3A_1010 = tpu.memref_squeeze %dma_start3A_1009 : memref<1x128x128xf32, #tpu.memory_space<vmem>> -> memref<128x128xf32, #tpu.memory_space<vmem>>
    tpu.enqueue_dma source(%dma_start3A_1010 : memref<128x128xf32, #tpu.memory_space<vmem>>) target(%dma_start3A_1006 : memref<128x128xf32, #tpu.memory_space<hbm>>) target_semaphore(%dma_start3A_1002 : memref<!tpu.dma_semaphore, #tpu.memory_space<semaphore_mem>>)
    %dma_wait3A_1011 = arith.constant 0 : i32
    %dma_wait3A_1012 = arith.constant 0 : i32
    %dma_wait3A_1013 = arith.constant 0 : i32
    %dma_wait3A_1014 = arith.constant 0 : i32
    %dma_wait3A_1015 = arith.constant 0 : i32
    %dma_wait3A_1016 = tpu.memref_slice %arg6[%dma_wait3A_1012, %dma_wait3A_1014, %dma_wait3A_1015] : memref<6x128x128xf32, #tpu.memory_space<vmem>> -> memref<1x128x128xf32, #tpu.memory_space<vmem>>
    %dma_wait3A_1017 = tpu.memref_squeeze %dma_wait3A_1016 : memref<1x128x128xf32, #tpu.memory_space<vmem>> -> memref<128x128xf32, #tpu.memory_space<vmem>>
    %dma_wait3A_1018 = arith.constant 0 : i32
    %dma_wait3A_1019 = arith.constant 0 : i32
    %dma_wait3A_1020 = tpu.memref_slice %arg4[%add3A, %dma_wait3A_1011, %dma_wait3A_1018, %dma_wait3A_1019] : memref<32x200x128x128xf32, #tpu.memory_space<hbm>> -> memref<1x1x128x128xf32, #tpu.memory_space<hbm>>
    %dma_wait3A_1021 = tpu.memref_squeeze %dma_wait3A_1020 : memref<1x1x128x128xf32, #tpu.memory_space<hbm>> -> memref<128x128xf32, #tpu.memory_space<hbm>>
    %dma_wait3A_1022 = tpu.memref_slice %arg8[%dma_wait3A_1013] : memref<6x!tpu.dma_semaphore, #tpu.memory_space<semaphore_mem>> -> memref<1x!tpu.dma_semaphore, #tpu.memory_space<semaphore_mem>>
    %dma_wait3A_1023 = tpu.memref_squeeze %dma_wait3A_1022 : memref<1x!tpu.dma_semaphore, #tpu.memory_space<semaphore_mem>> -> memref<!tpu.dma_semaphore, #tpu.memory_space<semaphore_mem>>
    %dma_wait3A_1024 = arith.constant 0 : i32
    %dma_wait3A_1025 = arith.constant 0 : i32
    %dma_wait3A_1026 = tpu.memref_slice %arg6[%dma_wait3A_1012, %dma_wait3A_1024, %dma_wait3A_1025] : memref<6x128x128xf32, #tpu.memory_space<vmem>> -> memref<1x128x128xf32, #tpu.memory_space<vmem>>
    %dma_wait3A_1027 = tpu.memref_squeeze %dma_wait3A_1026 : memref<1x128x128xf32, #tpu.memory_space<vmem>> -> memref<128x128xf32, #tpu.memory_space<vmem>>
    %dma_wait3A_1028 = arith.constant 0 : i32
    %dma_wait3A_1029 = arith.constant 0 : i32
    %dma_wait3A_1030 = tpu.memref_slice %arg4[%add3A, %dma_wait3A_1011, %dma_wait3A_1028, %dma_wait3A_1029] : memref<32x200x128x128xf32, #tpu.memory_space<hbm>> -> memref<1x1x128x128xf32, #tpu.memory_space<hbm>>
    %dma_wait3A_1031 = tpu.memref_squeeze %dma_wait3A_1030 : memref<1x1x128x128xf32, #tpu.memory_space<hbm>> -> memref<128x128xf32, #tpu.memory_space<hbm>>
    tpu.wait_dma2 semaphore(%dma_wait3A_1023 : memref<!tpu.dma_semaphore, #tpu.memory_space<semaphore_mem>>) src(%dma_wait3A_1031 : memref<128x128xf32, #tpu.memory_space<hbm>>) dst(%dma_wait3A_1027 : memref<128x128xf32, #tpu.memory_space<vmem>>)
    %dma_wait3A_1032 = arith.constant 0 : i32
    %dma_wait3A_1033 = arith.constant 1 : i32
    %dma_wait3A_1034 = arith.constant 1 : i32
    %dma_wait3A_1035 = arith.constant 0 : i32
    %dma_wait3A_1036 = arith.constant 0 : i32
    %dma_wait3A_1037 = tpu.memref_slice %arg6[%dma_wait3A_1033, %dma_wait3A_1035, %dma_wait3A_1036] : memref<6x128x128xf32, #tpu.memory_space<vmem>> -> memref<1x128x128xf32, #tpu.memory_space<vmem>>
    %dma_wait3A_1038 = tpu.memref_squeeze %dma_wait3A_1037 : memref<1x128x128xf32, #tpu.memory_space<vmem>> -> memref<128x128xf32, #tpu.memory_space<vmem>>
    %dma_wait3A_1039 = arith.constant 0 : i32
    %dma_wait3A_1040 = arith.constant 0 : i32
    %dma_wait3A_1041 = tpu.memref_slice %arg4[%add3A, %dma_wait3A_1032, %dma_wait3A_1039, %dma_wait3A_1040] : memref<32x200x128x128xf32, #tpu.memory_space<hbm>> -> memref<1x1x128x128xf32, #tpu.memory_space<hbm>>
    %dma_wait3A_1042 = tpu.memref_squeeze %dma_wait3A_1041 : memref<1x1x128x128xf32, #tpu.memory_space<hbm>> -> memref<128x128xf32, #tpu.memory_space<hbm>>
    %dma_wait3A_1043 = tpu.memref_slice %arg8[%dma_wait3A_1034] : memref<6x!tpu.dma_semaphore, #tpu.memory_space<semaphore_mem>> -> memref<1x!tpu.dma_semaphore, #tpu.memory_space<semaphore_mem>>
    %dma_wait3A_1044 = tpu.memref_squeeze %dma_wait3A_1043 : memref<1x!tpu.dma_semaphore, #tpu.memory_space<semaphore_mem>> -> memref<!tpu.dma_semaphore, #tpu.memory_space<semaphore_mem>>
    %dma_wait3A_1045 = arith.constant 0 : i32
    %dma_wait3A_1046 = arith.constant 0 : i32
    %dma_wait3A_1047 = tpu.memref_slice %arg6[%dma_wait3A_1033, %dma_wait3A_1045, %dma_wait3A_1046] : memref<6x128x128xf32, #tpu.memory_space<vmem>> -> memref<1x128x128xf32, #tpu.memory_space<vmem>>
    %dma_wait3A_1048 = tpu.memref_squeeze %dma_wait3A_1047 : memref<1x128x128xf32, #tpu.memory_space<vmem>> -> memref<128x128xf32, #tpu.memory_space<vmem>>
    %dma_wait3A_1049 = arith.constant 0 : i32
    %dma_wait3A_1050 = arith.constant 0 : i32
    %dma_wait3A_1051 = tpu.memref_slice %arg4[%add3A, %dma_wait3A_1032, %dma_wait3A_1049, %dma_wait3A_1050] : memref<32x200x128x128xf32, #tpu.memory_space<hbm>> -> memref<1x1x128x128xf32, #tpu.memory_space<hbm>>
    %dma_wait3A_1052 = tpu.memref_squeeze %dma_wait3A_1051 : memref<1x1x128x128xf32, #tpu.memory_space<hbm>> -> memref<128x128xf32, #tpu.memory_space<hbm>>
    tpu.wait_dma2 semaphore(%dma_wait3A_1044 : memref<!tpu.dma_semaphore, #tpu.memory_space<semaphore_mem>>) src(%dma_wait3A_1052 : memref<128x128xf32, #tpu.memory_space<hbm>>) dst(%dma_wait3A_1048 : memref<128x128xf32, #tpu.memory_space<vmem>>)
    return
  }
}

</mosaic_0001>

<sc_bundles>
// kernel: kernel.3.cloned.1.call-start
scs
__scs_entry_jumppad:
0x0: {  	(pc) =	sbr.rel $0x88, $3  }
0x1: {  	(tag) =	ssettag $0x0;
	lr =	simm.s32 $0x1  }
0x2: {  	[smem:$0x3F9F] =	sst lr;
	_ =	strace $0xD0000000  }
0x3: {  	_ = 	snop  }
0x4: {  	_ = 	snop  }
0x5: {  	_ = 	snop  }
0x6: {  	_ = 	snop  }
0x7: {  	_ = 	snop  }
__scs_overlays_trampoline_lowered:
0x8: {  	[smem:$0x3FAE] =	sst s0  }
0x9: {  	[smem:$0x3FAF] =	sst s1  }
0xa: {  	[smem:$0x3FB0] =	sst s2  }
0xb: {  	[smem:$0x3FB1] =	sst s3  }
0xc: {  	[smem:$0x3FB2] =	sst s4  }
0xd: {  	[smem:$0x3FB3] =	sst s5  }
0xe: {  	[smem:$0x3FB4] =	sst s6  }
0xf: {  	[smem:$0x3FB5] =	sst s7  }
0x10: {  	[smem:$0x3FB6] =	sst s8  }
0x11: {  	[smem:$0x3FB7] =	sst s9;
	s0 =	simm.s32 @!p0 $0x0  }
0x12: {  	s1 =	sld [smem:$0x3F9D];
	s0 =	simm.s32 @p0 $0x1  }
0x13: {  	[smem:$0x3FB8] =	sst s0;
	s0 =	simm.s32 @!p1 $0x0  }
0x14: {  	s2 =	sld [smem:$0x3F9C];
	s0 =	simm.s32 @p1 $0x1  }
0x15: {  	[smem:$0x3FB9] =	sst s0;
	s0 =	simm.s32 @!p2 $0x0  }
0x16: {  	s3 =	sld [smem:$0x3FDB];
	s0 =	simm.s32 @p2 $0x1  }
0x17: {  	s4 =	simm.s32 $0x1BF5;
	[smem:$0x3FBB] =	sst s0  }
0x18: {  	s0 =	sld [smem:$0x3F9E];
	_ =	swait.ge [sflag:s4], $0x0  }
0x19: {  	s7 =	sld [smem:$0x3F9F]  }
0x1a: {  	s8 =	sadd.s32 $0xFFFFE003, lr  }
0x1b: {  	s9 =	sadd.s32 $0xFFFFFEF7, lr;
	s5 =	simm.s32 $0xFFFFFFFF;
	p2 =	slt.u32 s8, $0xFFFFF086  }
0x1c: {  	p1 =	slt.u32 s9, $0xF7A;
	s5 =	simm.s32 @!p2 $0x0  }
0x1d: {  	s5 =	simm.s32 @p1 $0x1;
	p0 =	seq.s32 s7, s2  }
0x1e: {  	s7 =	smul.u32 @!p0 $0xF7A, s2;
	p2 =	seq.s32 @!p0 s5, $0x0  }
0x1f: {  	s9 =	smul.u32 $0xF7A, s1;
	s8 =	simm.s32 @!p0 $0x1BF5;
	p2 =	por !p2, p0  }
0x20: {  	[sflag:s8] =	ssyncset.s32 @!p0 $0xFFFFF086;
	s6 =	sadd.s32 @!p0 s3, s7;
	s7 =	simm.s32 @!p0 $0x108  }
0x21: {  	s3 =	sadd.s32 s3, s9;
	s6 =	sadd.s32 @!p0 $0x88, s6;
	s7 =	simm.s32 @p2 $0x1082  }
0x22: {  	[simem:s7], [sflag:s8] =	dma.local @!p0 [hbm:s6], $0xF7A  }
0x23: {  	s9 =	sor.u32 $0xD0000000, s2;
	s6 =	simm.s32 $0x108;
	_ =	swait.ge @!p0 [sflag:s8], $0x0  }
0x24: {  	s3 =	sadd.s32 $0x88, s3;
	s6 =	simm.s32 @!p1 $0x1082;
	[sflag:s4] =	ssyncset.s32 $0xFFFFF086  }
0x25: {  	[simem:s6], [sflag:s4] =	dma.local [hbm:s3], $0xF7A  }
0x26: {  	[smem:$0x3F9F] =	sst s1;
	(tag) =	ssettag s2;
	_ =	strace s9  }
0x27: {  	s1 =	sld [smem:$0x3FAF]  }
0x28: {  	s2 =	sld [smem:$0x3FB0]  }
0x29: {  	s4 =	sld [smem:$0x3FB2]  }
0x2a: {  	p0 =	seq.s32 s5, $0x0;
	s5 =	sld [smem:$0x3FB3]  }
0x2b: {  	s6 =	sld [smem:$0x3FB4]  }
0x2c: {  	s7 =	sld [smem:$0x3FB5]  }
0x2d: {  	s3 =	simm.s32 $0x108;
	s8 =	sld [smem:$0x3FB6]  }
0x2e: {  	s3 =	simm.s32 @!p0 $0x1082;
	s9 =	sld [smem:$0x3FB7]  }
0x2f: {  	lr =	sadd.s32 s0, s3;
	s0 =	sld [smem:$0x3FAE]  }
0x30: {  	s3 =	sld [smem:$0x3FB1]  }
0x31: {  	[smem:$0x3FBA] =	sst s10  }
0x32: {  	s10 =	sld [smem:$0x3FB8];
	_ =	sdelay $0x3  }
0x33: {  	p0 =	seq.s32 s10, $0x1;
	s10 =	sld [smem:$0x3FBA];
	_ =	sdelay $0x3  }
0x34: {  	[smem:$0x3FBA] =	sst s10  }
0x35: {  	s10 =	sld [smem:$0x3FB9];
	_ =	sdelay $0x3  }
0x36: {  	p1 =	seq.s32 s10, $0x1;
	s10 =	sld [smem:$0x3FBA];
	_ =	sdelay $0x3  }
0x37: {  	[smem:$0x3FBA] =	sst s10  }
0x38: {  	s10 =	sld [smem:$0x3FBB]  }
0x39: {  	_ = 	snop;
	(pc) =	sbr.ind lr, $3  }
0x3a: {  	_ = 	snop  }
0x3b: {  	_ = 	snop  }
0x3c: {  	p2 =	seq.s32 s10, $0x1;
	s10 =	sld [smem:$0x3FBA]  }
0x3d: {  	_ =	shalt  }
0x3e: {  	_ =	shalt  }
0x3f: {  	_ =	shalt  }
0x40: {  	_ =	shalt  }
0x41: {  	_ =	shalt  }
0x42: {  	_ =	shalt  }
0x43: {  	_ =	shalt  }
0x44: {  	_ =	shalt  }
0x45: {  	_ =	shalt  }
0x46: {  	_ =	shalt  }
0x47: {  	_ =	shalt  }
0x48: {  	_ =	shalt  }
0x49: {  	_ =	shalt  }
0x4a: {  	_ =	shalt  }
0x4b: {  	_ =	shalt  }
0x4c: {  	_ =	shalt  }
0x4d: {  	_ =	shalt  }
0x4e: {  	_ =	shalt  }
0x4f: {  	_ =	shalt  }
0x50: {  	_ =	shalt  }
0x51: {  	_ =	shalt  }
0x52: {  	_ =	shalt  }
0x53: {  	_ =	shalt  }
0x54: {  	_ =	shalt  }
0x55: {  	_ =	shalt  }
0x56: {  	_ =	shalt  }
0x57: {  	_ =	shalt  }
0x58: {  	_ =	shalt  }
0x59: {  	_ =	shalt  }
0x5a: {  	_ =	shalt  }
0x5b: {  	_ =	shalt  }
0x5c: {  	_ =	shalt  }
0x5d: {  	_ =	shalt  }
0x5e: {  	_ =	shalt  }
0x5f: {  	_ =	shalt  }
0x60: {  	_ =	shalt  }
0x61: {  	_ =	shalt  }
0x62: {  	_ =	shalt  }
0x63: {  	_ =	shalt  }
0x64: {  	_ =	shalt  }
0x65: {  	_ =	shalt  }
0x66: {  	_ =	shalt  }
0x67: {  	_ =	shalt  }
0x68: {  	_ =	shalt  }
0x69: {  	_ =	shalt  }
0x6a: {  	_ =	shalt  }
0x6b: {  	_ =	shalt  }
0x6c: {  	_ =	shalt  }
0x6d: {  	_ =	shalt  }
0x6e: {  	_ =	shalt  }
0x6f: {  	_ =	shalt  }
0x70: {  	_ =	shalt  }
0x71: {  	_ =	shalt  }
0x72: {  	_ =	shalt  }
0x73: {  	_ =	shalt  }
0x74: {  	_ =	shalt  }
0x75: {  	_ =	shalt  }
0x76: {  	_ =	shalt  }
0x77: {  	_ =	shalt  }
0x78: {  	_ =	shalt  }
0x79: {  	_ =	shalt  }
0x7a: {  	_ =	shalt  }
0x7b: {  	_ =	shalt  }
0x7c: {  	_ =	shalt  }
0x7d: {  	_ =	shalt  }
0x7e: {  	_ =	shalt  }
0x7f: {  	_ =	shalt  }
0x80: {  	_ =	shalt  }
0x81: {  	_ =	shalt  }
0x82: {  	_ =	shalt  }
0x83: {  	_ =	shalt  }
0x84: {  	_ =	shalt  }
0x85: {  	_ =	shalt  }
0x86: {  	_ =	shalt  }
0x87: {  	_ =	shalt  }
.Lfunc_end0:
.L_simem_size_0:
called_computation_lowered:
.L_overlay_start_0:
0x88: {  	s2 =	sld [smem:$0x3FD9]  }
0x89: {  	s3 =	sld [smem:$0x3FFE];
	_ =	sdelay $0x1  }
0x8a: {  	s1 =	srdreg.scid  }
0x8b: {  	s0 =	sand.u32 $0x1, s1  }
0x8c: {  	s17 =	sshll.u32 s0, $0xA;
	s2 =	sadd.s32 s3, s2  }
0x8d: {  	s2 =	sadd.s32 s2, s17  }
0x8e: {  	[smem:$0x3FC6] =	sst s2  }
0x8f: {  	_ = 	snop  }
0x90: {  	s2 =	sld [smem:$0x3FC8]  }
0x91: {  	s18 =	sld [smem:$0x3FD0];
	(tm) =	ssettm $0x1  }
0x92: {  	s4 =	sld [smem:$0x3FFB];
	_ =	sdelay $0x3  }
0x93: {  	_ =	strace s4  }
0x94: {  	s4 =	sld [smem:$0x3FFC];
	_ =	sdelay $0x3  }
0x95: {  	_ =	strace s4  }
0x96: {  	s4 =	sld [smem:$0x3FFD];
	_ =	sdelay $0x3  }
0x97: {  	_ =	strace s4  }
0x98: {  	_ =	strace $0x8FFFFFFF  }
0x99: {  	s19 =	sld [smem:$0x3FDB];
	_ =	sdelay $0x1  }
0x9a: {  	s5 =	simm.s32 $_scs_section_size  }
0x9b: {  	s6 =	simm.s32 $_size__tile_overlayer_lowered;
	s7 =	simm.s32 $_tile_overlayer_lowered  }
0x9c: {  	s22 =	simm.s32 $0x1BFF;
	s21 =	sshll.u32 s7, $0x1;
	s4 =	sadd.s32 s5, s19  }
0x9d: {  	s8 =	simm.s32 $0x0;
	s20 =	sshll.u32 s6, $0x1;
	s6 =	sadd.s32 s21, s4  }
0x9e: {  	[timem:s8], [sflag:s22] =	dma.local [hbm:s6], s20  }
0x9f: {  	_ =	swait.ge [sflag:s22], s20  }
0xa0: {  	s5 =	ssub.s32 $0x0, s20;
	[sflag:s22] =	ssyncset.done $0x0  }
0xa1: {  	[sflag:s22] =	ssyncadd.s32 s5;
	_ =	sdelay $0x1  }
0xa2: {  	s23 =	simm.s32 $0x1B8B  }
0xa3: {  	_ =	swait.ge [sflag:s23], $0x1  }
0xa4: {  	[sflag:s23] =	ssyncset.done $0x0  }
0xa5: {  	s25 =	simm.s32 $0x1B8E;
	s24 =	sld [smem:$0x3FFE];
	[sflag:s23] =	ssyncadd.s32 $0xFFFFFFFF  }
0xa6: {  	s26 =	simm.s32 $execute0_lowered;
	[smem:$0x3FD2] =	sst s25  }
0xa7: {  	s6 =	sshll.u32 s26, $0x1;
	_ =	strace $0x80000046;
	[dreg:$0x1] =	wrdreg $0xFFFFFFFF  }
0xa8: {  	s28 =	simm.s32 $_size_execute0_lowered;
	s4 =	sadd.s32 s4, s6;
	[dreg:$0x0] =	wrdreg $0x0  }
0xa9: {  	s6 =	sshll.u32 s28, $0x1;
	[dreg:$0x2] =	wrdreg s4  }
0xaa: {  	[dreg:$0x3] =	wrdreg s6  }
0xab: {  	[dreg:$0x4] =	wrdreg $0xC0  }
0xac: {  	_ =	task [dreg:s8], $0x5FFFF  }
0xad: {  	[dreg:$0x1] =	wrdreg $0xFFFFFFFF  }
0xae: {  	[dreg:$0x0] =	wrdreg $0x60  }
0xaf: {  	[dreg:$0x2] =	wrdreg s24  }
0xb0: {  	[dreg:$0x3] =	wrdreg s2  }
0xb1: {  	[dreg:$0x4] =	wrdreg s18  }
0xb2: {  	[dreg:$0x5] =	wrdreg $0x9  }
0xb3: {  	_ =	task.clear_ibuf [dreg:s8], $0x6FFFF;
	_ =	strace $0x90000046  }
0xb4: {  	s29 =	simm.s32 $0x9;
	_ =	strace $0x80000048  }
0xb5: {  	_ =	swait.ge [sflag:s29], $0x1  }
0xb6: {  	[sflag:s29] =	ssyncadd.s32 $0xFFFFFFFF  }
0xb7: {  	_ =	strace $0x90000048  }
0xb8: {  	_ =	sfence  }
0xb9: {  	s30 =	sld [smem:$0x0];
	_ =	sdelay $0x2  }
0xba: {  	s31 =	sshll.u32 s1, $0xD;
	s1 =	sshrl.u32 s1, $0x2  }
0xbb: {  	s3 =	sand.u32 $0x4000, s31;
	s1 =	sadd.s32 s1, s30  }
0xbc: {  	s0 =	sor.u32 s3, s0;
	s1 =	sshll.u32 s1, $0x11  }
0xbd: {  	s0 =	sor.u32 s1, s0  }
0xbe: {  	s0 =	sadd.s32 $0x8F2B, s0  }
0xbf: {  	[sflag:s0] =	ssyncadd.remote.s32 $0x1  }
0xc0: {  	_ =	sfence.sel $0xFFFF  }
0xc1: {  	[dreg:$0x0] =	wrdreg $0xFFFFFFFF;
	(pc) =	sbr.abs _section_cstart, $3  }
0xc2: {  	[dreg:$0x1] =	wrdreg $0xFFFFFFFF  }
0xc3: {  	_ =	task.clear_ibuf [dreg:s8], $0x2FFFF;
	_ =	strace $0x9FFFFFFF  }
0xc4: {  	(tm) =	ssettm $0x7FFFFFFF  }
0xc5: {  	_ =	shalt  }
tec
execute0_lowered:
.L_overlay_start_1:
0x0: {  	(tag) =	ssettag $0x1  }
0x1: {  	s1 =	srdreg.scid;
	s9 =	stileid.u32  }
0x2: {  	s1 =	sand.u32 $0x1, s1;
	s3 =	sshll.u32 s9, $0x1  }
0x3: {  	s5 =	sor.u32 s1, s3  }
0x4: {  	s0 =	rddreg [dreg:$0x0];
	s6 =	smul.u32 $0x320000, s5  }
0x5: {  	s2 =	rddreg [dreg:$0x1];
	s5 =	smul.u32 $0xC80, s5  }
0x6: {  	s4 =	rddreg [dreg:$0x2];
	s3 =	simm.s32 $0x0;
	s7 =	ssub.s32 $0x2, s1  }
0x7: {  	[smem:$0x7FF] =	sst s3;
	s8 =	sshrl.u32 s7, $0x1;
	s0 =	sadd.s32 s5, s0  }
0x8: {  	_ =	strace $0x80000047;
	s6 =	sshrl.u32 s6, $0x3;
	s0 =	sadd.s32 $0x400, s0  }
0x9: {  	s5 =	ssub.s32 s7, s8;
	s8 =	sadd.s32 s4, s6;
	[dreg:$0x5] =	wrdreg s0  }
0xa: {  	s25 =	sadd.s32 $0x800, s8;
	[dreg:$0x4] =	wrdreg s8  }
0xb: {  	s26 =	sadd.s32 $0x1000, s8;
	[dreg:$0x6] =	wrdreg s25  }
0xc: {  	s28 =	simm.s32 $0x80;
	s6 =	sadd.s32 $0x1800, s8;
	[dreg:$0x7] =	wrdreg s26  }
0xd: {  	s29 =	simm.s32 $0x6400;
	s7 =	sadd.s32 $0x2000, s8;
	[dreg:$0x8] =	wrdreg s6  }
0xe: {  	s30 =	simm.s32 $0xA400;
	s10 =	sadd.s32 $0x60000, s8;
	[dreg:$0x9] =	wrdreg s7  }
0xf: {  	s31 =	simm.s32 $0x12400;
	s11 =	sadd.s32 $0x60800, s8;
	[dreg:$0xb] =	wrdreg s10  }
0x10: {  	s9 =	smul.u32 $0x640000, s9;
	s12 =	sadd.s32 $0x61000, s8;
	[dreg:$0xc] =	wrdreg s11  }
0x11: {  	s1 =	smul.u32 $0x320000, s1;
	s13 =	sadd.s32 $0x61800, s8;
	[dreg:$0xd] =	wrdreg s12  }
0x12: {  	s14 =	sadd.s32 $0x62000, s8;
	s15 =	sadd.s32 $0x62800, s8;
	[dreg:$0xe] =	wrdreg s13  }
0x13: {  	s0 =	sadd.s32 s1, s9;
	s16 =	sadd.s32 $0x63000, s8;
	[dreg:$0xf] =	wrdreg s14  }
0x14: {  	s9 =	simm.s32 $0x4;
	s6 =	sadd.s32 $0x2800, s8;
	[dreg:$0x10] =	wrdreg s15  }
0x15: {  	[dreg:$0x11] =	wrdreg s16;
	s17 =	sor.u32 $0x1C000, s0;
	s18 =	sor.u32 $0x18000, s0  }
0x16: {  	s19 =	sadd.s32 $0x2C000, s0;
	s22 =	sadd.s32 $0x28000, s0;
	s23 =	sadd.s32 $0x24000, s0  }
0x17: {  	s0 =	sadd.s32 $0x20000, s0;
	s25 =	sadd.s32 $0x63800, s8;
	s26 =	smax.u32 s5, $0x1  }
0x18: {  	s5 =	simm.s32 $0x2;
	s7 =	simm.s32 $0x3;
	s8 =	simm.s32 $0x1A400  }
0x19: {  	s10 =	simm.s32 $0x7;
	s11 =	simm.s32 $0x5;
	s12 =	simm.s32 $0x8  }
0x1a: {  	s13 =	simm.s32 $0x6;
	s14 =	simm.s32 $0x9;
	s15 =	simm.s32 $0xA  }
0x1b: {  	s16 =	simm.s32 $0xB;
	[dreg:$0xa] =	wrdreg s6;
	s1 =	sshrl.u32 s17, $0x3  }
0x1c: {  	s6 =	sshrl.u32 s18, $0x3;
	s21 =	sshrl.u32 s19, $0x3;
	[dreg:$0x18] =	wrdreg s25  }
0x1d: {  	s0 =	sshrl.u32 s0, $0x3;
	[dreg:$0x19] =	wrdreg s26;
	s1 =	sadd.s32 s1, s4  }
0x1e: {  	s17 =	simm.s32 $0xC;
	s20 =	sadd.s32 s6, s4;
	[dreg:$0x12] =	wrdreg s1  }
0x1f: {  	s18 =	simm.s32 $0x0;
	s0 =	sadd.s32 s0, s4;
	[dreg:$0x13] =	wrdreg s20  }
0x20: {  	s6 =	sshrl.u32 s23, $0x3;
	s1 =	sadd.s32 s21, s4;
	[dreg:$0x17] =	wrdreg s0  }
0x21: {  	s24 =	sadd.s32 s6, s4;
	[dreg:$0x14] =	wrdreg s1;
	s1 =	sshrl.u32 s22, $0x3  }
0x22: {  	s0 =	simm.s32 $0x1;
	[dreg:$0x16] =	wrdreg s24;
	s1 =	sadd.s32 s1, s4  }
0x23: {  	s6 =	simm.s32 $0x16400;
	[dreg:$0x15] =	wrdreg s1;
	s1 =	simm.s32 $0xE400  }
.LBB2_1:
0x24: {  	[dreg:$0x1a] =	wrdreg s18  }
0x25: {  	s4 =	rddreg [dreg:$0x5];
	s24 =	simm.s32 $0xD  }
0x26: {  	[tilespmem:s3], [sflag:$0xD] =	stream.linear.gather [hbm4b:s4+s3], $0x6400, $0x38;
	[tilespmem:$0x1E400] =	vst v63  }
0x27: {  	_ =	swait.ge [sflag:s24], $0x6400  }
0x28: {  	[sflag:s24] =	ssyncset.done $0x0  }
0x29: {  	[sflag:s24] =	ssyncadd.s32 $0xFFFF9C00  }
0x2a: {  	[tilespmem:s29], [sflag:$0x1] =	stream.indirect.gather [hbm4b:s2+s28], $0x80, s3, s28, $0xb8;
	[tilespmem:$0x1E400] =	vst v63  }
0x2b: {  	_ = 	snop  }
0x2c: {  	[tilespmem:s30], [sflag:$0x2] =	stream.indirect.gather [hbm4b:s2+s28], $0x80, s28, s28, $0xb8;
	[tilespmem:$0x1E400] =	vst v63  }
0x2d: {  	s25 =	simm.s32 $0x100  }
0x2e: {  	[tilespmem:s1], [sflag:$0x3] =	stream.indirect.gather [hbm4b:s2+s28], $0x80, s25, s28, $0xb8;
	[tilespmem:$0x1E400] =	vst v63  }
0x2f: {  	_ =	swait.ge [sflag:s0], $0x4000  }
0x30: {  	[sflag:s0] =	ssyncset.done $0x0  }
0x31: {  	s26 =	rddreg [dreg:$0x4];
	[sflag:s0] =	ssyncadd.s32 $0xFFFFC000  }
0x32: {  	[hbm4b:s26+s3] =	stream.linear.scatter [tilespmem:s29], [sflag:$0x7], $0x4000, $0x38;
	[tilespmem:$0x1E400] =	vst v63  }
0x33: {  	s18 =	simm.s32 $0x180  }
0x34: {  	[tilespmem:s31], [sflag:$0x4] =	stream.indirect.gather [hbm4b:s2+s28], $0x80, s18, s28, $0xb8;
	[tilespmem:$0x1E400] =	vst v63  }
0x35: {  	_ =	swait.ge [sflag:s5], $0x4000  }
0x36: {  	[sflag:s5] =	ssyncset.done $0x0  }
0x37: {  	s19 =	rddreg [dreg:$0x6];
	[sflag:s5] =	ssyncadd.s32 $0xFFFFC000  }
0x38: {  	[hbm4b:s19+s3] =	stream.linear.scatter [tilespmem:s30], [sflag:$0x8], $0x4000, $0x38;
	[tilespmem:$0x1E400] =	vst v63  }
0x39: {  	s20 =	simm.s32 $0x200  }
0x3a: {  	[tilespmem:s6], [sflag:$0x5] =	stream.indirect.gather [hbm4b:s2+s28], $0x80, s20, s28, $0xb8;
	[tilespmem:$0x1E400] =	vst v63  }
0x3b: {  	_ =	swait.ge [sflag:s7], $0x4000  }
0x3c: {  	[sflag:s7] =	ssyncset.done $0x0  }
0x3d: {  	s21 =	rddreg [dreg:$0x7];
	[sflag:s7] =	ssyncadd.s32 $0xFFFFC000  }
0x3e: {  	[hbm4b:s21+s3] =	stream.linear.scatter [tilespmem:s1], [sflag:$0x9], $0x4000, $0x38;
	[tilespmem:$0x1E400] =	vst v63  }
0x3f: {  	s22 =	simm.s32 $0x280  }
0x40: {  	[tilespmem:s8], [sflag:$0x6] =	stream.indirect.gather [hbm4b:s2+s28], $0x80, s22, s28, $0xb8;
	[tilespmem:$0x1E400] =	vst v63  }
0x41: {  	_ =	swait.ge [sflag:s9], $0x4000  }
0x42: {  	[sflag:s9] =	ssyncset.done $0x0  }
0x43: {  	s23 =	rddreg [dreg:$0x8];
	[sflag:s9] =	ssyncadd.s32 $0xFFFFC000  }
0x44: {  	[hbm4b:s23+s3] =	stream.linear.scatter [tilespmem:s31], [sflag:$0xA], $0x4000, $0x38;
	[tilespmem:$0x1E400] =	vst v63  }
0x45: {  	_ =	swait.ge [sflag:s10], $0x4000  }
0x46: {  	[sflag:s10] =	ssyncset.done $0x0  }
0x47: {  	s24 =	simm.s32 $0x300;
	[sflag:s10] =	ssyncadd.s32 $0xFFFFC000  }
0x48: {  	[tilespmem:s29], [sflag:$0x1] =	stream.indirect.gather [hbm4b:s2+s28], $0x80, s24, s28, $0xb8;
	[tilespmem:$0x1E400] =	vst v63  }
0x49: {  	_ =	swait.ge [sflag:s11], $0x4000  }
0x4a: {  	[sflag:s11] =	ssyncset.done $0x0  }
0x4b: {  	s25 =	rddreg [dreg:$0x9];
	[sflag:s11] =	ssyncadd.s32 $0xFFFFC000  }
0x4c: {  	[hbm4b:s25+s3] =	stream.linear.scatter [tilespmem:s6], [sflag:$0xB], $0x4000, $0x38;
	[tilespmem:$0x1E400] =	vst v63  }
0x4d: {  	_ =	swait.ge [sflag:s12], $0x4000  }
0x4e: {  	[sflag:s12] =	ssyncset.done $0x0  }
0x4f: {  	s26 =	simm.s32 $0x380;
	[sflag:s12] =	ssyncadd.s32 $0xFFFFC000  }
0x50: {  	[tilespmem:s30], [sflag:$0x2] =	stream.indirect.gather [hbm4b:s2+s28], $0x80, s26, s28, $0xb8;
	[tilespmem:$0x1E400] =	vst v63  }
0x51: {  	_ =	swait.ge [sflag:s13], $0x4000  }
0x52: {  	[sflag:s13] =	ssyncset.done $0x0  }
0x53: {  	s18 =	rddreg [dreg:$0xa];
	[sflag:s13] =	ssyncadd.s32 $0xFFFFC000  }
0x54: {  	[hbm4b:s18+s3] =	stream.linear.scatter [tilespmem:s8], [sflag:$0xC], $0x4000, $0x38;
	[tilespmem:$0x1E400] =	vst v63  }
0x55: {  	_ =	swait.ge [sflag:s14], $0x4000  }
0x56: {  	[sflag:s14] =	ssyncset.done $0x0  }
0x57: {  	s19 =	simm.s32 $0x400;
	[sflag:s14] =	ssyncadd.s32 $0xFFFFC000  }
0x58: {  	[tilespmem:s1], [sflag:$0x3] =	stream.indirect.gather [hbm4b:s2+s28], $0x80, s19, s28, $0xb8;
	[tilespmem:$0x1E400] =	vst v63  }
0x59: {  	_ =	swait.ge [sflag:s0], $0x4000  }
0x5a: {  	[sflag:s0] =	ssyncset.done $0x0  }
0x5b: {  	s21 =	rddreg [dreg:$0x13];
	[sflag:s0] =	ssyncadd.s32 $0xFFFFC000  }
0x5c: {  	[hbm4b:s21+s3] =	stream.linear.scatter [tilespmem:s29], [sflag:$0x7], $0x4000, $0x38;
	[tilespmem:$0x1E400] =	vst v63  }
0x5d: {  	_ =	swait.ge [sflag:s15], $0x4000  }
0x5e: {  	[sflag:s15] =	ssyncset.done $0x0  }
0x5f: {  	s20 =	simm.s32 $0x480;
	[sflag:s15] =	ssyncadd.s32 $0xFFFFC000  }
0x60: {  	[tilespmem:s31], [sflag:$0x4] =	stream.indirect.gather [hbm4b:s2+s28], $0x80, s20, s28, $0xb8;
	[tilespmem:$0x1E400] =	vst v63  }
0x61: {  	_ =	swait.ge [sflag:s5], $0x4000  }
0x62: {  	[sflag:s5] =	ssyncset.done $0x0  }
0x63: {  	s20 =	rddreg [dreg:$0x12];
	[sflag:s5] =	ssyncadd.s32 $0xFFFFC000  }
0x64: {  	[hbm4b:s20+s3] =	stream.linear.scatter [tilespmem:s30], [sflag:$0x8], $0x4000, $0x38;
	[tilespmem:$0x1E400] =	vst v63  }
0x65: {  	_ =	swait.ge [sflag:s16], $0x4000  }
0x66: {  	[sflag:s16] =	ssyncset.done $0x0  }
0x67: {  	s22 =	simm.s32 $0x500;
	[sflag:s16] =	ssyncadd.s32 $0xFFFFC000  }
0x68: {  	[tilespmem:s6], [sflag:$0x5] =	stream.indirect.gather [hbm4b:s2+s28], $0x80, s22, s28, $0xb8;
	[tilespmem:$0x1E400] =	vst v63  }
0x69: {  	_ =	swait.ge [sflag:s7], $0x4000  }
0x6a: {  	[sflag:s7] =	ssyncset.done $0x0  }
0x6b: {  	s22 =	rddreg [dreg:$0x17];
	[sflag:s7] =	ssyncadd.s32 $0xFFFFC000  }
0x6c: {  	[hbm4b:s22+s3] =	stream.linear.scatter [tilespmem:s1], [sflag:$0x9], $0x4000, $0x38;
	[tilespmem:$0x1E400] =	vst v63  }
0x6d: {  	_ =	swait.ge [sflag:s17], $0x4000  }
0x6e: {  	[sflag:s17] =	ssyncset.done $0x0  }
0x6f: {  	s23 =	simm.s32 $0x580;
	[sflag:s17] =	ssyncadd.s32 $0xFFFFC000  }
0x70: {  	[tilespmem:s8], [sflag:$0x6] =	stream.indirect.gather [hbm4b:s2+s28], $0x80, s23, s28, $0xb8;
	[tilespmem:$0x1E400] =	vst v63  }
0x71: {  	_ =	swait.ge [sflag:s9], $0x4000  }
0x72: {  	[sflag:s9] =	ssyncset.done $0x0  }
0x73: {  	s24 =	rddreg [dreg:$0x16];
	[sflag:s9] =	ssyncadd.s32 $0xFFFFC000  }
0x74: {  	[hbm4b:s24+s3] =	stream.linear.scatter [tilespmem:s31], [sflag:$0xA], $0x4000, $0x38;
	[tilespmem:$0x1E400] =	vst v63  }
0x75: {  	_ =	swait.ge [sflag:s10], $0x4000  }
0x76: {  	[sflag:s10] =	ssyncset.done $0x0  }
0x77: {  	s25 =	simm.s32 $0x600;
	[sflag:s10] =	ssyncadd.s32 $0xFFFFC000  }
0x78: {  	[tilespmem:s29], [sflag:$0x1] =	stream.indirect.gather [hbm4b:s2+s28], $0x80, s25, s28, $0xb8;
	[tilespmem:$0x1E400] =	vst v63  }
0x79: {  	_ =	swait.ge [sflag:s11], $0x4000  }
0x7a: {  	[sflag:s11] =	ssyncset.done $0x0  }
0x7b: {  	s19 =	rddreg [dreg:$0x15];
	[sflag:s11] =	ssyncadd.s32 $0xFFFFC000  }
0x7c: {  	[hbm4b:s19+s3] =	stream.linear.scatter [tilespmem:s6], [sflag:$0xB], $0x4000, $0x38;
	[tilespmem:$0x1E400] =	vst v63  }
0x7d: {  	_ =	swait.ge [sflag:s12], $0x4000  }
0x7e: {  	s26 =	simm.s32 $0x680;
	[sflag:s12] =	ssyncset.done $0x0  }
0x7f: {  	s21 =	sadd.s32 $0x3000, s21;
	s20 =	sadd.s32 $0x3000, s20;
	[sflag:s12] =	ssyncadd.s32 $0xFFFFC000  }
0x80: {  	[tilespmem:s30], [sflag:$0x2] =	stream.indirect.gather [hbm4b:s2+s28], $0x80, s26, s28, $0xb8;
	[tilespmem:$0x1E400] =	vst v63  }
0x81: {  	s4 =	sadd.s32 $0x3000, s24;
	s25 =	simm.s32 $0xC00;
	_ =	swait.ge [sflag:s13], $0x4000  }
0x82: {  	s26 =	sadd.s32 $0x3000, s22;
	[sflag:s13] =	ssyncset.done $0x0;
	s22 =	rddreg [dreg:$0x14]  }
0x83: {  	s19 =	sadd.s32 $0x3000, s19;
	s18 =	sadd.s32 $0x3000, s22;
	[sflag:s13] =	ssyncadd.s32 $0xFFFFC000  }
.LBB2_2:
0x84: {  	[hbm4b:s22+s3] =	stream.linear.scatter [tilespmem:s8], [sflag:$0xC], $0x4000, $0x38;
	[tilespmem:$0x1E400] =	vst v63  }
0x85: {  	s23 =	smov.u32 s25;
	s22 =	smov.u32 s18  }
0x86: {  	p0 =	sne.s32 s25, $0x16800;
	s25 =	sadd.s32 $0xC00, s25;
	_ =	swait.ge [sflag:s14], $0x4000  }
0x87: {  	s23 =	sshra.s32 s23, $0x2;
	[sflag:s14] =	ssyncset.done $0x0  }
0x88: {  	s24 =	sadd.s32 $0x400, s23;
	[sflag:s14] =	ssyncadd.s32 $0xFFFFC000  }
0x89: {  	[tilespmem:s1], [sflag:$0x3] =	stream.indirect.gather [hbm4b:s2+s28], $0x80, s24, s28, $0xb8;
	[tilespmem:$0x1E400] =	vst v63  }
0x8a: {  	_ =	swait.ge [sflag:s0], $0x4000  }
0x8b: {  	[sflag:s0] =	ssyncset.done $0x0  }
0x8c: {  	[sflag:s0] =	ssyncadd.s32 $0xFFFFC000  }
0x8d: {  	[hbm4b:s21+s3] =	stream.linear.scatter [tilespmem:s29], [sflag:$0x7], $0x4000, $0x38;
	[tilespmem:$0x1E400] =	vst v63  }
0x8e: {  	_ =	swait.ge [sflag:s15], $0x4000  }
0x8f: {  	[sflag:s15] =	ssyncset.done $0x0  }
0x90: {  	s24 =	sadd.s32 $0x480, s23;
	[sflag:s15] =	ssyncadd.s32 $0xFFFFC000  }
0x91: {  	[tilespmem:s31], [sflag:$0x4] =	stream.indirect.gather [hbm4b:s2+s28], $0x80, s24, s28, $0xb8;
	[tilespmem:$0x1E400] =	vst v63  }
0x92: {  	_ =	swait.ge [sflag:s5], $0x4000  }
0x93: {  	[sflag:s5] =	ssyncset.done $0x0  }
0x94: {  	[sflag:s5] =	ssyncadd.s32 $0xFFFFC000  }
0x95: {  	[hbm4b:s20+s3] =	stream.linear.scatter [tilespmem:s30], [sflag:$0x8], $0x4000, $0x38;
	[tilespmem:$0x1E400] =	vst v63  }
0x96: {  	_ =	swait.ge [sflag:s16], $0x4000  }
0x97: {  	[sflag:s16] =	ssyncset.done $0x0  }
0x98: {  	s24 =	sadd.s32 $0x500, s23;
	[sflag:s16] =	ssyncadd.s32 $0xFFFFC000  }
0x99: {  	[tilespmem:s6], [sflag:$0x5] =	stream.indirect.gather [hbm4b:s2+s28], $0x80, s24, s28, $0xb8;
	[tilespmem:$0x1E400] =	vst v63  }
0x9a: {  	_ =	swait.ge [sflag:s7], $0x4000  }
0x9b: {  	[sflag:s7] =	ssyncset.done $0x0  }
0x9c: {  	[sflag:s7] =	ssyncadd.s32 $0xFFFFC000  }
0x9d: {  	[hbm4b:s26+s3] =	stream.linear.scatter [tilespmem:s1], [sflag:$0x9], $0x4000, $0x38;
	[tilespmem:$0x1E400] =	vst v63  }
0x9e: {  	_ =	swait.ge [sflag:s17], $0x4000  }
0x9f: {  	[sflag:s17] =	ssyncset.done $0x0  }
0xa0: {  	s24 =	sadd.s32 $0x580, s23;
	[sflag:s17] =	ssyncadd.s32 $0xFFFFC000  }
0xa1: {  	[tilespmem:s8], [sflag:$0x6] =	stream.indirect.gather [hbm4b:s2+s28], $0x80, s24, s28, $0xb8;
	[tilespmem:$0x1E400] =	vst v63  }
0xa2: {  	_ =	swait.ge [sflag:s9], $0x4000  }
0xa3: {  	[sflag:s9] =	ssyncset.done $0x0  }
0xa4: {  	[sflag:s9] =	ssyncadd.s32 $0xFFFFC000  }
0xa5: {  	[hbm4b:s4+s3] =	stream.linear.scatter [tilespmem:s31], [sflag:$0xA], $0x4000, $0x38;
	[tilespmem:$0x1E400] =	vst v63  }
0xa6: {  	_ =	swait.ge [sflag:s10], $0x4000  }
0xa7: {  	[sflag:s10] =	ssyncset.done $0x0  }
0xa8: {  	s24 =	sadd.s32 $0x600, s23;
	[sflag:s10] =	ssyncadd.s32 $0xFFFFC000  }
0xa9: {  	[tilespmem:s29], [sflag:$0x1] =	stream.indirect.gather [hbm4b:s2+s28], $0x80, s24, s28, $0xb8;
	[tilespmem:$0x1E400] =	vst v63  }
0xaa: {  	_ =	swait.ge [sflag:s11], $0x4000  }
0xab: {  	[sflag:s11] =	ssyncset.done $0x0  }
0xac: {  	[sflag:s11] =	ssyncadd.s32 $0xFFFFC000  }
0xad: {  	[hbm4b:s19+s3] =	stream.linear.scatter [tilespmem:s6], [sflag:$0xB], $0x4000, $0x38;
	[tilespmem:$0x1E400] =	vst v63  }
0xae: {  	_ =	swait.ge [sflag:s12], $0x4000  }
0xaf: {  	[sflag:s12] =	ssyncset.done $0x0  }
.Ltmp0:
0xb0: {  	s23 =	sadd.s32 $0x680, s23;
	[sflag:s12] =	ssyncadd.s32 $0xFFFFC000;
	(pc) =	sbr.rel @p0 .LBB2_2-.Ltmp0, $4  }
0xb1: {  	[tilespmem:s30], [sflag:$0x2] =	stream.indirect.gather [hbm4b:s2+s28], $0x80, s23, s28, $0xb8;
	[tilespmem:$0x1E400] =	vst v63  }
0xb2: {  	s26 =	sadd.s32 $0x3000, s26;
	s4 =	sadd.s32 $0x3000, s4;
	_ =	swait.ge [sflag:s13], $0x4000  }
0xb3: {  	s18 =	sadd.s32 $0x3000, s18;
	s19 =	sadd.s32 $0x3000, s19;
	[sflag:s13] =	ssyncset.done $0x0  }
0xb4: {  	s21 =	sadd.s32 $0x3000, s21;
	s20 =	sadd.s32 $0x3000, s20;
	[sflag:s13] =	ssyncadd.s32 $0xFFFFC000  }
0xb5: {  	[hbm4b:s22+s3] =	stream.linear.scatter [tilespmem:s8], [sflag:$0xC], $0x4000, $0x38;
	[tilespmem:$0x1E400] =	vst v63  }
0xb6: {  	_ =	swait.ge [sflag:s14], $0x4000  }
0xb7: {  	[sflag:s14] =	ssyncset.done $0x0  }
0xb8: {  	s4 =	simm.s32 $0x6100;
	[sflag:s14] =	ssyncadd.s32 $0xFFFFC000  }
0xb9: {  	[tilespmem:s1], [sflag:$0x3] =	stream.indirect.gather [hbm4b:s2+s28], $0x80, s4, s28, $0xb8;
	[tilespmem:$0x1E400] =	vst v63  }
0xba: {  	_ =	swait.ge [sflag:s0], $0x4000  }
0xbb: {  	[sflag:s0] =	ssyncset.done $0x0  }
0xbc: {  	s22 =	rddreg [dreg:$0xb];
	[sflag:s0] =	ssyncadd.s32 $0xFFFFC000  }
0xbd: {  	[hbm4b:s22+s3] =	stream.linear.scatter [tilespmem:s29], [sflag:$0x7], $0x4000, $0x38;
	[tilespmem:$0x1E400] =	vst v63  }
0xbe: {  	_ =	swait.ge [sflag:s15], $0x4000  }
0xbf: {  	[sflag:s15] =	ssyncset.done $0x0  }
0xc0: {  	s23 =	simm.s32 $0x6180;
	[sflag:s15] =	ssyncadd.s32 $0xFFFFC000  }
0xc1: {  	[tilespmem:s31], [sflag:$0x4] =	stream.indirect.gather [hbm4b:s2+s28], $0x80, s23, s28, $0xb8;
	[tilespmem:$0x1E400] =	vst v63  }
0xc2: {  	_ =	swait.ge [sflag:s5], $0x4000  }
0xc3: {  	[sflag:s5] =	ssyncset.done $0x0  }
0xc4: {  	s24 =	rddreg [dreg:$0xc];
	[sflag:s5] =	ssyncadd.s32 $0xFFFFC000  }
0xc5: {  	[hbm4b:s24+s3] =	stream.linear.scatter [tilespmem:s30], [sflag:$0x8], $0x4000, $0x38;
	[tilespmem:$0x1E400] =	vst v63  }
0xc6: {  	_ =	swait.ge [sflag:s16], $0x4000  }
0xc7: {  	[sflag:s16] =	ssyncset.done $0x0  }
0xc8: {  	s25 =	simm.s32 $0x6200;
	[sflag:s16] =	ssyncadd.s32 $0xFFFFC000  }
0xc9: {  	[tilespmem:s6], [sflag:$0x5] =	stream.indirect.gather [hbm4b:s2+s28], $0x80, s25, s28, $0xb8;
	[tilespmem:$0x1E400] =	vst v63  }
0xca: {  	_ =	swait.ge [sflag:s7], $0x4000  }
0xcb: {  	[sflag:s7] =	ssyncset.done $0x0  }
0xcc: {  	s26 =	rddreg [dreg:$0xd];
	[sflag:s7] =	ssyncadd.s32 $0xFFFFC000  }
0xcd: {  	[hbm4b:s26+s3] =	stream.linear.scatter [tilespmem:s1], [sflag:$0x9], $0x4000, $0x38;
	[tilespmem:$0x1E400] =	vst v63  }
0xce: {  	_ =	swait.ge [sflag:s17], $0x4000  }
0xcf: {  	[sflag:s17] =	ssyncset.done $0x0  }
0xd0: {  	s18 =	simm.s32 $0x6280;
	[sflag:s17] =	ssyncadd.s32 $0xFFFFC000  }
0xd1: {  	[tilespmem:s8], [sflag:$0x6] =	stream.indirect.gather [hbm4b:s2+s28], $0x80, s18, s28, $0xb8;
	[tilespmem:$0x1E400] =	vst v63  }
0xd2: {  	_ =	swait.ge [sflag:s9], $0x4000  }
0xd3: {  	[sflag:s9] =	ssyncset.done $0x0  }
0xd4: {  	s19 =	rddreg [dreg:$0xe];
	[sflag:s9] =	ssyncadd.s32 $0xFFFFC000  }
0xd5: {  	[hbm4b:s19+s3] =	stream.linear.scatter [tilespmem:s31], [sflag:$0xA], $0x4000, $0x38;
	[tilespmem:$0x1E400] =	vst v63  }
0xd6: {  	_ =	swait.ge [sflag:s10], $0x4000  }
0xd7: {  	[sflag:s10] =	ssyncset.done $0x0  }
0xd8: {  	s20 =	simm.s32 $0x6300;
	[sflag:s10] =	ssyncadd.s32 $0xFFFFC000  }
0xd9: {  	[tilespmem:s29], [sflag:$0x1] =	stream.indirect.gather [hbm4b:s2+s28], $0x80, s20, s28, $0xb8;
	[tilespmem:$0x1E400] =	vst v63  }
0xda: {  	_ =	swait.ge [sflag:s11], $0x4000  }
0xdb: {  	[sflag:s11] =	ssyncset.done $0x0  }
0xdc: {  	s21 =	rddreg [dreg:$0xf];
	[sflag:s11] =	ssyncadd.s32 $0xFFFFC000  }
0xdd: {  	[hbm4b:s21+s3] =	stream.linear.scatter [tilespmem:s6], [sflag:$0xB], $0x4000, $0x38;
	[tilespmem:$0x1E400] =	vst v63  }
0xde: {  	_ =	swait.ge [sflag:s12], $0x4000  }
0xdf: {  	[sflag:s12] =	ssyncset.done $0x0  }
0xe0: {  	s22 =	simm.s32 $0x6380;
	[sflag:s12] =	ssyncadd.s32 $0xFFFFC000  }
0xe1: {  	[tilespmem:s30], [sflag:$0x2] =	stream.indirect.gather [hbm4b:s2+s28], $0x80, s22, s28, $0xb8;
	[tilespmem:$0x1E400] =	vst v63  }
0xe2: {  	_ =	swait.ge [sflag:s13], $0x4000  }
0xe3: {  	[sflag:s13] =	ssyncset.done $0x0  }
0xe4: {  	s23 =	rddreg [dreg:$0x10];
	[sflag:s13] =	ssyncadd.s32 $0xFFFFC000  }
0xe5: {  	[hbm4b:s23+s3] =	stream.linear.scatter [tilespmem:s8], [sflag:$0xC], $0x4000, $0x38;
	[tilespmem:$0x1E400] =	vst v63  }
0xe6: {  	_ =	swait.ge [sflag:s14], $0x4000  }
0xe7: {  	[sflag:s14] =	ssyncset.done $0x0  }
0xe8: {  	[sflag:s14] =	ssyncadd.s32 $0xFFFFC000  }
0xe9: {  	_ =	swait.ge [sflag:s0], $0x4000  }
0xea: {  	[sflag:s0] =	ssyncset.done $0x0  }
0xeb: {  	s24 =	rddreg [dreg:$0x11];
	[sflag:s0] =	ssyncadd.s32 $0xFFFFC000  }
0xec: {  	[hbm4b:s24+s3] =	stream.linear.scatter [tilespmem:s29], [sflag:$0x7], $0x4000, $0x38;
	[tilespmem:$0x1E400] =	vst v63  }
0xed: {  	_ =	swait.ge [sflag:s15], $0x4000  }
0xee: {  	[sflag:s15] =	ssyncset.done $0x0  }
0xef: {  	[sflag:s15] =	ssyncadd.s32 $0xFFFFC000  }
0xf0: {  	_ =	swait.ge [sflag:s5], $0x4000  }
0xf1: {  	[sflag:s5] =	ssyncset.done $0x0  }
0xf2: {  	s25 =	rddreg [dreg:$0x18];
	[sflag:s5] =	ssyncadd.s32 $0xFFFFC000  }
0xf3: {  	[hbm4b:s25+s3] =	stream.linear.scatter [tilespmem:s30], [sflag:$0x8], $0x4000, $0x38;
	[tilespmem:$0x1E400] =	vst v63  }
0xf4: {  	_ =	swait.ge [sflag:s10], $0x4000  }
0xf5: {  	[sflag:s10] =	ssyncset.done $0x0  }
0xf6: {  	[sflag:s10] =	ssyncadd.s32 $0xFFFFC000  }
0xf7: {  	_ =	swait.ge [sflag:s12], $0x4000  }
0xf8: {  	s18 =	rddreg [dreg:$0x1a]  }
0xf9: {  	s26 =	rddreg [dreg:$0x19];
	s18 =	sadd.s32 $0x1, s18  }
0xfa: {  	p0 =	sne.s32 s18, s26  }
.Ltmp1:
0xfb: {  	_ = 	snop;
	(pc) =	sbr.rel @p0 .LBB2_1-.Ltmp1, $3  }
0xfc: {  	_ =	sdelay $0x1  }
0xfd: {  	[sflag:s12] =	ssyncset.done $0x0  }
0xfe: {  	[sflag:s12] =	ssyncadd.s32 $0xFFFFC000  }
0xff: {  	_ =	sfence.sel $0x180000  }
0x100: {  	[bflag:$0x0] =	sbarrier.arrive $0xFFFF  }
0x101: {  	_ =	strace $0x90000047  }
0x102: {  	s0 =	stileid.u32;
	[bflag:$0x2] =	sbarrier.arrive $0xFFFF  }
0x103: {  	p0 =	sne.s32 s0, $0x0;
	s0 =	rddreg [dreg:$0x3]  }
0x104: {  	s0 =	sadd.s32 @!p0 $0x100000, s0  }
0x105: {  	[sflag:s0] =	ssyncadd.tile.s32 @!p0 $0x1;
	_ =	shalt  }
.Lfunc_end2:
_tile_overlayer_lowered:
.L_overlay_start_2:
0x106: {  	(tag) =	ssettag $0x2  }
0x107: {  	s0 =	rddreg [dreg:$0x0];
	s2 =	stileid.u32  }
0x108: {  	s1 =	rddreg [dreg:$0x1];
	p0 =	sne.s32 s2, $0x0  }
0x109: {  	s3 =	rddreg [dreg:$0x2];
	[bflag:$0x3] =	sbarrier.arrive $0xFFFF;
	s2 =	simm.s32 @!p0 $0x1C0D  }
0x10a: {  	[timem:s3], [sflag:s2] =	dma.local @!p0 [hbm:s0], s1  }
0x10b: {  	s0 =	simm.s32 @!p0 $0xD  }
0x10c: {  	_ =	swait.ge @!p0 [sflag:s0], s1  }
0x10d: {  	s1 =	ssub.s32 @!p0 $0x0, s1;
	[sflag:s0] =	ssyncset.done @!p0 $0x0  }
0x10e: {  	[sflag:s0] =	ssyncadd.s32 @!p0 s1  }
0x10f: {  	[bflag:$0x3] =	sbarrier.arrive $0xFFFF  }
0x110: {  	_ =	shalt  }

</sc_bundles>
